<compile_context>
chip_gen: v7x
topology: tpu7x:2x2x1
jax: 0.10.2.dev20260603
libtpu: 0.0.44.dev20260713+nightly
codegen_flags: <defaults>
</compile_context>

<pallas_src>
import functools

import jax
import jax.numpy as jnp
from jax import lax
from jax.experimental import pallas as pl
from jax.experimental.pallas import tpu as pltpu
from jax.experimental.pallas import tpu_sc as plsc

N_TOKENS = 1000
BATCH = 16384
SEQ_LEN = 200
OUT_COLS = N_TOKENS - 1

_INFO = plsc.get_sparse_core_info()
NUM_CORES = _INFO.num_cores
NUM_SUBCORES = _INFO.num_subcores
LANES = _INFO.num_lanes
NW = NUM_CORES * NUM_SUBCORES

STRIPE = 128
SPW = BATCH // (NW * STRIPE)
SEQ_TILES = SEQ_LEN // 8
HALF0 = 496
HALF1 = OUT_COLS - HALF0
TILE_GROUPS = 8 * STRIPE // LANES


def _bow_body(in_hbm, out_hbm, ina, inb, cnt0, cnt1,
              in_sem_a, in_sem_b, out_sem0, out_sem1):
    wid = lax.axis_index("s") * NUM_CORES + lax.axis_index("c")
    iota = lax.iota(jnp.int32, LANES)
    zeros = jnp.zeros((LANES,), jnp.float32)
    ones = jnp.ones((LANES,), jnp.float32)

    cnts = (cnt0, cnt1)
    out_sems = (out_sem0, out_sem1)
    halves = ((0, HALF0), (HALF0, HALF1))
    base = wid * SPW * STRIPE

    def make_zero(cnt):
        def zero_step(j):
            cnt[j >> 3, pl.ds((j & 7) * LANES, LANES)] = zeros
        return zero_step

    def make_scatter(inb_, cnt, r0, nrows):
        lo = r0 + 1
        bound = jnp.uint32(nrows)

        def tok_step(g):
            k = (g & 7) * LANES
            x = inb_[g >> 3, pl.ds(k, LANES)] - lo
            plsc.addupdate_scatter(
                cnt, [x, k + iota], ones, mask=x.astype(jnp.uint32) < bound)
        return tok_step

    out_cp = {}
    for u in range(SPW * 2):
        s, h = u // 2, u % 2
        r0, nrows = halves[h]
        cnt = cnts[h]
        col = pl.ds(base + s * STRIPE, STRIPE)

        def start(t, buf, sem):
            return pltpu.async_copy(
                in_hbm.at[pl.ds(t * 8, 8), col], buf, sem)

        def wait(buf, sem):
            pltpu.make_async_copy(
                in_hbm.at[pl.ds(0, 8), col], buf, sem).wait()

        if u >= 2:
            out_cp[u - 2].wait()
        plsc.parallel_loop(0, nrows * 8, unroll=12)(make_zero(cnt))

        scat_a = make_scatter(ina, cnt, r0, nrows)
        scat_b = make_scatter(inb, cnt, r0, nrows)
        start(0, ina, in_sem_a)

        @pl.loop(0, SEQ_TILES // 2)
        def tile_pair(i):
            t = i * 2
            start(t + 1, inb, in_sem_b)
            wait(ina, in_sem_a)
            plsc.parallel_loop(0, TILE_GROUPS, unroll=8)(scat_a)
            start(t + 2, ina, in_sem_a)
            wait(inb, in_sem_b)
            plsc.parallel_loop(0, TILE_GROUPS, unroll=8)(scat_b)

        wait(ina, in_sem_a)
        plsc.parallel_loop(0, TILE_GROUPS, unroll=8)(scat_a)

        out_cp[u] = pltpu.async_copy(
            cnt, out_hbm.at[pl.ds(r0, nrows), col], out_sems[h])
    out_cp[SPW * 2 - 2].wait()
    out_cp[SPW * 2 - 1].wait()


_bow_kernel = functools.partial(
    pl.kernel,
    out_type=jax.ShapeDtypeStruct((OUT_COLS, BATCH), jnp.float32),
    mesh=plsc.VectorSubcoreMesh(core_axis_name="c", subcore_axis_name="s"),
    scratch_types=[
        pltpu.VMEM((8, STRIPE), jnp.int32),
        pltpu.VMEM((8, STRIPE), jnp.int32),
        pltpu.VMEM((HALF0, STRIPE), jnp.float32),
        pltpu.VMEM((HALF1, STRIPE), jnp.float32),
        pltpu.SemaphoreType.DMA,
        pltpu.SemaphoreType.DMA,
        pltpu.SemaphoreType.DMA,
        pltpu.SemaphoreType.DMA,
    ],
    compiler_params=pltpu.CompilerParams(
        needs_layout_passes=False,
        use_tc_tiling_on_sc=True,
    ),
)(_bow_body)


@jax.jit
def kernel(inputs):
    out_t = _bow_kernel(inputs.T)
    return out_t.T

# --- scband reference (transcript-rebuilt; emitter-appended) ---
"""Pipeline reference for scband-bag-of-words-88115549045539 (READ-ONLY COPY).

The authoritative reference and input builder live on the scoring server;
editing this copy changes nothing except your own understanding.
"""

import jax, jax.numpy as jnp
import numpy as np

N_TOKENS = 1000
BATCH = 16384
SEQ_LEN = 200


def setup_inputs(seed: int = 0) -> dict:
    key = jax.random.key(seed)
    inputs = jax.random.randint(key, (BATCH, SEQ_LEN), 0, N_TOKENS, dtype=jnp.int32)
    return {"inputs": inputs}


def reference(inputs):
    # Faithful to: tf.reduce_sum(tf.one_hot(inputs, n_tokens), axis=1)[:, 1:]
    # The sum-of-one-hot over the sequence axis is exactly a per-row token
    # histogram; implemented as a scatter-add (maps to SparseCore) to avoid
    # materializing the [B, L, n_tokens] one-hot tensor. Math is identical.
    B, L = inputs.shape
    counts = jnp.zeros((B, N_TOKENS), dtype=jnp.float32)
    row_ids = jnp.arange(B, dtype=jnp.int32)[:, None]  # [B, 1] broadcast over L
    counts = counts.at[row_ids, inputs].add(1.0)
    return counts[:, 1:]

if __name__ == "__main__":
    import jax
    _d = setup_inputs()
    print(jax.jit(kernel)(*tuple(_d.values())))

</pallas_src>

<mosaic_0001>
#map = affine_map<(d0, d1) -> (0, 0)>
module attributes {stable_mosaic.version = 14 : i64} {
  func.func @_bow_body(%arg0: i32, %arg1: i32, %arg2: memref<200x16384xi32, #tpu.memory_space<hbm>>, %arg3: memref<999x16384xf32, #tpu.memory_space<hbm>>, %arg4: memref<8x128xi32, #tpu.memory_space<vmem>>, %arg5: memref<8x128xi32, #tpu.memory_space<vmem>>, %arg6: memref<496x128xf32, #tpu.memory_space<vmem>>, %arg7: memref<503x128xf32, #tpu.memory_space<vmem>>, %arg8: memref<!tpu.dma_semaphore, #tpu.memory_space<semaphore_mem>>, %arg9: memref<!tpu.dma_semaphore, #tpu.memory_space<semaphore_mem>>, %arg10: memref<!tpu.dma_semaphore, #tpu.memory_space<semaphore_mem>>, %arg11: memref<!tpu.dma_semaphore, #tpu.memory_space<semaphore_mem>>) attributes {dimension_semantics = [#tpu.dimension_semantics<core_parallel>, #tpu.dimension_semantics<subcore_parallel>], iteration_bounds = array<i64: 2, 16>, scalar_prefetch = 0 : i64, scratch_operands = 8 : i64, tpu.core_type = #tpu.core_type<sc_vector_subcore>, window_params = [{transform_indices = #map}, {transform_indices = #map}]} {
    %mul3A = arith.constant 2 : i32
    %mul3A_0 = arith.muli %arg1, %mul3A : i32
    %add3A = arith.addi %mul3A_0, %arg0 : i32
    %iota3A = tpu.iota {dimensions = array<i32: 0>} : vector<16xi32>
    %broadcast_in_dim3A = arith.constant 0.000000e+00 : f32
    %broadcast_in_dim3A_1 = vector.broadcast %broadcast_in_dim3A : f32 to vector<16xf32>
    %broadcast_in_dim3A_2 = arith.constant 1.000000e+00 : f32
    %broadcast_in_dim3A_3 = vector.broadcast %broadcast_in_dim3A_2 : f32 to vector<16xf32>
    %mul3A_4 = arith.constant 4 : i32
    %mul3A_5 = arith.muli %add3A, %mul3A_4 : i32
    %mul3A_6 = arith.constant 128 : i32
    %mul3A_7 = arith.muli %mul3A_5, %mul3A_6 : i32
    %add3A_8 = arith.constant 0 : i32
    %add3A_9 = arith.addi %mul3A_7, %add3A_8 : i32
    %parallel_loop3A = arith.constant 0 : i32
    %parallel_loop3A_10 = arith.constant 3968 : i32
    %parallel_loop3A_11 = arith.constant 1 : i32
    scf.for %parallel_loop3A_260 = %parallel_loop3A to %parallel_loop3A_10 step %parallel_loop3A_11  : i32 {
      %parallel_loop3A_261 = arith.constant 3 : i32
      %parallel_loop3A_262 = arith.shrsi %parallel_loop3A_260, %parallel_loop3A_261 : i32
      %parallel_loop3A_263 = arith.constant 7 : i32
      %parallel_loop3A_264 = arith.andi %parallel_loop3A_260, %parallel_loop3A_263 : i32
      %parallel_loop3A_265 = arith.constant 16 : i32
      %parallel_loop3A_266 = arith.muli %parallel_loop3A_264, %parallel_loop3A_265 : i32
      %parallel_loop3A_267 = arith.index_cast %parallel_loop3A_262 : i32 to index
      %parallel_loop3A_268 = arith.index_cast %parallel_loop3A_266 : i32 to index
      %parallel_loop3A_269 = tpu.vector_load %arg6[%parallel_loop3A_267, %parallel_loop3A_268] {strides = array<i32>} : memref<496x128xf32, #tpu.memory_space<vmem>>, vector<16xf32>,
      tpu.vector_store %arg6[%parallel_loop3A_267, %parallel_loop3A_268], %broadcast_in_dim3A_1 {strides = array<i32>} : memref<496x128xf32, #tpu.memory_space<vmem>>, vector<16xf32>,
    } {sc.loop_unroll_factor = 12 : i64, sc.parallel_access}
    %dma_start3A = arith.constant 0 : i32
    %dma_start3A_12 = tpu.memref_slice %arg2[%dma_start3A, %add3A_9] : memref<200x16384xi32, #tpu.memory_space<hbm>> -> memref<8x128xi32, #tpu.memory_space<hbm>>
    %dma_start3A_13 = arith.constant 0 : i32
    %dma_start3A_14 = tpu.memref_slice %arg2[%dma_start3A_13, %add3A_9] : memref<200x16384xi32, #tpu.memory_space<hbm>> -> memref<8x128xi32, #tpu.memory_space<hbm>>
    tpu.enqueue_dma source(%dma_start3A_14 : memref<8x128xi32, #tpu.memory_space<hbm>>) target(%arg4 : memref<8x128xi32, #tpu.memory_space<vmem>>) target_semaphore(%arg8 : memref<!tpu.dma_semaphore, #tpu.memory_space<semaphore_mem>>)
    %scan3A = arith.constant 496 : i32
    %scan3A_15 = arith.constant 496 : i32
    %scan3A_16 = arith.constant 0 : i32
    %scan3A_17 = arith.constant 12 : i32
    %scan3A_18 = arith.addi %scan3A_16, %scan3A_17 : i32
    %scan3A_19 = arith.constant 1 : i32
    scf.for %scan3A_260 = %scan3A_16 to %scan3A_18 step %scan3A_19  : i32 {
      %mul3A_261 = arith.constant 1 : i32
      %mul3A_262 = arith.muli %scan3A_260, %mul3A_261 : i32
      %add3A_263 = arith.constant 0 : i32
      %add3A_264 = arith.addi %add3A_263, %mul3A_262 : i32
      %mul3A_265 = arith.constant 2 : i32
      %mul3A_266 = arith.muli %add3A_264, %mul3A_265 : i32
      %add3A_267 = arith.constant 1 : i32
      %add3A_268 = arith.addi %mul3A_266, %add3A_267 : i32
      %mul3A_269 = arith.constant 8 : i32
      %mul3A_270 = arith.muli %add3A_268, %mul3A_269 : i32
      %dma_start3A_271 = tpu.memref_slice %arg2[%mul3A_270, %add3A_9] : memref<200x16384xi32, #tpu.memory_space<hbm>> -> memref<8x128xi32, #tpu.memory_space<hbm>>
      %dma_start3A_272 = tpu.memref_slice %arg2[%mul3A_270, %add3A_9] : memref<200x16384xi32, #tpu.memory_space<hbm>> -> memref<8x128xi32, #tpu.memory_space<hbm>>
      tpu.enqueue_dma source(%dma_start3A_272 : memref<8x128xi32, #tpu.memory_space<hbm>>) target(%arg5 : memref<8x128xi32, #tpu.memory_space<vmem>>) target_semaphore(%arg9 : memref<!tpu.dma_semaphore, #tpu.memory_space<semaphore_mem>>)
      %dma_wait3A_273 = arith.constant 0 : i32
      %dma_wait3A_274 = tpu.memref_slice %arg2[%dma_wait3A_273, %add3A_9] : memref<200x16384xi32, #tpu.memory_space<hbm>> -> memref<8x128xi32, #tpu.memory_space<hbm>>
      %dma_wait3A_275 = arith.constant 0 : i32
      %dma_wait3A_276 = tpu.memref_slice %arg2[%dma_wait3A_275, %add3A_9] : memref<200x16384xi32, #tpu.memory_space<hbm>> -> memref<8x128xi32, #tpu.memory_space<hbm>>
      tpu.wait_dma2 semaphore(%arg8 : memref<!tpu.dma_semaphore, #tpu.memory_space<semaphore_mem>>) src(%dma_wait3A_276 : memref<8x128xi32, #tpu.memory_space<hbm>>) dst(%arg4 : memref<8x128xi32, #tpu.memory_space<vmem>>)
      %parallel_loop3A_277 = arith.constant 0 : i32
      %parallel_loop3A_278 = arith.constant 64 : i32
      %parallel_loop3A_279 = arith.constant 1 : i32
      scf.for %parallel_loop3A_293 = %parallel_loop3A_277 to %parallel_loop3A_278 step %parallel_loop3A_279  : i32 {
        %parallel_loop3A_294 = arith.constant 7 : i32
        %parallel_loop3A_295 = arith.andi %parallel_loop3A_293, %parallel_loop3A_294 : i32
        %parallel_loop3A_296 = arith.constant 16 : i32
        %parallel_loop3A_297 = arith.muli %parallel_loop3A_295, %parallel_loop3A_296 : i32
        %parallel_loop3A_298 = arith.constant 3 : i32
        %parallel_loop3A_299 = arith.shrsi %parallel_loop3A_293, %parallel_loop3A_298 : i32
        %parallel_loop3A_300 = arith.index_cast %parallel_loop3A_299 : i32 to index
        %parallel_loop3A_301 = arith.index_cast %parallel_loop3A_297 : i32 to index
        %parallel_loop3A_302 = tpu.vector_load %arg4[%parallel_loop3A_300, %parallel_loop3A_301] {strides = array<i32>} : memref<8x128xi32, #tpu.memory_space<vmem>>, vector<16xi32>,
        %parallel_loop3A_303 = arith.constant 1 : i32
        %parallel_loop3A_304 = vector.broadcast %parallel_loop3A_303 : i32 to vector<16xi32>
        %parallel_loop3A_305 = arith.subi %parallel_loop3A_302, %parallel_loop3A_304 : vector<16xi32>
        %parallel_loop3A_306 = vector.broadcast %parallel_loop3A_297 : i32 to vector<16xi32>
        %parallel_loop3A_307 = arith.addi %parallel_loop3A_306, %iota3A : vector<16xi32>
        %parallel_loop3A_308 = vector.broadcast %scan3A : i32 to vector<16xi32>
        %parallel_loop3A_309 = arith.cmpi ult, %parallel_loop3A_305, %parallel_loop3A_308 : vector<16xi32>
        tpu.vector_store_idx %arg6[%parallel_loop3A_305, %parallel_loop3A_307], %broadcast_in_dim3A_3 masked %parallel_loop3A_309 {add = true} : memref<496x128xf32, #tpu.memory_space<vmem>>[vector<16xi32>, vector<16xi32>], vector<16xf32>, vector<16xi1>
      } {sc.loop_unroll_factor = 8 : i64, sc.parallel_access}
      %add3A_280 = arith.constant 2 : i32
      %add3A_281 = arith.addi %mul3A_266, %add3A_280 : i32
      %mul3A_282 = arith.constant 8 : i32
      %mul3A_283 = arith.muli %add3A_281, %mul3A_282 : i32
      %dma_start3A_284 = tpu.memref_slice %arg2[%mul3A_283, %add3A_9] : memref<200x16384xi32, #tpu.memory_space<hbm>> -> memref<8x128xi32, #tpu.memory_space<hbm>>
      %dma_start3A_285 = tpu.memref_slice %arg2[%mul3A_283, %add3A_9] : memref<200x16384xi32, #tpu.memory_space<hbm>> -> memref<8x128xi32, #tpu.memory_space<hbm>>
      tpu.enqueue_dma source(%dma_start3A_285 : memref<8x128xi32, #tpu.memory_space<hbm>>) target(%arg4 : memref<8x128xi32, #tpu.memory_space<vmem>>) target_semaphore(%arg8 : memref<!tpu.dma_semaphore, #tpu.memory_space<semaphore_mem>>)
      %dma_wait3A_286 = arith.constant 0 : i32
      %dma_wait3A_287 = tpu.memref_slice %arg2[%dma_wait3A_286, %add3A_9] : memref<200x16384xi32, #tpu.memory_space<hbm>> -> memref<8x128xi32, #tpu.memory_space<hbm>>
      %dma_wait3A_288 = arith.constant 0 : i32
      %dma_wait3A_289 = tpu.memref_slice %arg2[%dma_wait3A_288, %add3A_9] : memref<200x16384xi32, #tpu.memory_space<hbm>> -> memref<8x128xi32, #tpu.memory_space<hbm>>
      tpu.wait_dma2 semaphore(%arg9 : memref<!tpu.dma_semaphore, #tpu.memory_space<semaphore_mem>>) src(%dma_wait3A_289 : memref<8x128xi32, #tpu.memory_space<hbm>>) dst(%arg5 : memref<8x128xi32, #tpu.memory_space<vmem>>)
      %parallel_loop3A_290 = arith.constant 0 : i32
      %parallel_loop3A_291 = arith.constant 64 : i32
      %parallel_loop3A_292 = arith.constant 1 : i32
      scf.for %parallel_loop3A_293 = %parallel_loop3A_290 to %parallel_loop3A_291 step %parallel_loop3A_292  : i32 {
        %parallel_loop3A_294 = arith.constant 7 : i32
        %parallel_loop3A_295 = arith.andi %parallel_loop3A_293, %parallel_loop3A_294 : i32
        %parallel_loop3A_296 = arith.constant 16 : i32
        %parallel_loop3A_297 = arith.muli %parallel_loop3A_295, %parallel_loop3A_296 : i32
        %parallel_loop3A_298 = arith.constant 3 : i32
        %parallel_loop3A_299 = arith.shrsi %parallel_loop3A_293, %parallel_loop3A_298 : i32
        %parallel_loop3A_300 = arith.index_cast %parallel_loop3A_299 : i32 to index
        %parallel_loop3A_301 = arith.index_cast %parallel_loop3A_297 : i32 to index
        %parallel_loop3A_302 = tpu.vector_load %arg5[%parallel_loop3A_300, %parallel_loop3A_301] {strides = array<i32>} : memref<8x128xi32, #tpu.memory_space<vmem>>, vector<16xi32>,
        %parallel_loop3A_303 = arith.constant 1 : i32
        %parallel_loop3A_304 = vector.broadcast %parallel_loop3A_303 : i32 to vector<16xi32>
        %parallel_loop3A_305 = arith.subi %parallel_loop3A_302, %parallel_loop3A_304 : vector<16xi32>
        %parallel_loop3A_306 = vector.broadcast %parallel_loop3A_297 : i32 to vector<16xi32>
        %parallel_loop3A_307 = arith.addi %parallel_loop3A_306, %iota3A : vector<16xi32>
        %parallel_loop3A_308 = vector.broadcast %scan3A_15 : i32 to vector<16xi32>
        %parallel_loop3A_309 = arith.cmpi ult, %parallel_loop3A_305, %parallel_loop3A_308 : vector<16xi32>
        tpu.vector_store_idx %arg6[%parallel_loop3A_305, %parallel_loop3A_307], %broadcast_in_dim3A_3 masked %parallel_loop3A_309 {add = true} : memref<496x128xf32, #tpu.memory_space<vmem>>[vector<16xi32>, vector<16xi32>], vector<16xf32>, vector<16xi1>
      } {sc.loop_unroll_factor = 8 : i64, sc.parallel_access}
    }
    %scan3A_20 = arith.constant 12 : i32
    %dma_wait3A = arith.constant 0 : i32
    %dma_wait3A_21 = tpu.memref_slice %arg2[%dma_wait3A, %add3A_9] : memref<200x16384xi32, #tpu.memory_space<hbm>> -> memref<8x128xi32, #tpu.memory_space<hbm>>
    %dma_wait3A_22 = arith.constant 0 : i32
    %dma_wait3A_23 = tpu.memref_slice %arg2[%dma_wait3A_22, %add3A_9] : memref<200x16384xi32, #tpu.memory_space<hbm>> -> memref<8x128xi32, #tpu.memory_space<hbm>>
    tpu.wait_dma2 semaphore(%arg8 : memref<!tpu.dma_semaphore, #tpu.memory_space<semaphore_mem>>) src(%dma_wait3A_23 : memref<8x128xi32, #tpu.memory_space<hbm>>) dst(%arg4 : memref<8x128xi32, #tpu.memory_space<vmem>>)
    %parallel_loop3A_24 = arith.constant 0 : i32
    %parallel_loop3A_25 = arith.constant 64 : i32
    %parallel_loop3A_26 = arith.constant 1 : i32
    %parallel_loop3A_27 = arith.constant 496 : i32
    scf.for %parallel_loop3A_260 = %parallel_loop3A_24 to %parallel_loop3A_25 step %parallel_loop3A_26  : i32 {
      %parallel_loop3A_261 = arith.constant 7 : i32
      %parallel_loop3A_262 = arith.andi %parallel_loop3A_260, %parallel_loop3A_261 : i32
      %parallel_loop3A_263 = arith.constant 16 : i32
      %parallel_loop3A_264 = arith.muli %parallel_loop3A_262, %parallel_loop3A_263 : i32
      %parallel_loop3A_265 = arith.constant 3 : i32
      %parallel_loop3A_266 = arith.shrsi %parallel_loop3A_260, %parallel_loop3A_265 : i32
      %parallel_loop3A_267 = arith.index_cast %parallel_loop3A_266 : i32 to index
      %parallel_loop3A_268 = arith.index_cast %parallel_loop3A_264 : i32 to index
      %parallel_loop3A_269 = tpu.vector_load %arg4[%parallel_loop3A_267, %parallel_loop3A_268] {strides = array<i32>} : memref<8x128xi32, #tpu.memory_space<vmem>>, vector<16xi32>,
      %parallel_loop3A_270 = arith.constant 1 : i32
      %parallel_loop3A_271 = vector.broadcast %parallel_loop3A_270 : i32 to vector<16xi32>
      %parallel_loop3A_272 = arith.subi %parallel_loop3A_269, %parallel_loop3A_271 : vector<16xi32>
      %parallel_loop3A_273 = vector.broadcast %parallel_loop3A_264 : i32 to vector<16xi32>
      %parallel_loop3A_274 = arith.addi %parallel_loop3A_273, %iota3A : vector<16xi32>
      %parallel_loop3A_275 = vector.broadcast %parallel_loop3A_27 : i32 to vector<16xi32>
      %parallel_loop3A_276 = arith.cmpi ult, %parallel_loop3A_272, %parallel_loop3A_275 : vector<16xi32>
      tpu.vector_store_idx %arg6[%parallel_loop3A_272, %parallel_loop3A_274], %broadcast_in_dim3A_3 masked %parallel_loop3A_276 {add = true} : memref<496x128xf32, #tpu.memory_space<vmem>>[vector<16xi32>, vector<16xi32>], vector<16xf32>, vector<16xi1>
    } {sc.loop_unroll_factor = 8 : i64, sc.parallel_access}
    %dma_start3A_28 = arith.constant 0 : i32
    %dma_start3A_29 = tpu.memref_slice %arg3[%dma_start3A_28, %add3A_9] : memref<999x16384xf32, #tpu.memory_space<hbm>> -> memref<496x128xf32, #tpu.memory_space<hbm>>
    %dma_start3A_30 = arith.constant 0 : i32
    %dma_start3A_31 = tpu.memref_slice %arg3[%dma_start3A_30, %add3A_9] : memref<999x16384xf32, #tpu.memory_space<hbm>> -> memref<496x128xf32, #tpu.memory_space<hbm>>
    tpu.enqueue_dma source(%arg6 : memref<496x128xf32, #tpu.memory_space<vmem>>) target(%dma_start3A_31 : memref<496x128xf32, #tpu.memory_space<hbm>>) target_semaphore(%arg10 : memref<!tpu.dma_semaphore, #tpu.memory_space<semaphore_mem>>)
    %add3A_32 = arith.constant 0 : i32
    %add3A_33 = arith.addi %mul3A_7, %add3A_32 : i32
    %parallel_loop3A_34 = arith.constant 0 : i32
    %parallel_loop3A_35 = arith.constant 4024 : i32
    %parallel_loop3A_36 = arith.constant 1 : i32
    scf.for %parallel_loop3A_260 = %parallel_loop3A_34 to %parallel_loop3A_35 step %parallel_loop3A_36  : i32 {
      %parallel_loop3A_261 = arith.constant 3 : i32
      %parallel_loop3A_262 = arith.shrsi %parallel_loop3A_260, %parallel_loop3A_261 : i32
      %parallel_loop3A_263 = arith.constant 7 : i32
      %parallel_loop3A_264 = arith.andi %parallel_loop3A_260, %parallel_loop3A_263 : i32
      %parallel_loop3A_265 = arith.constant 16 : i32
      %parallel_loop3A_266 = arith.muli %parallel_loop3A_264, %parallel_loop3A_265 : i32
      %parallel_loop3A_267 = arith.index_cast %parallel_loop3A_262 : i32 to index
      %parallel_loop3A_268 = arith.index_cast %parallel_loop3A_266 : i32 to index
      %parallel_loop3A_269 = tpu.vector_load %arg7[%parallel_loop3A_267, %parallel_loop3A_268] {strides = array<i32>} : memref<503x128xf32, #tpu.memory_space<vmem>>, vector<16xf32>,
      tpu.vector_store %arg7[%parallel_loop3A_267, %parallel_loop3A_268], %broadcast_in_dim3A_1 {strides = array<i32>} : memref<503x128xf32, #tpu.memory_space<vmem>>, vector<16xf32>,
    } {sc.loop_unroll_factor = 12 : i64, sc.parallel_access}
    %dma_start3A_37 = arith.constant 0 : i32
    %dma_start3A_38 = tpu.memref_slice %arg2[%dma_start3A_37, %add3A_33] : memref<200x16384xi32, #tpu.memory_space<hbm>> -> memref<8x128xi32, #tpu.memory_space<hbm>>
    %dma_start3A_39 = arith.constant 0 : i32
    %dma_start3A_40 = tpu.memref_slice %arg2[%dma_start3A_39, %add3A_33] : memref<200x16384xi32, #tpu.memory_space<hbm>> -> memref<8x128xi32, #tpu.memory_space<hbm>>
    tpu.enqueue_dma source(%dma_start3A_40 : memref<8x128xi32, #tpu.memory_space<hbm>>) target(%arg4 : memref<8x128xi32, #tpu.memory_space<vmem>>) target_semaphore(%arg8 : memref<!tpu.dma_semaphore, #tpu.memory_space<semaphore_mem>>)
    %scan3A_41 = arith.constant 503 : i32
    %scan3A_42 = arith.constant 503 : i32
    %scan3A_43 = arith.constant 0 : i32
    %scan3A_44 = arith.constant 12 : i32
    %scan3A_45 = arith.addi %scan3A_43, %scan3A_44 : i32
    %scan3A_46 = arith.constant 1 : i32
    scf.for %scan3A_260 = %scan3A_43 to %scan3A_45 step %scan3A_46  : i32 {
      %mul3A_261 = arith.constant 1 : i32
      %mul3A_262 = arith.muli %scan3A_260, %mul3A_261 : i32
      %add3A_263 = arith.constant 0 : i32
      %add3A_264 = arith.addi %add3A_263, %mul3A_262 : i32
      %mul3A_265 = arith.constant 2 : i32
      %mul3A_266 = arith.muli %add3A_264, %mul3A_265 : i32
      %add3A_267 = arith.constant 1 : i32
      %add3A_268 = arith.addi %mul3A_266, %add3A_267 : i32
      %mul3A_269 = arith.constant 8 : i32
      %mul3A_270 = arith.muli %add3A_268, %mul3A_269 : i32
      %dma_start3A_271 = tpu.memref_slice %arg2[%mul3A_270, %add3A_33] : memref<200x16384xi32, #tpu.memory_space<hbm>> -> memref<8x128xi32, #tpu.memory_space<hbm>>
      %dma_start3A_272 = tpu.memref_slice %arg2[%mul3A_270, %add3A_33] : memref<200x16384xi32, #tpu.memory_space<hbm>> -> memref<8x128xi32, #tpu.memory_space<hbm>>
      tpu.enqueue_dma source(%dma_start3A_272 : memref<8x128xi32, #tpu.memory_space<hbm>>) target(%arg5 : memref<8x128xi32, #tpu.memory_space<vmem>>) target_semaphore(%arg9 : memref<!tpu.dma_semaphore, #tpu.memory_space<semaphore_mem>>)
      %dma_wait3A_273 = arith.constant 0 : i32
      %dma_wait3A_274 = tpu.memref_slice %arg2[%dma_wait3A_273, %add3A_33] : memref<200x16384xi32, #tpu.memory_space<hbm>> -> memref<8x128xi32, #tpu.memory_space<hbm>>
      %dma_wait3A_275 = arith.constant 0 : i32
      %dma_wait3A_276 = tpu.memref_slice %arg2[%dma_wait3A_275, %add3A_33] : memref<200x16384xi32, #tpu.memory_space<hbm>> -> memref<8x128xi32, #tpu.memory_space<hbm>>
      tpu.wait_dma2 semaphore(%arg8 : memref<!tpu.dma_semaphore, #tpu.memory_space<semaphore_mem>>) src(%dma_wait3A_276 : memref<8x128xi32, #tpu.memory_space<hbm>>) dst(%arg4 : memref<8x128xi32, #tpu.memory_space<vmem>>)
      %parallel_loop3A_277 = arith.constant 0 : i32
      %parallel_loop3A_278 = arith.constant 64 : i32
      %parallel_loop3A_279 = arith.constant 1 : i32
      scf.for %parallel_loop3A_293 = %parallel_loop3A_277 to %parallel_loop3A_278 step %parallel_loop3A_279  : i32 {
        %parallel_loop3A_294 = arith.constant 7 : i32
        %parallel_loop3A_295 = arith.andi %parallel_loop3A_293, %parallel_loop3A_294 : i32
        %parallel_loop3A_296 = arith.constant 16 : i32
        %parallel_loop3A_297 = arith.muli %parallel_loop3A_295, %parallel_loop3A_296 : i32
        %parallel_loop3A_298 = arith.constant 3 : i32
        %parallel_loop3A_299 = arith.shrsi %parallel_loop3A_293, %parallel_loop3A_298 : i32
        %parallel_loop3A_300 = arith.index_cast %parallel_loop3A_299 : i32 to index
        %parallel_loop3A_301 = arith.index_cast %parallel_loop3A_297 : i32 to index
        %parallel_loop3A_302 = tpu.vector_load %arg4[%parallel_loop3A_300, %parallel_loop3A_301] {strides = array<i32>} : memref<8x128xi32, #tpu.memory_space<vmem>>, vector<16xi32>,
        %parallel_loop3A_303 = arith.constant 497 : i32
        %parallel_loop3A_304 = vector.broadcast %parallel_loop3A_303 : i32 to vector<16xi32>
        %parallel_loop3A_305 = arith.subi %parallel_loop3A_302, %parallel_loop3A_304 : vector<16xi32>
        %parallel_loop3A_306 = vector.broadcast %parallel_loop3A_297 : i32 to vector<16xi32>
        %parallel_loop3A_307 = arith.addi %parallel_loop3A_306, %iota3A : vector<16xi32>
        %parallel_loop3A_308 = vector.broadcast %scan3A_41 : i32 to vector<16xi32>
        %parallel_loop3A_309 = arith.cmpi ult, %parallel_loop3A_305, %parallel_loop3A_308 : vector<16xi32>
        tpu.vector_store_idx %arg7[%parallel_loop3A_305, %parallel_loop3A_307], %broadcast_in_dim3A_3 masked %parallel_loop3A_309 {add = true} : memref<503x128xf32, #tpu.memory_space<vmem>>[vector<16xi32>, vector<16xi32>], vector<16xf32>, vector<16xi1>
      } {sc.loop_unroll_factor = 8 : i64, sc.parallel_access}
      %add3A_280 = arith.constant 2 : i32
      %add3A_281 = arith.addi %mul3A_266, %add3A_280 : i32
      %mul3A_282 = arith.constant 8 : i32
      %mul3A_283 = arith.muli %add3A_281, %mul3A_282 : i32
      %dma_start3A_284 = tpu.memref_slice %arg2[%mul3A_283, %add3A_33] : memref<200x16384xi32, #tpu.memory_space<hbm>> -> memref<8x128xi32, #tpu.memory_space<hbm>>
      %dma_start3A_285 = tpu.memref_slice %arg2[%mul3A_283, %add3A_33] : memref<200x16384xi32, #tpu.memory_space<hbm>> -> memref<8x128xi32, #tpu.memory_space<hbm>>
      tpu.enqueue_dma source(%dma_start3A_285 : memref<8x128xi32, #tpu.memory_space<hbm>>) target(%arg4 : memref<8x128xi32, #tpu.memory_space<vmem>>) target_semaphore(%arg8 : memref<!tpu.dma_semaphore, #tpu.memory_space<semaphore_mem>>)
      %dma_wait3A_286 = arith.constant 0 : i32
      %dma_wait3A_287 = tpu.memref_slice %arg2[%dma_wait3A_286, %add3A_33] : memref<200x16384xi32, #tpu.memory_space<hbm>> -> memref<8x128xi32, #tpu.memory_space<hbm>>
      %dma_wait3A_288 = arith.constant 0 : i32
      %dma_wait3A_289 = tpu.memref_slice %arg2[%dma_wait3A_288, %add3A_33] : memref<200x16384xi32, #tpu.memory_space<hbm>> -> memref<8x128xi32, #tpu.memory_space<hbm>>
      tpu.wait_dma2 semaphore(%arg9 : memref<!tpu.dma_semaphore, #tpu.memory_space<semaphore_mem>>) src(%dma_wait3A_289 : memref<8x128xi32, #tpu.memory_space<hbm>>) dst(%arg5 : memref<8x128xi32, #tpu.memory_space<vmem>>)
      %parallel_loop3A_290 = arith.constant 0 : i32
      %parallel_loop3A_291 = arith.constant 64 : i32
      %parallel_loop3A_292 = arith.constant 1 : i32
      scf.for %parallel_loop3A_293 = %parallel_loop3A_290 to %parallel_loop3A_291 step %parallel_loop3A_292  : i32 {
        %parallel_loop3A_294 = arith.constant 7 : i32
        %parallel_loop3A_295 = arith.andi %parallel_loop3A_293, %parallel_loop3A_294 : i32
        %parallel_loop3A_296 = arith.constant 16 : i32
        %parallel_loop3A_297 = arith.muli %parallel_loop3A_295, %parallel_loop3A_296 : i32
        %parallel_loop3A_298 = arith.constant 3 : i32
        %parallel_loop3A_299 = arith.shrsi %parallel_loop3A_293, %parallel_loop3A_298 : i32
        %parallel_loop3A_300 = arith.index_cast %parallel_loop3A_299 : i32 to index
        %parallel_loop3A_301 = arith.index_cast %parallel_loop3A_297 : i32 to index
        %parallel_loop3A_302 = tpu.vector_load %arg5[%parallel_loop3A_300, %parallel_loop3A_301] {strides = array<i32>} : memref<8x128xi32, #tpu.memory_space<vmem>>, vector<16xi32>,
        %parallel_loop3A_303 = arith.constant 497 : i32
        %parallel_loop3A_304 = vector.broadcast %parallel_loop3A_303 : i32 to vector<16xi32>
        %parallel_loop3A_305 = arith.subi %parallel_loop3A_302, %parallel_loop3A_304 : vector<16xi32>
        %parallel_loop3A_306 = vector.broadcast %parallel_loop3A_297 : i32 to vector<16xi32>
        %parallel_loop3A_307 = arith.addi %parallel_loop3A_306, %iota3A : vector<16xi32>
        %parallel_loop3A_308 = vector.broadcast %scan3A_42 : i32 to vector<16xi32>
        %parallel_loop3A_309 = arith.cmpi ult, %parallel_loop3A_305, %parallel_loop3A_308 : vector<16xi32>
        tpu.vector_store_idx %arg7[%parallel_loop3A_305, %parallel_loop3A_307], %broadcast_in_dim3A_3 masked %parallel_loop3A_309 {add = true} : memref<503x128xf32, #tpu.memory_space<vmem>>[vector<16xi32>, vector<16xi32>], vector<16xf32>, vector<16xi1>
      } {sc.loop_unroll_factor = 8 : i64, sc.parallel_access}
    }
    %scan3A_47 = arith.constant 12 : i32
    %dma_wait3A_48 = arith.constant 0 : i32
    %dma_wait3A_49 = tpu.memref_slice %arg2[%dma_wait3A_48, %add3A_33] : memref<200x16384xi32, #tpu.memory_space<hbm>> -> memref<8x128xi32, #tpu.memory_space<hbm>>
    %dma_wait3A_50 = arith.constant 0 : i32
    %dma_wait3A_51 = tpu.memref_slice %arg2[%dma_wait3A_50, %add3A_33] : memref<200x16384xi32, #tpu.memory_space<hbm>> -> memref<8x128xi32, #tpu.memory_space<hbm>>
    tpu.wait_dma2 semaphore(%arg8 : memref<!tpu.dma_semaphore, #tpu.memory_space<semaphore_mem>>) src(%dma_wait3A_51 : memref<8x128xi32, #tpu.memory_space<hbm>>) dst(%arg4 : memref<8x128xi32, #tpu.memory_space<vmem>>)
    %parallel_loop3A_52 = arith.constant 0 : i32
    %parallel_loop3A_53 = arith.constant 64 : i32
    %parallel_loop3A_54 = arith.constant 1 : i32
    %parallel_loop3A_55 = arith.constant 503 : i32
    scf.for %parallel_loop3A_260 = %parallel_loop3A_52 to %parallel_loop3A_53 step %parallel_loop3A_54  : i32 {
      %parallel_loop3A_261 = arith.constant 7 : i32
      %parallel_loop3A_262 = arith.andi %parallel_loop3A_260, %parallel_loop3A_261 : i32
      %parallel_loop3A_263 = arith.constant 16 : i32
      %parallel_loop3A_264 = arith.muli %parallel_loop3A_262, %parallel_loop3A_263 : i32
      %parallel_loop3A_265 = arith.constant 3 : i32
      %parallel_loop3A_266 = arith.shrsi %parallel_loop3A_260, %parallel_loop3A_265 : i32
      %parallel_loop3A_267 = arith.index_cast %parallel_loop3A_266 : i32 to index
      %parallel_loop3A_268 = arith.index_cast %parallel_loop3A_264 : i32 to index
      %parallel_loop3A_269 = tpu.vector_load %arg4[%parallel_loop3A_267, %parallel_loop3A_268] {strides = array<i32>} : memref<8x128xi32, #tpu.memory_space<vmem>>, vector<16xi32>,
      %parallel_loop3A_270 = arith.constant 497 : i32
      %parallel_loop3A_271 = vector.broadcast %parallel_loop3A_270 : i32 to vector<16xi32>
      %parallel_loop3A_272 = arith.subi %parallel_loop3A_269, %parallel_loop3A_271 : vector<16xi32>
      %parallel_loop3A_273 = vector.broadcast %parallel_loop3A_264 : i32 to vector<16xi32>
      %parallel_loop3A_274 = arith.addi %parallel_loop3A_273, %iota3A : vector<16xi32>
      %parallel_loop3A_275 = vector.broadcast %parallel_loop3A_55 : i32 to vector<16xi32>
      %parallel_loop3A_276 = arith.cmpi ult, %parallel_loop3A_272, %parallel_loop3A_275 : vector<16xi32>
      tpu.vector_store_idx %arg7[%parallel_loop3A_272, %parallel_loop3A_274], %broadcast_in_dim3A_3 masked %parallel_loop3A_276 {add = true} : memref<503x128xf32, #tpu.memory_space<vmem>>[vector<16xi32>, vector<16xi32>], vector<16xf32>, vector<16xi1>
    } {sc.loop_unroll_factor = 8 : i64, sc.parallel_access}
    %dma_start3A_56 = arith.constant 496 : i32
    %dma_start3A_57 = tpu.memref_slice %arg3[%dma_start3A_56, %add3A_33] : memref<999x16384xf32, #tpu.memory_space<hbm>> -> memref<503x128xf32, #tpu.memory_space<hbm>>
    %dma_start3A_58 = arith.constant 496 : i32
    %dma_start3A_59 = tpu.memref_slice %arg3[%dma_start3A_58, %add3A_33] : memref<999x16384xf32, #tpu.memory_space<hbm>> -> memref<503x128xf32, #tpu.memory_space<hbm>>
    tpu.enqueue_dma source(%arg7 : memref<503x128xf32, #tpu.memory_space<vmem>>) target(%dma_start3A_59 : memref<503x128xf32, #tpu.memory_space<hbm>>) target_semaphore(%arg11 : memref<!tpu.dma_semaphore, #tpu.memory_space<semaphore_mem>>)
    %add3A_60 = arith.constant 128 : i32
    %add3A_61 = arith.addi %mul3A_7, %add3A_60 : i32
    %dma_wait3A_62 = arith.constant 0 : i32
    %dma_wait3A_63 = tpu.memref_slice %arg3[%dma_wait3A_62, %add3A_9] : memref<999x16384xf32, #tpu.memory_space<hbm>> -> memref<496x128xf32, #tpu.memory_space<hbm>>
    %dma_wait3A_64 = arith.constant 0 : i32
    %dma_wait3A_65 = tpu.memref_slice %arg3[%dma_wait3A_64, %add3A_9] : memref<999x16384xf32, #tpu.memory_space<hbm>> -> memref<496x128xf32, #tpu.memory_space<hbm>>
    tpu.wait_dma2 semaphore(%arg10 : memref<!tpu.dma_semaphore, #tpu.memory_space<semaphore_mem>>) src(%arg6 : memref<496x128xf32, #tpu.memory_space<vmem>>) dst(%dma_wait3A_65 : memref<496x128xf32, #tpu.memory_space<hbm>>)
    %parallel_loop3A_66 = arith.constant 0 : i32
    %parallel_loop3A_67 = arith.constant 3968 : i32
    %parallel_loop3A_68 = arith.constant 1 : i32
    scf.for %parallel_loop3A_260 = %parallel_loop3A_66 to %parallel_loop3A_67 step %parallel_loop3A_68  : i32 {
      %parallel_loop3A_261 = arith.constant 3 : i32
      %parallel_loop3A_262 = arith.shrsi %parallel_loop3A_260, %parallel_loop3A_261 : i32
      %parallel_loop3A_263 = arith.constant 7 : i32
      %parallel_loop3A_264 = arith.andi %parallel_loop3A_260, %parallel_loop3A_263 : i32
      %parallel_loop3A_265 = arith.constant 16 : i32
      %parallel_loop3A_266 = arith.muli %parallel_loop3A_264, %parallel_loop3A_265 : i32
      %parallel_loop3A_267 = arith.index_cast %parallel_loop3A_262 : i32 to index
      %parallel_loop3A_268 = arith.index_cast %parallel_loop3A_266 : i32 to index
      %parallel_loop3A_269 = tpu.vector_load %arg6[%parallel_loop3A_267, %parallel_loop3A_268] {strides = array<i32>} : memref<496x128xf32, #tpu.memory_space<vmem>>, vector<16xf32>,
      tpu.vector_store %arg6[%parallel_loop3A_267, %parallel_loop3A_268], %broadcast_in_dim3A_1 {strides = array<i32>} : memref<496x128xf32, #tpu.memory_space<vmem>>, vector<16xf32>,
    } {sc.loop_unroll_factor = 12 : i64, sc.parallel_access}
    %dma_start3A_69 = arith.constant 0 : i32
    %dma_start3A_70 = tpu.memref_slice %arg2[%dma_start3A_69, %add3A_61] : memref<200x16384xi32, #tpu.memory_space<hbm>> -> memref<8x128xi32, #tpu.memory_space<hbm>>
    %dma_start3A_71 = arith.constant 0 : i32
    %dma_start3A_72 = tpu.memref_slice %arg2[%dma_start3A_71, %add3A_61] : memref<200x16384xi32, #tpu.memory_space<hbm>> -> memref<8x128xi32, #tpu.memory_space<hbm>>
    tpu.enqueue_dma source(%dma_start3A_72 : memref<8x128xi32, #tpu.memory_space<hbm>>) target(%arg4 : memref<8x128xi32, #tpu.memory_space<vmem>>) target_semaphore(%arg8 : memref<!tpu.dma_semaphore, #tpu.memory_space<semaphore_mem>>)
    %scan3A_73 = arith.constant 496 : i32
    %scan3A_74 = arith.constant 496 : i32
    %scan3A_75 = arith.constant 0 : i32
    %scan3A_76 = arith.constant 12 : i32
    %scan3A_77 = arith.addi %scan3A_75, %scan3A_76 : i32
    %scan3A_78 = arith.constant 1 : i32
    scf.for %scan3A_260 = %scan3A_75 to %scan3A_77 step %scan3A_78  : i32 {
      %mul3A_261 = arith.constant 1 : i32
      %mul3A_262 = arith.muli %scan3A_260, %mul3A_261 : i32
      %add3A_263 = arith.constant 0 : i32
      %add3A_264 = arith.addi %add3A_263, %mul3A_262 : i32
      %mul3A_265 = arith.constant 2 : i32
      %mul3A_266 = arith.muli %add3A_264, %mul3A_265 : i32
      %add3A_267 = arith.constant 1 : i32
      %add3A_268 = arith.addi %mul3A_266, %add3A_267 : i32
      %mul3A_269 = arith.constant 8 : i32
      %mul3A_270 = arith.muli %add3A_268, %mul3A_269 : i32
      %dma_start3A_271 = tpu.memref_slice %arg2[%mul3A_270, %add3A_61] : memref<200x16384xi32, #tpu.memory_space<hbm>> -> memref<8x128xi32, #tpu.memory_space<hbm>>
      %dma_start3A_272 = tpu.memref_slice %arg2[%mul3A_270, %add3A_61] : memref<200x16384xi32, #tpu.memory_space<hbm>> -> memref<8x128xi32, #tpu.memory_space<hbm>>
      tpu.enqueue_dma source(%dma_start3A_272 : memref<8x128xi32, #tpu.memory_space<hbm>>) target(%arg5 : memref<8x128xi32, #tpu.memory_space<vmem>>) target_semaphore(%arg9 : memref<!tpu.dma_semaphore, #tpu.memory_space<semaphore_mem>>)
      %dma_wait3A_273 = arith.constant 0 : i32
      %dma_wait3A_274 = tpu.memref_slice %arg2[%dma_wait3A_273, %add3A_61] : memref<200x16384xi32, #tpu.memory_space<hbm>> -> memref<8x128xi32, #tpu.memory_space<hbm>>
      %dma_wait3A_275 = arith.constant 0 : i32
      %dma_wait3A_276 = tpu.memref_slice %arg2[%dma_wait3A_275, %add3A_61] : memref<200x16384xi32, #tpu.memory_space<hbm>> -> memref<8x128xi32, #tpu.memory_space<hbm>>
      tpu.wait_dma2 semaphore(%arg8 : memref<!tpu.dma_semaphore, #tpu.memory_space<semaphore_mem>>) src(%dma_wait3A_276 : memref<8x128xi32, #tpu.memory_space<hbm>>) dst(%arg4 : memref<8x128xi32, #tpu.memory_space<vmem>>)
      %parallel_loop3A_277 = arith.constant 0 : i32
      %parallel_loop3A_278 = arith.constant 64 : i32
      %parallel_loop3A_279 = arith.constant 1 : i32
      scf.for %parallel_loop3A_293 = %parallel_loop3A_277 to %parallel_loop3A_278 step %parallel_loop3A_279  : i32 {
        %parallel_loop3A_294 = arith.constant 7 : i32
        %parallel_loop3A_295 = arith.andi %parallel_loop3A_293, %parallel_loop3A_294 : i32
        %parallel_loop3A_296 = arith.constant 16 : i32
        %parallel_loop3A_297 = arith.muli %parallel_loop3A_295, %parallel_loop3A_296 : i32
        %parallel_loop3A_298 = arith.constant 3 : i32
        %parallel_loop3A_299 = arith.shrsi %parallel_loop3A_293, %parallel_loop3A_298 : i32
        %parallel_loop3A_300 = arith.index_cast %parallel_loop3A_299 : i32 to index
        %parallel_loop3A_301 = arith.index_cast %parallel_loop3A_297 : i32 to index
        %parallel_loop3A_302 = tpu.vector_load %arg4[%parallel_loop3A_300, %parallel_loop3A_301] {strides = array<i32>} : memref<8x128xi32, #tpu.memory_space<vmem>>, vector<16xi32>,
        %parallel_loop3A_303 = arith.constant 1 : i32
        %parallel_loop3A_304 = vector.broadcast %parallel_loop3A_303 : i32 to vector<16xi32>
        %parallel_loop3A_305 = arith.subi %parallel_loop3A_302, %parallel_loop3A_304 : vector<16xi32>
        %parallel_loop3A_306 = vector.broadcast %parallel_loop3A_297 : i32 to vector<16xi32>
        %parallel_loop3A_307 = arith.addi %parallel_loop3A_306, %iota3A : vector<16xi32>
        %parallel_loop3A_308 = vector.broadcast %scan3A_73 : i32 to vector<16xi32>
        %parallel_loop3A_309 = arith.cmpi ult, %parallel_loop3A_305, %parallel_loop3A_308 : vector<16xi32>
        tpu.vector_store_idx %arg6[%parallel_loop3A_305, %parallel_loop3A_307], %broadcast_in_dim3A_3 masked %parallel_loop3A_309 {add = true} : memref<496x128xf32, #tpu.memory_space<vmem>>[vector<16xi32>, vector<16xi32>], vector<16xf32>, vector<16xi1>
      } {sc.loop_unroll_factor = 8 : i64, sc.parallel_access}
      %add3A_280 = arith.constant 2 : i32
      %add3A_281 = arith.addi %mul3A_266, %add3A_280 : i32
      %mul3A_282 = arith.constant 8 : i32
      %mul3A_283 = arith.muli %add3A_281, %mul3A_282 : i32
      %dma_start3A_284 = tpu.memref_slice %arg2[%mul3A_283, %add3A_61] : memref<200x16384xi32, #tpu.memory_space<hbm>> -> memref<8x128xi32, #tpu.memory_space<hbm>>
      %dma_start3A_285 = tpu.memref_slice %arg2[%mul3A_283, %add3A_61] : memref<200x16384xi32, #tpu.memory_space<hbm>> -> memref<8x128xi32, #tpu.memory_space<hbm>>
      tpu.enqueue_dma source(%dma_start3A_285 : memref<8x128xi32, #tpu.memory_space<hbm>>) target(%arg4 : memref<8x128xi32, #tpu.memory_space<vmem>>) target_semaphore(%arg8 : memref<!tpu.dma_semaphore, #tpu.memory_space<semaphore_mem>>)
      %dma_wait3A_286 = arith.constant 0 : i32
      %dma_wait3A_287 = tpu.memref_slice %arg2[%dma_wait3A_286, %add3A_61] : memref<200x16384xi32, #tpu.memory_space<hbm>> -> memref<8x128xi32, #tpu.memory_space<hbm>>
      %dma_wait3A_288 = arith.constant 0 : i32
      %dma_wait3A_289 = tpu.memref_slice %arg2[%dma_wait3A_288, %add3A_61] : memref<200x16384xi32, #tpu.memory_space<hbm>> -> memref<8x128xi32, #tpu.memory_space<hbm>>
      tpu.wait_dma2 semaphore(%arg9 : memref<!tpu.dma_semaphore, #tpu.memory_space<semaphore_mem>>) src(%dma_wait3A_289 : memref<8x128xi32, #tpu.memory_space<hbm>>) dst(%arg5 : memref<8x128xi32, #tpu.memory_space<vmem>>)
      %parallel_loop3A_290 = arith.constant 0 : i32
      %parallel_loop3A_291 = arith.constant 64 : i32
      %parallel_loop3A_292 = arith.constant 1 : i32
      scf.for %parallel_loop3A_293 = %parallel_loop3A_290 to %parallel_loop3A_291 step %parallel_loop3A_292  : i32 {
        %parallel_loop3A_294 = arith.constant 7 : i32
        %parallel_loop3A_295 = arith.andi %parallel_loop3A_293, %parallel_loop3A_294 : i32
        %parallel_loop3A_296 = arith.constant 16 : i32
        %parallel_loop3A_297 = arith.muli %parallel_loop3A_295, %parallel_loop3A_296 : i32
        %parallel_loop3A_298 = arith.constant 3 : i32
        %parallel_loop3A_299 = arith.shrsi %parallel_loop3A_293, %parallel_loop3A_298 : i32
        %parallel_loop3A_300 = arith.index_cast %parallel_loop3A_299 : i32 to index
        %parallel_loop3A_301 = arith.index_cast %parallel_loop3A_297 : i32 to index
        %parallel_loop3A_302 = tpu.vector_load %arg5[%parallel_loop3A_300, %parallel_loop3A_301] {strides = array<i32>} : memref<8x128xi32, #tpu.memory_space<vmem>>, vector<16xi32>,
        %parallel_loop3A_303 = arith.constant 1 : i32
        %parallel_loop3A_304 = vector.broadcast %parallel_loop3A_303 : i32 to vector<16xi32>
        %parallel_loop3A_305 = arith.subi %parallel_loop3A_302, %parallel_loop3A_304 : vector<16xi32>
        %parallel_loop3A_306 = vector.broadcast %parallel_loop3A_297 : i32 to vector<16xi32>
        %parallel_loop3A_307 = arith.addi %parallel_loop3A_306, %iota3A : vector<16xi32>
        %parallel_loop3A_308 = vector.broadcast %scan3A_74 : i32 to vector<16xi32>
        %parallel_loop3A_309 = arith.cmpi ult, %parallel_loop3A_305, %parallel_loop3A_308 : vector<16xi32>
        tpu.vector_store_idx %arg6[%parallel_loop3A_305, %parallel_loop3A_307], %broadcast_in_dim3A_3 masked %parallel_loop3A_309 {add = true} : memref<496x128xf32, #tpu.memory_space<vmem>>[vector<16xi32>, vector<16xi32>], vector<16xf32>, vector<16xi1>
      } {sc.loop_unroll_factor = 8 : i64, sc.parallel_access}
    }
    %scan3A_79 = arith.constant 12 : i32
    %dma_wait3A_80 = arith.constant 0 : i32
    %dma_wait3A_81 = tpu.memref_slice %arg2[%dma_wait3A_80, %add3A_61] : memref<200x16384xi32, #tpu.memory_space<hbm>> -> memref<8x128xi32, #tpu.memory_space<hbm>>
    %dma_wait3A_82 = arith.constant 0 : i32
    %dma_wait3A_83 = tpu.memref_slice %arg2[%dma_wait3A_82, %add3A_61] : memref<200x16384xi32, #tpu.memory_space<hbm>> -> memref<8x128xi32, #tpu.memory_space<hbm>>
    tpu.wait_dma2 semaphore(%arg8 : memref<!tpu.dma_semaphore, #tpu.memory_space<semaphore_mem>>) src(%dma_wait3A_83 : memref<8x128xi32, #tpu.memory_space<hbm>>) dst(%arg4 : memref<8x128xi32, #tpu.memory_space<vmem>>)
    %parallel_loop3A_84 = arith.constant 0 : i32
    %parallel_loop3A_85 = arith.constant 64 : i32
    %parallel_loop3A_86 = arith.constant 1 : i32
    %parallel_loop3A_87 = arith.constant 496 : i32
    scf.for %parallel_loop3A_260 = %parallel_loop3A_84 to %parallel_loop3A_85 step %parallel_loop3A_86  : i32 {
      %parallel_loop3A_261 = arith.constant 7 : i32
      %parallel_loop3A_262 = arith.andi %parallel_loop3A_260, %parallel_loop3A_261 : i32
      %parallel_loop3A_263 = arith.constant 16 : i32
      %parallel_loop3A_264 = arith.muli %parallel_loop3A_262, %parallel_loop3A_263 : i32
      %parallel_loop3A_265 = arith.constant 3 : i32
      %parallel_loop3A_266 = arith.shrsi %parallel_loop3A_260, %parallel_loop3A_265 : i32
      %parallel_loop3A_267 = arith.index_cast %parallel_loop3A_266 : i32 to index
      %parallel_loop3A_268 = arith.index_cast %parallel_loop3A_264 : i32 to index
      %parallel_loop3A_269 = tpu.vector_load %arg4[%parallel_loop3A_267, %parallel_loop3A_268] {strides = array<i32>} : memref<8x128xi32, #tpu.memory_space<vmem>>, vector<16xi32>,
      %parallel_loop3A_270 = arith.constant 1 : i32
      %parallel_loop3A_271 = vector.broadcast %parallel_loop3A_270 : i32 to vector<16xi32>
      %parallel_loop3A_272 = arith.subi %parallel_loop3A_269, %parallel_loop3A_271 : vector<16xi32>
      %parallel_loop3A_273 = vector.broadcast %parallel_loop3A_264 : i32 to vector<16xi32>
      %parallel_loop3A_274 = arith.addi %parallel_loop3A_273, %iota3A : vector<16xi32>
      %parallel_loop3A_275 = vector.broadcast %parallel_loop3A_87 : i32 to vector<16xi32>
      %parallel_loop3A_276 = arith.cmpi ult, %parallel_loop3A_272, %parallel_loop3A_275 : vector<16xi32>
      tpu.vector_store_idx %arg6[%parallel_loop3A_272, %parallel_loop3A_274], %broadcast_in_dim3A_3 masked %parallel_loop3A_276 {add = true} : memref<496x128xf32, #tpu.memory_space<vmem>>[vector<16xi32>, vector<16xi32>], vector<16xf32>, vector<16xi1>
    } {sc.loop_unroll_factor = 8 : i64, sc.parallel_access}
    %dma_start3A_88 = arith.constant 0 : i32
    %dma_start3A_89 = tpu.memref_slice %arg3[%dma_start3A_88, %add3A_61] : memref<999x16384xf32, #tpu.memory_space<hbm>> -> memref<496x128xf32, #tpu.memory_space<hbm>>
    %dma_start3A_90 = arith.constant 0 : i32
    %dma_start3A_91 = tpu.memref_slice %arg3[%dma_start3A_90, %add3A_61] : memref<999x16384xf32, #tpu.memory_space<hbm>> -> memref<496x128xf32, #tpu.memory_space<hbm>>
    tpu.enqueue_dma source(%arg6 : memref<496x128xf32, #tpu.memory_space<vmem>>) target(%dma_start3A_91 : memref<496x128xf32, #tpu.memory_space<hbm>>) target_semaphore(%arg10 : memref<!tpu.dma_semaphore, #tpu.memory_space<semaphore_mem>>)
    %add3A_92 = arith.constant 128 : i32
    %add3A_93 = arith.addi %mul3A_7, %add3A_92 : i32
    %dma_wait3A_94 = arith.constant 496 : i32
    %dma_wait3A_95 = tpu.memref_slice %arg3[%dma_wait3A_94, %add3A_33] : memref<999x16384xf32, #tpu.memory_space<hbm>> -> memref<503x128xf32, #tpu.memory_space<hbm>>
    %dma_wait3A_96 = arith.constant 496 : i32
    %dma_wait3A_97 = tpu.memref_slice %arg3[%dma_wait3A_96, %add3A_33] : memref<999x16384xf32, #tpu.memory_space<hbm>> -> memref<503x128xf32, #tpu.memory_space<hbm>>
    tpu.wait_dma2 semaphore(%arg11 : memref<!tpu.dma_semaphore, #tpu.memory_space<semaphore_mem>>) src(%arg7 : memref<503x128xf32, #tpu.memory_space<vmem>>) dst(%dma_wait3A_97 : memref<503x128xf32, #tpu.memory_space<hbm>>)
    %parallel_loop3A_98 = arith.constant 0 : i32
    %parallel_loop3A_99 = arith.constant 4024 : i32
    %parallel_loop3A_100 = arith.constant 1 : i32
    scf.for %parallel_loop3A_260 = %parallel_loop3A_98 to %parallel_loop3A_99 step %parallel_loop3A_100  : i32 {
      %parallel_loop3A_261 = arith.constant 3 : i32
      %parallel_loop3A_262 = arith.shrsi %parallel_loop3A_260, %parallel_loop3A_261 : i32
      %parallel_loop3A_263 = arith.constant 7 : i32
      %parallel_loop3A_264 = arith.andi %parallel_loop3A_260, %parallel_loop3A_263 : i32
      %parallel_loop3A_265 = arith.constant 16 : i32
      %parallel_loop3A_266 = arith.muli %parallel_loop3A_264, %parallel_loop3A_265 : i32
      %parallel_loop3A_267 = arith.index_cast %parallel_loop3A_262 : i32 to index
      %parallel_loop3A_268 = arith.index_cast %parallel_loop3A_266 : i32 to index
      %parallel_loop3A_269 = tpu.vector_load %arg7[%parallel_loop3A_267, %parallel_loop3A_268] {strides = array<i32>} : memref<503x128xf32, #tpu.memory_space<vmem>>, vector<16xf32>,
      tpu.vector_store %arg7[%parallel_loop3A_267, %parallel_loop3A_268], %broadcast_in_dim3A_1 {strides = array<i32>} : memref<503x128xf32, #tpu.memory_space<vmem>>, vector<16xf32>,
    } {sc.loop_unroll_factor = 12 : i64, sc.parallel_access}
    %dma_start3A_101 = arith.constant 0 : i32
    %dma_start3A_102 = tpu.memref_slice %arg2[%dma_start3A_101, %add3A_93] : memref<200x16384xi32, #tpu.memory_space<hbm>> -> memref<8x128xi32, #tpu.memory_space<hbm>>
    %dma_start3A_103 = arith.constant 0 : i32
    %dma_start3A_104 = tpu.memref_slice %arg2[%dma_start3A_103, %add3A_93] : memref<200x16384xi32, #tpu.memory_space<hbm>> -> memref<8x128xi32, #tpu.memory_space<hbm>>
    tpu.enqueue_dma source(%dma_start3A_104 : memref<8x128xi32, #tpu.memory_space<hbm>>) target(%arg4 : memref<8x128xi32, #tpu.memory_space<vmem>>) target_semaphore(%arg8 : memref<!tpu.dma_semaphore, #tpu.memory_space<semaphore_mem>>)
    %scan3A_105 = arith.constant 503 : i32
    %scan3A_106 = arith.constant 503 : i32
    %scan3A_107 = arith.constant 0 : i32
    %scan3A_108 = arith.constant 12 : i32
    %scan3A_109 = arith.addi %scan3A_107, %scan3A_108 : i32
    %scan3A_110 = arith.constant 1 : i32
    scf.for %scan3A_260 = %scan3A_107 to %scan3A_109 step %scan3A_110  : i32 {
      %mul3A_261 = arith.constant 1 : i32
      %mul3A_262 = arith.muli %scan3A_260, %mul3A_261 : i32
      %add3A_263 = arith.constant 0 : i32
      %add3A_264 = arith.addi %add3A_263, %mul3A_262 : i32
      %mul3A_265 = arith.constant 2 : i32
      %mul3A_266 = arith.muli %add3A_264, %mul3A_265 : i32
      %add3A_267 = arith.constant 1 : i32
      %add3A_268 = arith.addi %mul3A_266, %add3A_267 : i32
      %mul3A_269 = arith.constant 8 : i32
      %mul3A_270 = arith.muli %add3A_268, %mul3A_269 : i32
      %dma_start3A_271 = tpu.memref_slice %arg2[%mul3A_270, %add3A_93] : memref<200x16384xi32, #tpu.memory_space<hbm>> -> memref<8x128xi32, #tpu.memory_space<hbm>>
      %dma_start3A_272 = tpu.memref_slice %arg2[%mul3A_270, %add3A_93] : memref<200x16384xi32, #tpu.memory_space<hbm>> -> memref<8x128xi32, #tpu.memory_space<hbm>>
      tpu.enqueue_dma source(%dma_start3A_272 : memref<8x128xi32, #tpu.memory_space<hbm>>) target(%arg5 : memref<8x128xi32, #tpu.memory_space<vmem>>) target_semaphore(%arg9 : memref<!tpu.dma_semaphore, #tpu.memory_space<semaphore_mem>>)
      %dma_wait3A_273 = arith.constant 0 : i32
      %dma_wait3A_274 = tpu.memref_slice %arg2[%dma_wait3A_273, %add3A_93] : memref<200x16384xi32, #tpu.memory_space<hbm>> -> memref<8x128xi32, #tpu.memory_space<hbm>>
      %dma_wait3A_275 = arith.constant 0 : i32
      %dma_wait3A_276 = tpu.memref_slice %arg2[%dma_wait3A_275, %add3A_93] : memref<200x16384xi32, #tpu.memory_space<hbm>> -> memref<8x128xi32, #tpu.memory_space<hbm>>
      tpu.wait_dma2 semaphore(%arg8 : memref<!tpu.dma_semaphore, #tpu.memory_space<semaphore_mem>>) src(%dma_wait3A_276 : memref<8x128xi32, #tpu.memory_space<hbm>>) dst(%arg4 : memref<8x128xi32, #tpu.memory_space<vmem>>)
      %parallel_loop3A_277 = arith.constant 0 : i32
      %parallel_loop3A_278 = arith.constant 64 : i32
      %parallel_loop3A_279 = arith.constant 1 : i32
      scf.for %parallel_loop3A_293 = %parallel_loop3A_277 to %parallel_loop3A_278 step %parallel_loop3A_279  : i32 {
        %parallel_loop3A_294 = arith.constant 7 : i32
        %parallel_loop3A_295 = arith.andi %parallel_loop3A_293, %parallel_loop3A_294 : i32
        %parallel_loop3A_296 = arith.constant 16 : i32
        %parallel_loop3A_297 = arith.muli %parallel_loop3A_295, %parallel_loop3A_296 : i32
        %parallel_loop3A_298 = arith.constant 3 : i32
        %parallel_loop3A_299 = arith.shrsi %parallel_loop3A_293, %parallel_loop3A_298 : i32
        %parallel_loop3A_300 = arith.index_cast %parallel_loop3A_299 : i32 to index
        %parallel_loop3A_301 = arith.index_cast %parallel_loop3A_297 : i32 to index
        %parallel_loop3A_302 = tpu.vector_load %arg4[%parallel_loop3A_300, %parallel_loop3A_301] {strides = array<i32>} : memref<8x128xi32, #tpu.memory_space<vmem>>, vector<16xi32>,
        %parallel_loop3A_303 = arith.constant 497 : i32
        %parallel_loop3A_304 = vector.broadcast %parallel_loop3A_303 : i32 to vector<16xi32>
        %parallel_loop3A_305 = arith.subi %parallel_loop3A_302, %parallel_loop3A_304 : vector<16xi32>
        %parallel_loop3A_306 = vector.broadcast %parallel_loop3A_297 : i32 to vector<16xi32>
        %parallel_loop3A_307 = arith.addi %parallel_loop3A_306, %iota3A : vector<16xi32>
        %parallel_loop3A_308 = vector.broadcast %scan3A_105 : i32 to vector<16xi32>
        %parallel_loop3A_309 = arith.cmpi ult, %parallel_loop3A_305, %parallel_loop3A_308 : vector<16xi32>
        tpu.vector_store_idx %arg7[%parallel_loop3A_305, %parallel_loop3A_307], %broadcast_in_dim3A_3 masked %parallel_loop3A_309 {add = true} : memref<503x128xf32, #tpu.memory_space<vmem>>[vector<16xi32>, vector<16xi32>], vector<16xf32>, vector<16xi1>
      } {sc.loop_unroll_factor = 8 : i64, sc.parallel_access}
      %add3A_280 = arith.constant 2 : i32
      %add3A_281 = arith.addi %mul3A_266, %add3A_280 : i32
      %mul3A_282 = arith.constant 8 : i32
      %mul3A_283 = arith.muli %add3A_281, %mul3A_282 : i32
      %dma_start3A_284 = tpu.memref_slice %arg2[%mul3A_283, %add3A_93] : memref<200x16384xi32, #tpu.memory_space<hbm>> -> memref<8x128xi32, #tpu.memory_space<hbm>>
      %dma_start3A_285 = tpu.memref_slice %arg2[%mul3A_283, %add3A_93] : memref<200x16384xi32, #tpu.memory_space<hbm>> -> memref<8x128xi32, #tpu.memory_space<hbm>>
      tpu.enqueue_dma source(%dma_start3A_285 : memref<8x128xi32, #tpu.memory_space<hbm>>) target(%arg4 : memref<8x128xi32, #tpu.memory_space<vmem>>) target_semaphore(%arg8 : memref<!tpu.dma_semaphore, #tpu.memory_space<semaphore_mem>>)
      %dma_wait3A_286 = arith.constant 0 : i32
      %dma_wait3A_287 = tpu.memref_slice %arg2[%dma_wait3A_286, %add3A_93] : memref<200x16384xi32, #tpu.memory_space<hbm>> -> memref<8x128xi32, #tpu.memory_space<hbm>>
      %dma_wait3A_288 = arith.constant 0 : i32
      %dma_wait3A_289 = tpu.memref_slice %arg2[%dma_wait3A_288, %add3A_93] : memref<200x16384xi32, #tpu.memory_space<hbm>> -> memref<8x128xi32, #tpu.memory_space<hbm>>
      tpu.wait_dma2 semaphore(%arg9 : memref<!tpu.dma_semaphore, #tpu.memory_space<semaphore_mem>>) src(%dma_wait3A_289 : memref<8x128xi32, #tpu.memory_space<hbm>>) dst(%arg5 : memref<8x128xi32, #tpu.memory_space<vmem>>)
      %parallel_loop3A_290 = arith.constant 0 : i32
      %parallel_loop3A_291 = arith.constant 64 : i32
      %parallel_loop3A_292 = arith.constant 1 : i32
      scf.for %parallel_loop3A_293 = %parallel_loop3A_290 to %parallel_loop3A_291 step %parallel_loop3A_292  : i32 {
        %parallel_loop3A_294 = arith.constant 7 : i32
        %parallel_loop3A_295 = arith.andi %parallel_loop3A_293, %parallel_loop3A_294 : i32
        %parallel_loop3A_296 = arith.constant 16 : i32
        %parallel_loop3A_297 = arith.muli %parallel_loop3A_295, %parallel_loop3A_296 : i32
        %parallel_loop3A_298 = arith.constant 3 : i32
        %parallel_loop3A_299 = arith.shrsi %parallel_loop3A_293, %parallel_loop3A_298 : i32
        %parallel_loop3A_300 = arith.index_cast %parallel_loop3A_299 : i32 to index
        %parallel_loop3A_301 = arith.index_cast %parallel_loop3A_297 : i32 to index
        %parallel_loop3A_302 = tpu.vector_load %arg5[%parallel_loop3A_300, %parallel_loop3A_301] {strides = array<i32>} : memref<8x128xi32, #tpu.memory_space<vmem>>, vector<16xi32>,
        %parallel_loop3A_303 = arith.constant 497 : i32
        %parallel_loop3A_304 = vector.broadcast %parallel_loop3A_303 : i32 to vector<16xi32>
        %parallel_loop3A_305 = arith.subi %parallel_loop3A_302, %parallel_loop3A_304 : vector<16xi32>
        %parallel_loop3A_306 = vector.broadcast %parallel_loop3A_297 : i32 to vector<16xi32>
        %parallel_loop3A_307 = arith.addi %parallel_loop3A_306, %iota3A : vector<16xi32>
        %parallel_loop3A_308 = vector.broadcast %scan3A_106 : i32 to vector<16xi32>
        %parallel_loop3A_309 = arith.cmpi ult, %parallel_loop3A_305, %parallel_loop3A_308 : vector<16xi32>
        tpu.vector_store_idx %arg7[%parallel_loop3A_305, %parallel_loop3A_307], %broadcast_in_dim3A_3 masked %parallel_loop3A_309 {add = true} : memref<503x128xf32, #tpu.memory_space<vmem>>[vector<16xi32>, vector<16xi32>], vector<16xf32>, vector<16xi1>
      } {sc.loop_unroll_factor = 8 : i64, sc.parallel_access}
    }
    %scan3A_111 = arith.constant 12 : i32
    %dma_wait3A_112 = arith.constant 0 : i32
    %dma_wait3A_113 = tpu.memref_slice %arg2[%dma_wait3A_112, %add3A_93] : memref<200x16384xi32, #tpu.memory_space<hbm>> -> memref<8x128xi32, #tpu.memory_space<hbm>>
    %dma_wait3A_114 = arith.constant 0 : i32
    %dma_wait3A_115 = tpu.memref_slice %arg2[%dma_wait3A_114, %add3A_93] : memref<200x16384xi32, #tpu.memory_space<hbm>> -> memref<8x128xi32, #tpu.memory_space<hbm>>
    tpu.wait_dma2 semaphore(%arg8 : memref<!tpu.dma_semaphore, #tpu.memory_space<semaphore_mem>>) src(%dma_wait3A_115 : memref<8x128xi32, #tpu.memory_space<hbm>>) dst(%arg4 : memref<8x128xi32, #tpu.memory_space<vmem>>)
    %parallel_loop3A_116 = arith.constant 0 : i32
    %parallel_loop3A_117 = arith.constant 64 : i32
    %parallel_loop3A_118 = arith.constant 1 : i32
    %parallel_loop3A_119 = arith.constant 503 : i32
    scf.for %parallel_loop3A_260 = %parallel_loop3A_116 to %parallel_loop3A_117 step %parallel_loop3A_118  : i32 {
      %parallel_loop3A_261 = arith.constant 7 : i32
      %parallel_loop3A_262 = arith.andi %parallel_loop3A_260, %parallel_loop3A_261 : i32
      %parallel_loop3A_263 = arith.constant 16 : i32
      %parallel_loop3A_264 = arith.muli %parallel_loop3A_262, %parallel_loop3A_263 : i32
      %parallel_loop3A_265 = arith.constant 3 : i32
      %parallel_loop3A_266 = arith.shrsi %parallel_loop3A_260, %parallel_loop3A_265 : i32
      %parallel_loop3A_267 = arith.index_cast %parallel_loop3A_266 : i32 to index
      %parallel_loop3A_268 = arith.index_cast %parallel_loop3A_264 : i32 to index
      %parallel_loop3A_269 = tpu.vector_load %arg4[%parallel_loop3A_267, %parallel_loop3A_268] {strides = array<i32>} : memref<8x128xi32, #tpu.memory_space<vmem>>, vector<16xi32>,
      %parallel_loop3A_270 = arith.constant 497 : i32
      %parallel_loop3A_271 = vector.broadcast %parallel_loop3A_270 : i32 to vector<16xi32>
      %parallel_loop3A_272 = arith.subi %parallel_loop3A_269, %parallel_loop3A_271 : vector<16xi32>
      %parallel_loop3A_273 = vector.broadcast %parallel_loop3A_264 : i32 to vector<16xi32>
      %parallel_loop3A_274 = arith.addi %parallel_loop3A_273, %iota3A : vector<16xi32>
      %parallel_loop3A_275 = vector.broadcast %parallel_loop3A_119 : i32 to vector<16xi32>
      %parallel_loop3A_276 = arith.cmpi ult, %parallel_loop3A_272, %parallel_loop3A_275 : vector<16xi32>
      tpu.vector_store_idx %arg7[%parallel_loop3A_272, %parallel_loop3A_274], %broadcast_in_dim3A_3 masked %parallel_loop3A_276 {add = true} : memref<503x128xf32, #tpu.memory_space<vmem>>[vector<16xi32>, vector<16xi32>], vector<16xf32>, vector<16xi1>
    } {sc.loop_unroll_factor = 8 : i64, sc.parallel_access}
    %dma_start3A_120 = arith.constant 496 : i32
    %dma_start3A_121 = tpu.memref_slice %arg3[%dma_start3A_120, %add3A_93] : memref<999x16384xf32, #tpu.memory_space<hbm>> -> memref<503x128xf32, #tpu.memory_space<hbm>>
    %dma_start3A_122 = arith.constant 496 : i32
    %dma_start3A_123 = tpu.memref_slice %arg3[%dma_start3A_122, %add3A_93] : memref<999x16384xf32, #tpu.memory_space<hbm>> -> memref<503x128xf32, #tpu.memory_space<hbm>>
    tpu.enqueue_dma source(%arg7 : memref<503x128xf32, #tpu.memory_space<vmem>>) target(%dma_start3A_123 : memref<503x128xf32, #tpu.memory_space<hbm>>) target_semaphore(%arg11 : memref<!tpu.dma_semaphore, #tpu.memory_space<semaphore_mem>>)
    %add3A_124 = arith.constant 256 : i32
    %add3A_125 = arith.addi %mul3A_7, %add3A_124 : i32
    %dma_wait3A_126 = arith.constant 0 : i32
    %dma_wait3A_127 = tpu.memref_slice %arg3[%dma_wait3A_126, %add3A_61] : memref<999x16384xf32, #tpu.memory_space<hbm>> -> memref<496x128xf32, #tpu.memory_space<hbm>>
    %dma_wait3A_128 = arith.constant 0 : i32
    %dma_wait3A_129 = tpu.memref_slice %arg3[%dma_wait3A_128, %add3A_61] : memref<999x16384xf32, #tpu.memory_space<hbm>> -> memref<496x128xf32, #tpu.memory_space<hbm>>
    tpu.wait_dma2 semaphore(%arg10 : memref<!tpu.dma_semaphore, #tpu.memory_space<semaphore_mem>>) src(%arg6 : memref<496x128xf32, #tpu.memory_space<vmem>>) dst(%dma_wait3A_129 : memref<496x128xf32, #tpu.memory_space<hbm>>)
    %parallel_loop3A_130 = arith.constant 0 : i32
    %parallel_loop3A_131 = arith.constant 3968 : i32
    %parallel_loop3A_132 = arith.constant 1 : i32
    scf.for %parallel_loop3A_260 = %parallel_loop3A_130 to %parallel_loop3A_131 step %parallel_loop3A_132  : i32 {
      %parallel_loop3A_261 = arith.constant 3 : i32
      %parallel_loop3A_262 = arith.shrsi %parallel_loop3A_260, %parallel_loop3A_261 : i32
      %parallel_loop3A_263 = arith.constant 7 : i32
      %parallel_loop3A_264 = arith.andi %parallel_loop3A_260, %parallel_loop3A_263 : i32
      %parallel_loop3A_265 = arith.constant 16 : i32
      %parallel_loop3A_266 = arith.muli %parallel_loop3A_264, %parallel_loop3A_265 : i32
      %parallel_loop3A_267 = arith.index_cast %parallel_loop3A_262 : i32 to index
      %parallel_loop3A_268 = arith.index_cast %parallel_loop3A_266 : i32 to index
      %parallel_loop3A_269 = tpu.vector_load %arg6[%parallel_loop3A_267, %parallel_loop3A_268] {strides = array<i32>} : memref<496x128xf32, #tpu.memory_space<vmem>>, vector<16xf32>,
      tpu.vector_store %arg6[%parallel_loop3A_267, %parallel_loop3A_268], %broadcast_in_dim3A_1 {strides = array<i32>} : memref<496x128xf32, #tpu.memory_space<vmem>>, vector<16xf32>,
    } {sc.loop_unroll_factor = 12 : i64, sc.parallel_access}
    %dma_start3A_133 = arith.constant 0 : i32
    %dma_start3A_134 = tpu.memref_slice %arg2[%dma_start3A_133, %add3A_125] : memref<200x16384xi32, #tpu.memory_space<hbm>> -> memref<8x128xi32, #tpu.memory_space<hbm>>
    %dma_start3A_135 = arith.constant 0 : i32
    %dma_start3A_136 = tpu.memref_slice %arg2[%dma_start3A_135, %add3A_125] : memref<200x16384xi32, #tpu.memory_space<hbm>> -> memref<8x128xi32, #tpu.memory_space<hbm>>
    tpu.enqueue_dma source(%dma_start3A_136 : memref<8x128xi32, #tpu.memory_space<hbm>>) target(%arg4 : memref<8x128xi32, #tpu.memory_space<vmem>>) target_semaphore(%arg8 : memref<!tpu.dma_semaphore, #tpu.memory_space<semaphore_mem>>)
    %scan3A_137 = arith.constant 496 : i32
    %scan3A_138 = arith.constant 496 : i32
    %scan3A_139 = arith.constant 0 : i32
    %scan3A_140 = arith.constant 12 : i32
    %scan3A_141 = arith.addi %scan3A_139, %scan3A_140 : i32
    %scan3A_142 = arith.constant 1 : i32
    scf.for %scan3A_260 = %scan3A_139 to %scan3A_141 step %scan3A_142  : i32 {
      %mul3A_261 = arith.constant 1 : i32
      %mul3A_262 = arith.muli %scan3A_260, %mul3A_261 : i32
      %add3A_263 = arith.constant 0 : i32
      %add3A_264 = arith.addi %add3A_263, %mul3A_262 : i32
      %mul3A_265 = arith.constant 2 : i32
      %mul3A_266 = arith.muli %add3A_264, %mul3A_265 : i32
      %add3A_267 = arith.constant 1 : i32
      %add3A_268 = arith.addi %mul3A_266, %add3A_267 : i32
      %mul3A_269 = arith.constant 8 : i32
      %mul3A_270 = arith.muli %add3A_268, %mul3A_269 : i32
      %dma_start3A_271 = tpu.memref_slice %arg2[%mul3A_270, %add3A_125] : memref<200x16384xi32, #tpu.memory_space<hbm>> -> memref<8x128xi32, #tpu.memory_space<hbm>>
      %dma_start3A_272 = tpu.memref_slice %arg2[%mul3A_270, %add3A_125] : memref<200x16384xi32, #tpu.memory_space<hbm>> -> memref<8x128xi32, #tpu.memory_space<hbm>>
      tpu.enqueue_dma source(%dma_start3A_272 : memref<8x128xi32, #tpu.memory_space<hbm>>) target(%arg5 : memref<8x128xi32, #tpu.memory_space<vmem>>) target_semaphore(%arg9 : memref<!tpu.dma_semaphore, #tpu.memory_space<semaphore_mem>>)
      %dma_wait3A_273 = arith.constant 0 : i32
      %dma_wait3A_274 = tpu.memref_slice %arg2[%dma_wait3A_273, %add3A_125] : memref<200x16384xi32, #tpu.memory_space<hbm>> -> memref<8x128xi32, #tpu.memory_space<hbm>>
      %dma_wait3A_275 = arith.constant 0 : i32
      %dma_wait3A_276 = tpu.memref_slice %arg2[%dma_wait3A_275, %add3A_125] : memref<200x16384xi32, #tpu.memory_space<hbm>> -> memref<8x128xi32, #tpu.memory_space<hbm>>
      tpu.wait_dma2 semaphore(%arg8 : memref<!tpu.dma_semaphore, #tpu.memory_space<semaphore_mem>>) src(%dma_wait3A_276 : memref<8x128xi32, #tpu.memory_space<hbm>>) dst(%arg4 : memref<8x128xi32, #tpu.memory_space<vmem>>)
      %parallel_loop3A_277 = arith.constant 0 : i32
      %parallel_loop3A_278 = arith.constant 64 : i32
      %parallel_loop3A_279 = arith.constant 1 : i32
      scf.for %parallel_loop3A_293 = %parallel_loop3A_277 to %parallel_loop3A_278 step %parallel_loop3A_279  : i32 {
        %parallel_loop3A_294 = arith.constant 7 : i32
        %parallel_loop3A_295 = arith.andi %parallel_loop3A_293, %parallel_loop3A_294 : i32
        %parallel_loop3A_296 = arith.constant 16 : i32
        %parallel_loop3A_297 = arith.muli %parallel_loop3A_295, %parallel_loop3A_296 : i32
        %parallel_loop3A_298 = arith.constant 3 : i32
        %parallel_loop3A_299 = arith.shrsi %parallel_loop3A_293, %parallel_loop3A_298 : i32
        %parallel_loop3A_300 = arith.index_cast %parallel_loop3A_299 : i32 to index
        %parallel_loop3A_301 = arith.index_cast %parallel_loop3A_297 : i32 to index
        %parallel_loop3A_302 = tpu.vector_load %arg4[%parallel_loop3A_300, %parallel_loop3A_301] {strides = array<i32>} : memref<8x128xi32, #tpu.memory_space<vmem>>, vector<16xi32>,
        %parallel_loop3A_303 = arith.constant 1 : i32
        %parallel_loop3A_304 = vector.broadcast %parallel_loop3A_303 : i32 to vector<16xi32>
        %parallel_loop3A_305 = arith.subi %parallel_loop3A_302, %parallel_loop3A_304 : vector<16xi32>
        %parallel_loop3A_306 = vector.broadcast %parallel_loop3A_297 : i32 to vector<16xi32>
        %parallel_loop3A_307 = arith.addi %parallel_loop3A_306, %iota3A : vector<16xi32>
        %parallel_loop3A_308 = vector.broadcast %scan3A_137 : i32 to vector<16xi32>
        %parallel_loop3A_309 = arith.cmpi ult, %parallel_loop3A_305, %parallel_loop3A_308 : vector<16xi32>
        tpu.vector_store_idx %arg6[%parallel_loop3A_305, %parallel_loop3A_307], %broadcast_in_dim3A_3 masked %parallel_loop3A_309 {add = true} : memref<496x128xf32, #tpu.memory_space<vmem>>[vector<16xi32>, vector<16xi32>], vector<16xf32>, vector<16xi1>
      } {sc.loop_unroll_factor = 8 : i64, sc.parallel_access}
      %add3A_280 = arith.constant 2 : i32
      %add3A_281 = arith.addi %mul3A_266, %add3A_280 : i32
      %mul3A_282 = arith.constant 8 : i32
      %mul3A_283 = arith.muli %add3A_281, %mul3A_282 : i32
      %dma_start3A_284 = tpu.memref_slice %arg2[%mul3A_283, %add3A_125] : memref<200x16384xi32, #tpu.memory_space<hbm>> -> memref<8x128xi32, #tpu.memory_space<hbm>>
      %dma_start3A_285 = tpu.memref_slice %arg2[%mul3A_283, %add3A_125] : memref<200x16384xi32, #tpu.memory_space<hbm>> -> memref<8x128xi32, #tpu.memory_space<hbm>>
      tpu.enqueue_dma source(%dma_start3A_285 : memref<8x128xi32, #tpu.memory_space<hbm>>) target(%arg4 : memref<8x128xi32, #tpu.memory_space<vmem>>) target_semaphore(%arg8 : memref<!tpu.dma_semaphore, #tpu.memory_space<semaphore_mem>>)
      %dma_wait3A_286 = arith.constant 0 : i32
      %dma_wait3A_287 = tpu.memref_slice %arg2[%dma_wait3A_286, %add3A_125] : memref<200x16384xi32, #tpu.memory_space<hbm>> -> memref<8x128xi32, #tpu.memory_space<hbm>>
      %dma_wait3A_288 = arith.constant 0 : i32
      %dma_wait3A_289 = tpu.memref_slice %arg2[%dma_wait3A_288, %add3A_125] : memref<200x16384xi32, #tpu.memory_space<hbm>> -> memref<8x128xi32, #tpu.memory_space<hbm>>
      tpu.wait_dma2 semaphore(%arg9 : memref<!tpu.dma_semaphore, #tpu.memory_space<semaphore_mem>>) src(%dma_wait3A_289 : memref<8x128xi32, #tpu.memory_space<hbm>>) dst(%arg5 : memref<8x128xi32, #tpu.memory_space<vmem>>)
      %parallel_loop3A_290 = arith.constant 0 : i32
      %parallel_loop3A_291 = arith.constant 64 : i32
      %parallel_loop3A_292 = arith.constant 1 : i32
      scf.for %parallel_loop3A_293 = %parallel_loop3A_290 to %parallel_loop3A_291 step %parallel_loop3A_292  : i32 {
        %parallel_loop3A_294 = arith.constant 7 : i32
        %parallel_loop3A_295 = arith.andi %parallel_loop3A_293, %parallel_loop3A_294 : i32
        %parallel_loop3A_296 = arith.constant 16 : i32
        %parallel_loop3A_297 = arith.muli %parallel_loop3A_295, %parallel_loop3A_296 : i32
        %parallel_loop3A_298 = arith.constant 3 : i32
        %parallel_loop3A_299 = arith.shrsi %parallel_loop3A_293, %parallel_loop3A_298 : i32
        %parallel_loop3A_300 = arith.index_cast %parallel_loop3A_299 : i32 to index
        %parallel_loop3A_301 = arith.index_cast %parallel_loop3A_297 : i32 to index
        %parallel_loop3A_302 = tpu.vector_load %arg5[%parallel_loop3A_300, %parallel_loop3A_301] {strides = array<i32>} : memref<8x128xi32, #tpu.memory_space<vmem>>, vector<16xi32>,
        %parallel_loop3A_303 = arith.constant 1 : i32
        %parallel_loop3A_304 = vector.broadcast %parallel_loop3A_303 : i32 to vector<16xi32>
        %parallel_loop3A_305 = arith.subi %parallel_loop3A_302, %parallel_loop3A_304 : vector<16xi32>
        %parallel_loop3A_306 = vector.broadcast %parallel_loop3A_297 : i32 to vector<16xi32>
        %parallel_loop3A_307 = arith.addi %parallel_loop3A_306, %iota3A : vector<16xi32>
        %parallel_loop3A_308 = vector.broadcast %scan3A_138 : i32 to vector<16xi32>
        %parallel_loop3A_309 = arith.cmpi ult, %parallel_loop3A_305, %parallel_loop3A_308 : vector<16xi32>
        tpu.vector_store_idx %arg6[%parallel_loop3A_305, %parallel_loop3A_307], %broadcast_in_dim3A_3 masked %parallel_loop3A_309 {add = true} : memref<496x128xf32, #tpu.memory_space<vmem>>[vector<16xi32>, vector<16xi32>], vector<16xf32>, vector<16xi1>
      } {sc.loop_unroll_factor = 8 : i64, sc.parallel_access}
    }
    %scan3A_143 = arith.constant 12 : i32
    %dma_wait3A_144 = arith.constant 0 : i32
    %dma_wait3A_145 = tpu.memref_slice %arg2[%dma_wait3A_144, %add3A_125] : memref<200x16384xi32, #tpu.memory_space<hbm>> -> memref<8x128xi32, #tpu.memory_space<hbm>>
    %dma_wait3A_146 = arith.constant 0 : i32
    %dma_wait3A_147 = tpu.memref_slice %arg2[%dma_wait3A_146, %add3A_125] : memref<200x16384xi32, #tpu.memory_space<hbm>> -> memref<8x128xi32, #tpu.memory_space<hbm>>
    tpu.wait_dma2 semaphore(%arg8 : memref<!tpu.dma_semaphore, #tpu.memory_space<semaphore_mem>>) src(%dma_wait3A_147 : memref<8x128xi32, #tpu.memory_space<hbm>>) dst(%arg4 : memref<8x128xi32, #tpu.memory_space<vmem>>)
    %parallel_loop3A_148 = arith.constant 0 : i32
    %parallel_loop3A_149 = arith.constant 64 : i32
    %parallel_loop3A_150 = arith.constant 1 : i32
    %parallel_loop3A_151 = arith.constant 496 : i32
    scf.for %parallel_loop3A_260 = %parallel_loop3A_148 to %parallel_loop3A_149 step %parallel_loop3A_150  : i32 {
      %parallel_loop3A_261 = arith.constant 7 : i32
      %parallel_loop3A_262 = arith.andi %parallel_loop3A_260, %parallel_loop3A_261 : i32
      %parallel_loop3A_263 = arith.constant 16 : i32
      %parallel_loop3A_264 = arith.muli %parallel_loop3A_262, %parallel_loop3A_263 : i32
      %parallel_loop3A_265 = arith.constant 3 : i32
      %parallel_loop3A_266 = arith.shrsi %parallel_loop3A_260, %parallel_loop3A_265 : i32
      %parallel_loop3A_267 = arith.index_cast %parallel_loop3A_266 : i32 to index
      %parallel_loop3A_268 = arith.index_cast %parallel_loop3A_264 : i32 to index
      %parallel_loop3A_269 = tpu.vector_load %arg4[%parallel_loop3A_267, %parallel_loop3A_268] {strides = array<i32>} : memref<8x128xi32, #tpu.memory_space<vmem>>, vector<16xi32>,
      %parallel_loop3A_270 = arith.constant 1 : i32
      %parallel_loop3A_271 = vector.broadcast %parallel_loop3A_270 : i32 to vector<16xi32>
      %parallel_loop3A_272 = arith.subi %parallel_loop3A_269, %parallel_loop3A_271 : vector<16xi32>
      %parallel_loop3A_273 = vector.broadcast %parallel_loop3A_264 : i32 to vector<16xi32>
      %parallel_loop3A_274 = arith.addi %parallel_loop3A_273, %iota3A : vector<16xi32>
      %parallel_loop3A_275 = vector.broadcast %parallel_loop3A_151 : i32 to vector<16xi32>
      %parallel_loop3A_276 = arith.cmpi ult, %parallel_loop3A_272, %parallel_loop3A_275 : vector<16xi32>
      tpu.vector_store_idx %arg6[%parallel_loop3A_272, %parallel_loop3A_274], %broadcast_in_dim3A_3 masked %parallel_loop3A_276 {add = true} : memref<496x128xf32, #tpu.memory_space<vmem>>[vector<16xi32>, vector<16xi32>], vector<16xf32>, vector<16xi1>
    } {sc.loop_unroll_factor = 8 : i64, sc.parallel_access}
    %dma_start3A_152 = arith.constant 0 : i32
    %dma_start3A_153 = tpu.memref_slice %arg3[%dma_start3A_152, %add3A_125] : memref<999x16384xf32, #tpu.memory_space<hbm>> -> memref<496x128xf32, #tpu.memory_space<hbm>>
    %dma_start3A_154 = arith.constant 0 : i32
    %dma_start3A_155 = tpu.memref_slice %arg3[%dma_start3A_154, %add3A_125] : memref<999x16384xf32, #tpu.memory_space<hbm>> -> memref<496x128xf32, #tpu.memory_space<hbm>>
    tpu.enqueue_dma source(%arg6 : memref<496x128xf32, #tpu.memory_space<vmem>>) target(%dma_start3A_155 : memref<496x128xf32, #tpu.memory_space<hbm>>) target_semaphore(%arg10 : memref<!tpu.dma_semaphore, #tpu.memory_space<semaphore_mem>>)
    %add3A_156 = arith.constant 256 : i32
    %add3A_157 = arith.addi %mul3A_7, %add3A_156 : i32
    %dma_wait3A_158 = arith.constant 496 : i32
    %dma_wait3A_159 = tpu.memref_slice %arg3[%dma_wait3A_158, %add3A_93] : memref<999x16384xf32, #tpu.memory_space<hbm>> -> memref<503x128xf32, #tpu.memory_space<hbm>>
    %dma_wait3A_160 = arith.constant 496 : i32
    %dma_wait3A_161 = tpu.memref_slice %arg3[%dma_wait3A_160, %add3A_93] : memref<999x16384xf32, #tpu.memory_space<hbm>> -> memref<503x128xf32, #tpu.memory_space<hbm>>
    tpu.wait_dma2 semaphore(%arg11 : memref<!tpu.dma_semaphore, #tpu.memory_space<semaphore_mem>>) src(%arg7 : memref<503x128xf32, #tpu.memory_space<vmem>>) dst(%dma_wait3A_161 : memref<503x128xf32, #tpu.memory_space<hbm>>)
    %parallel_loop3A_162 = arith.constant 0 : i32
    %parallel_loop3A_163 = arith.constant 4024 : i32
    %parallel_loop3A_164 = arith.constant 1 : i32
    scf.for %parallel_loop3A_260 = %parallel_loop3A_162 to %parallel_loop3A_163 step %parallel_loop3A_164  : i32 {
      %parallel_loop3A_261 = arith.constant 3 : i32
      %parallel_loop3A_262 = arith.shrsi %parallel_loop3A_260, %parallel_loop3A_261 : i32
      %parallel_loop3A_263 = arith.constant 7 : i32
      %parallel_loop3A_264 = arith.andi %parallel_loop3A_260, %parallel_loop3A_263 : i32
      %parallel_loop3A_265 = arith.constant 16 : i32
      %parallel_loop3A_266 = arith.muli %parallel_loop3A_264, %parallel_loop3A_265 : i32
      %parallel_loop3A_267 = arith.index_cast %parallel_loop3A_262 : i32 to index
      %parallel_loop3A_268 = arith.index_cast %parallel_loop3A_266 : i32 to index
      %parallel_loop3A_269 = tpu.vector_load %arg7[%parallel_loop3A_267, %parallel_loop3A_268] {strides = array<i32>} : memref<503x128xf32, #tpu.memory_space<vmem>>, vector<16xf32>,
      tpu.vector_store %arg7[%parallel_loop3A_267, %parallel_loop3A_268], %broadcast_in_dim3A_1 {strides = array<i32>} : memref<503x128xf32, #tpu.memory_space<vmem>>, vector<16xf32>,
    } {sc.loop_unroll_factor = 12 : i64, sc.parallel_access}
    %dma_start3A_165 = arith.constant 0 : i32
    %dma_start3A_166 = tpu.memref_slice %arg2[%dma_start3A_165, %add3A_157] : memref<200x16384xi32, #tpu.memory_space<hbm>> -> memref<8x128xi32, #tpu.memory_space<hbm>>
    %dma_start3A_167 = arith.constant 0 : i32
    %dma_start3A_168 = tpu.memref_slice %arg2[%dma_start3A_167, %add3A_157] : memref<200x16384xi32, #tpu.memory_space<hbm>> -> memref<8x128xi32, #tpu.memory_space<hbm>>
    tpu.enqueue_dma source(%dma_start3A_168 : memref<8x128xi32, #tpu.memory_space<hbm>>) target(%arg4 : memref<8x128xi32, #tpu.memory_space<vmem>>) target_semaphore(%arg8 : memref<!tpu.dma_semaphore, #tpu.memory_space<semaphore_mem>>)
    %scan3A_169 = arith.constant 503 : i32
    %scan3A_170 = arith.constant 503 : i32
    %scan3A_171 = arith.constant 0 : i32
    %scan3A_172 = arith.constant 12 : i32
    %scan3A_173 = arith.addi %scan3A_171, %scan3A_172 : i32
    %scan3A_174 = arith.constant 1 : i32
    scf.for %scan3A_260 = %scan3A_171 to %scan3A_173 step %scan3A_174  : i32 {
      %mul3A_261 = arith.constant 1 : i32
      %mul3A_262 = arith.muli %scan3A_260, %mul3A_261 : i32
      %add3A_263 = arith.constant 0 : i32
      %add3A_264 = arith.addi %add3A_263, %mul3A_262 : i32
      %mul3A_265 = arith.constant 2 : i32
      %mul3A_266 = arith.muli %add3A_264, %mul3A_265 : i32
      %add3A_267 = arith.constant 1 : i32
      %add3A_268 = arith.addi %mul3A_266, %add3A_267 : i32
      %mul3A_269 = arith.constant 8 : i32
      %mul3A_270 = arith.muli %add3A_268, %mul3A_269 : i32
      %dma_start3A_271 = tpu.memref_slice %arg2[%mul3A_270, %add3A_157] : memref<200x16384xi32, #tpu.memory_space<hbm>> -> memref<8x128xi32, #tpu.memory_space<hbm>>
      %dma_start3A_272 = tpu.memref_slice %arg2[%mul3A_270, %add3A_157] : memref<200x16384xi32, #tpu.memory_space<hbm>> -> memref<8x128xi32, #tpu.memory_space<hbm>>
      tpu.enqueue_dma source(%dma_start3A_272 : memref<8x128xi32, #tpu.memory_space<hbm>>) target(%arg5 : memref<8x128xi32, #tpu.memory_space<vmem>>) target_semaphore(%arg9 : memref<!tpu.dma_semaphore, #tpu.memory_space<semaphore_mem>>)
      %dma_wait3A_273 = arith.constant 0 : i32
      %dma_wait3A_274 = tpu.memref_slice %arg2[%dma_wait3A_273, %add3A_157] : memref<200x16384xi32, #tpu.memory_space<hbm>> -> memref<8x128xi32, #tpu.memory_space<hbm>>
      %dma_wait3A_275 = arith.constant 0 : i32
      %dma_wait3A_276 = tpu.memref_slice %arg2[%dma_wait3A_275, %add3A_157] : memref<200x16384xi32, #tpu.memory_space<hbm>> -> memref<8x128xi32, #tpu.memory_space<hbm>>
      tpu.wait_dma2 semaphore(%arg8 : memref<!tpu.dma_semaphore, #tpu.memory_space<semaphore_mem>>) src(%dma_wait3A_276 : memref<8x128xi32, #tpu.memory_space<hbm>>) dst(%arg4 : memref<8x128xi32, #tpu.memory_space<vmem>>)
      %parallel_loop3A_277 = arith.constant 0 : i32
      %parallel_loop3A_278 = arith.constant 64 : i32
      %parallel_loop3A_279 = arith.constant 1 : i32
      scf.for %parallel_loop3A_293 = %parallel_loop3A_277 to %parallel_loop3A_278 step %parallel_loop3A_279  : i32 {
        %parallel_loop3A_294 = arith.constant 7 : i32
        %parallel_loop3A_295 = arith.andi %parallel_loop3A_293, %parallel_loop3A_294 : i32
        %parallel_loop3A_296 = arith.constant 16 : i32
        %parallel_loop3A_297 = arith.muli %parallel_loop3A_295, %parallel_loop3A_296 : i32
        %parallel_loop3A_298 = arith.constant 3 : i32
        %parallel_loop3A_299 = arith.shrsi %parallel_loop3A_293, %parallel_loop3A_298 : i32
        %parallel_loop3A_300 = arith.index_cast %parallel_loop3A_299 : i32 to index
        %parallel_loop3A_301 = arith.index_cast %parallel_loop3A_297 : i32 to index
        %parallel_loop3A_302 = tpu.vector_load %arg4[%parallel_loop3A_300, %parallel_loop3A_301] {strides = array<i32>} : memref<8x128xi32, #tpu.memory_space<vmem>>, vector<16xi32>,
        %parallel_loop3A_303 = arith.constant 497 : i32
        %parallel_loop3A_304 = vector.broadcast %parallel_loop3A_303 : i32 to vector<16xi32>
        %parallel_loop3A_305 = arith.subi %parallel_loop3A_302, %parallel_loop3A_304 : vector<16xi32>
        %parallel_loop3A_306 = vector.broadcast %parallel_loop3A_297 : i32 to vector<16xi32>
        %parallel_loop3A_307 = arith.addi %parallel_loop3A_306, %iota3A : vector<16xi32>
        %parallel_loop3A_308 = vector.broadcast %scan3A_169 : i32 to vector<16xi32>
        %parallel_loop3A_309 = arith.cmpi ult, %parallel_loop3A_305, %parallel_loop3A_308 : vector<16xi32>
        tpu.vector_store_idx %arg7[%parallel_loop3A_305, %parallel_loop3A_307], %broadcast_in_dim3A_3 masked %parallel_loop3A_309 {add = true} : memref<503x128xf32, #tpu.memory_space<vmem>>[vector<16xi32>, vector<16xi32>], vector<16xf32>, vector<16xi1>
      } {sc.loop_unroll_factor = 8 : i64, sc.parallel_access}
      %add3A_280 = arith.constant 2 : i32
      %add3A_281 = arith.addi %mul3A_266, %add3A_280 : i32
      %mul3A_282 = arith.constant 8 : i32
      %mul3A_283 = arith.muli %add3A_281, %mul3A_282 : i32
      %dma_start3A_284 = tpu.memref_slice %arg2[%mul3A_283, %add3A_157] : memref<200x16384xi32, #tpu.memory_space<hbm>> -> memref<8x128xi32, #tpu.memory_space<hbm>>
      %dma_start3A_285 = tpu.memref_slice %arg2[%mul3A_283, %add3A_157] : memref<200x16384xi32, #tpu.memory_space<hbm>> -> memref<8x128xi32, #tpu.memory_space<hbm>>
      tpu.enqueue_dma source(%dma_start3A_285 : memref<8x128xi32, #tpu.memory_space<hbm>>) target(%arg4 : memref<8x128xi32, #tpu.memory_space<vmem>>) target_semaphore(%arg8 : memref<!tpu.dma_semaphore, #tpu.memory_space<semaphore_mem>>)
      %dma_wait3A_286 = arith.constant 0 : i32
      %dma_wait3A_287 = tpu.memref_slice %arg2[%dma_wait3A_286, %add3A_157] : memref<200x16384xi32, #tpu.memory_space<hbm>> -> memref<8x128xi32, #tpu.memory_space<hbm>>
      %dma_wait3A_288 = arith.constant 0 : i32
      %dma_wait3A_289 = tpu.memref_slice %arg2[%dma_wait3A_288, %add3A_157] : memref<200x16384xi32, #tpu.memory_space<hbm>> -> memref<8x128xi32, #tpu.memory_space<hbm>>
      tpu.wait_dma2 semaphore(%arg9 : memref<!tpu.dma_semaphore, #tpu.memory_space<semaphore_mem>>) src(%dma_wait3A_289 : memref<8x128xi32, #tpu.memory_space<hbm>>) dst(%arg5 : memref<8x128xi32, #tpu.memory_space<vmem>>)
      %parallel_loop3A_290 = arith.constant 0 : i32
      %parallel_loop3A_291 = arith.constant 64 : i32
      %parallel_loop3A_292 = arith.constant 1 : i32
      scf.for %parallel_loop3A_293 = %parallel_loop3A_290 to %parallel_loop3A_291 step %parallel_loop3A_292  : i32 {
        %parallel_loop3A_294 = arith.constant 7 : i32
        %parallel_loop3A_295 = arith.andi %parallel_loop3A_293, %parallel_loop3A_294 : i32
        %parallel_loop3A_296 = arith.constant 16 : i32
        %parallel_loop3A_297 = arith.muli %parallel_loop3A_295, %parallel_loop3A_296 : i32
        %parallel_loop3A_298 = arith.constant 3 : i32
        %parallel_loop3A_299 = arith.shrsi %parallel_loop3A_293, %parallel_loop3A_298 : i32
        %parallel_loop3A_300 = arith.index_cast %parallel_loop3A_299 : i32 to index
        %parallel_loop3A_301 = arith.index_cast %parallel_loop3A_297 : i32 to index
        %parallel_loop3A_302 = tpu.vector_load %arg5[%parallel_loop3A_300, %parallel_loop3A_301] {strides = array<i32>} : memref<8x128xi32, #tpu.memory_space<vmem>>, vector<16xi32>,
        %parallel_loop3A_303 = arith.constant 497 : i32
        %parallel_loop3A_304 = vector.broadcast %parallel_loop3A_303 : i32 to vector<16xi32>
        %parallel_loop3A_305 = arith.subi %parallel_loop3A_302, %parallel_loop3A_304 : vector<16xi32>
        %parallel_loop3A_306 = vector.broadcast %parallel_loop3A_297 : i32 to vector<16xi32>
        %parallel_loop3A_307 = arith.addi %parallel_loop3A_306, %iota3A : vector<16xi32>
        %parallel_loop3A_308 = vector.broadcast %scan3A_170 : i32 to vector<16xi32>
        %parallel_loop3A_309 = arith.cmpi ult, %parallel_loop3A_305, %parallel_loop3A_308 : vector<16xi32>
        tpu.vector_store_idx %arg7[%parallel_loop3A_305, %parallel_loop3A_307], %broadcast_in_dim3A_3 masked %parallel_loop3A_309 {add = true} : memref<503x128xf32, #tpu.memory_space<vmem>>[vector<16xi32>, vector<16xi32>], vector<16xf32>, vector<16xi1>
      } {sc.loop_unroll_factor = 8 : i64, sc.parallel_access}
    }
    %scan3A_175 = arith.constant 12 : i32
    %dma_wait3A_176 = arith.constant 0 : i32
    %dma_wait3A_177 = tpu.memref_slice %arg2[%dma_wait3A_176, %add3A_157] : memref<200x16384xi32, #tpu.memory_space<hbm>> -> memref<8x128xi32, #tpu.memory_space<hbm>>
    %dma_wait3A_178 = arith.constant 0 : i32
    %dma_wait3A_179 = tpu.memref_slice %arg2[%dma_wait3A_178, %add3A_157] : memref<200x16384xi32, #tpu.memory_space<hbm>> -> memref<8x128xi32, #tpu.memory_space<hbm>>
    tpu.wait_dma2 semaphore(%arg8 : memref<!tpu.dma_semaphore, #tpu.memory_space<semaphore_mem>>) src(%dma_wait3A_179 : memref<8x128xi32, #tpu.memory_space<hbm>>) dst(%arg4 : memref<8x128xi32, #tpu.memory_space<vmem>>)
    %parallel_loop3A_180 = arith.constant 0 : i32
    %parallel_loop3A_181 = arith.constant 64 : i32
    %parallel_loop3A_182 = arith.constant 1 : i32
    %parallel_loop3A_183 = arith.constant 503 : i32
    scf.for %parallel_loop3A_260 = %parallel_loop3A_180 to %parallel_loop3A_181 step %parallel_loop3A_182  : i32 {
      %parallel_loop3A_261 = arith.constant 7 : i32
      %parallel_loop3A_262 = arith.andi %parallel_loop3A_260, %parallel_loop3A_261 : i32
      %parallel_loop3A_263 = arith.constant 16 : i32
      %parallel_loop3A_264 = arith.muli %parallel_loop3A_262, %parallel_loop3A_263 : i32
      %parallel_loop3A_265 = arith.constant 3 : i32
      %parallel_loop3A_266 = arith.shrsi %parallel_loop3A_260, %parallel_loop3A_265 : i32
      %parallel_loop3A_267 = arith.index_cast %parallel_loop3A_266 : i32 to index
      %parallel_loop3A_268 = arith.index_cast %parallel_loop3A_264 : i32 to index
      %parallel_loop3A_269 = tpu.vector_load %arg4[%parallel_loop3A_267, %parallel_loop3A_268] {strides = array<i32>} : memref<8x128xi32, #tpu.memory_space<vmem>>, vector<16xi32>,
      %parallel_loop3A_270 = arith.constant 497 : i32
      %parallel_loop3A_271 = vector.broadcast %parallel_loop3A_270 : i32 to vector<16xi32>
      %parallel_loop3A_272 = arith.subi %parallel_loop3A_269, %parallel_loop3A_271 : vector<16xi32>
      %parallel_loop3A_273 = vector.broadcast %parallel_loop3A_264 : i32 to vector<16xi32>
      %parallel_loop3A_274 = arith.addi %parallel_loop3A_273, %iota3A : vector<16xi32>
      %parallel_loop3A_275 = vector.broadcast %parallel_loop3A_183 : i32 to vector<16xi32>
      %parallel_loop3A_276 = arith.cmpi ult, %parallel_loop3A_272, %parallel_loop3A_275 : vector<16xi32>
      tpu.vector_store_idx %arg7[%parallel_loop3A_272, %parallel_loop3A_274], %broadcast_in_dim3A_3 masked %parallel_loop3A_276 {add = true} : memref<503x128xf32, #tpu.memory_space<vmem>>[vector<16xi32>, vector<16xi32>], vector<16xf32>, vector<16xi1>
    } {sc.loop_unroll_factor = 8 : i64, sc.parallel_access}
    %dma_start3A_184 = arith.constant 496 : i32
    %dma_start3A_185 = tpu.memref_slice %arg3[%dma_start3A_184, %add3A_157] : memref<999x16384xf32, #tpu.memory_space<hbm>> -> memref<503x128xf32, #tpu.memory_space<hbm>>
    %dma_start3A_186 = arith.constant 496 : i32
    %dma_start3A_187 = tpu.memref_slice %arg3[%dma_start3A_186, %add3A_157] : memref<999x16384xf32, #tpu.memory_space<hbm>> -> memref<503x128xf32, #tpu.memory_space<hbm>>
    tpu.enqueue_dma source(%arg7 : memref<503x128xf32, #tpu.memory_space<vmem>>) target(%dma_start3A_187 : memref<503x128xf32, #tpu.memory_space<hbm>>) target_semaphore(%arg11 : memref<!tpu.dma_semaphore, #tpu.memory_space<semaphore_mem>>)
    %add3A_188 = arith.constant 384 : i32
    %add3A_189 = arith.addi %mul3A_7, %add3A_188 : i32
    %dma_wait3A_190 = arith.constant 0 : i32
    %dma_wait3A_191 = tpu.memref_slice %arg3[%dma_wait3A_190, %add3A_125] : memref<999x16384xf32, #tpu.memory_space<hbm>> -> memref<496x128xf32, #tpu.memory_space<hbm>>
    %dma_wait3A_192 = arith.constant 0 : i32
    %dma_wait3A_193 = tpu.memref_slice %arg3[%dma_wait3A_192, %add3A_125] : memref<999x16384xf32, #tpu.memory_space<hbm>> -> memref<496x128xf32, #tpu.memory_space<hbm>>
    tpu.wait_dma2 semaphore(%arg10 : memref<!tpu.dma_semaphore, #tpu.memory_space<semaphore_mem>>) src(%arg6 : memref<496x128xf32, #tpu.memory_space<vmem>>) dst(%dma_wait3A_193 : memref<496x128xf32, #tpu.memory_space<hbm>>)
    %parallel_loop3A_194 = arith.constant 0 : i32
    %parallel_loop3A_195 = arith.constant 3968 : i32
    %parallel_loop3A_196 = arith.constant 1 : i32
    scf.for %parallel_loop3A_260 = %parallel_loop3A_194 to %parallel_loop3A_195 step %parallel_loop3A_196  : i32 {
      %parallel_loop3A_261 = arith.constant 3 : i32
      %parallel_loop3A_262 = arith.shrsi %parallel_loop3A_260, %parallel_loop3A_261 : i32
      %parallel_loop3A_263 = arith.constant 7 : i32
      %parallel_loop3A_264 = arith.andi %parallel_loop3A_260, %parallel_loop3A_263 : i32
      %parallel_loop3A_265 = arith.constant 16 : i32
      %parallel_loop3A_266 = arith.muli %parallel_loop3A_264, %parallel_loop3A_265 : i32
      %parallel_loop3A_267 = arith.index_cast %parallel_loop3A_262 : i32 to index
      %parallel_loop3A_268 = arith.index_cast %parallel_loop3A_266 : i32 to index
      %parallel_loop3A_269 = tpu.vector_load %arg6[%parallel_loop3A_267, %parallel_loop3A_268] {strides = array<i32>} : memref<496x128xf32, #tpu.memory_space<vmem>>, vector<16xf32>,
      tpu.vector_store %arg6[%parallel_loop3A_267, %parallel_loop3A_268], %broadcast_in_dim3A_1 {strides = array<i32>} : memref<496x128xf32, #tpu.memory_space<vmem>>, vector<16xf32>,
    } {sc.loop_unroll_factor = 12 : i64, sc.parallel_access}
    %dma_start3A_197 = arith.constant 0 : i32
    %dma_start3A_198 = tpu.memref_slice %arg2[%dma_start3A_197, %add3A_189] : memref<200x16384xi32, #tpu.memory_space<hbm>> -> memref<8x128xi32, #tpu.memory_space<hbm>>
    %dma_start3A_199 = arith.constant 0 : i32
    %dma_start3A_200 = tpu.memref_slice %arg2[%dma_start3A_199, %add3A_189] : memref<200x16384xi32, #tpu.memory_space<hbm>> -> memref<8x128xi32, #tpu.memory_space<hbm>>
    tpu.enqueue_dma source(%dma_start3A_200 : memref<8x128xi32, #tpu.memory_space<hbm>>) target(%arg4 : memref<8x128xi32, #tpu.memory_space<vmem>>) target_semaphore(%arg8 : memref<!tpu.dma_semaphore, #tpu.memory_space<semaphore_mem>>)
    %scan3A_201 = arith.constant 496 : i32
    %scan3A_202 = arith.constant 496 : i32
    %scan3A_203 = arith.constant 0 : i32
    %scan3A_204 = arith.constant 12 : i32
    %scan3A_205 = arith.addi %scan3A_203, %scan3A_204 : i32
    %scan3A_206 = arith.constant 1 : i32
    scf.for %scan3A_260 = %scan3A_203 to %scan3A_205 step %scan3A_206  : i32 {
      %mul3A_261 = arith.constant 1 : i32
      %mul3A_262 = arith.muli %scan3A_260, %mul3A_261 : i32
      %add3A_263 = arith.constant 0 : i32
      %add3A_264 = arith.addi %add3A_263, %mul3A_262 : i32
      %mul3A_265 = arith.constant 2 : i32
      %mul3A_266 = arith.muli %add3A_264, %mul3A_265 : i32
      %add3A_267 = arith.constant 1 : i32
      %add3A_268 = arith.addi %mul3A_266, %add3A_267 : i32
      %mul3A_269 = arith.constant 8 : i32
      %mul3A_270 = arith.muli %add3A_268, %mul3A_269 : i32
      %dma_start3A_271 = tpu.memref_slice %arg2[%mul3A_270, %add3A_189] : memref<200x16384xi32, #tpu.memory_space<hbm>> -> memref<8x128xi32, #tpu.memory_space<hbm>>
      %dma_start3A_272 = tpu.memref_slice %arg2[%mul3A_270, %add3A_189] : memref<200x16384xi32, #tpu.memory_space<hbm>> -> memref<8x128xi32, #tpu.memory_space<hbm>>
      tpu.enqueue_dma source(%dma_start3A_272 : memref<8x128xi32, #tpu.memory_space<hbm>>) target(%arg5 : memref<8x128xi32, #tpu.memory_space<vmem>>) target_semaphore(%arg9 : memref<!tpu.dma_semaphore, #tpu.memory_space<semaphore_mem>>)
      %dma_wait3A_273 = arith.constant 0 : i32
      %dma_wait3A_274 = tpu.memref_slice %arg2[%dma_wait3A_273, %add3A_189] : memref<200x16384xi32, #tpu.memory_space<hbm>> -> memref<8x128xi32, #tpu.memory_space<hbm>>
      %dma_wait3A_275 = arith.constant 0 : i32
      %dma_wait3A_276 = tpu.memref_slice %arg2[%dma_wait3A_275, %add3A_189] : memref<200x16384xi32, #tpu.memory_space<hbm>> -> memref<8x128xi32, #tpu.memory_space<hbm>>
      tpu.wait_dma2 semaphore(%arg8 : memref<!tpu.dma_semaphore, #tpu.memory_space<semaphore_mem>>) src(%dma_wait3A_276 : memref<8x128xi32, #tpu.memory_space<hbm>>) dst(%arg4 : memref<8x128xi32, #tpu.memory_space<vmem>>)
      %parallel_loop3A_277 = arith.constant 0 : i32
      %parallel_loop3A_278 = arith.constant 64 : i32
      %parallel_loop3A_279 = arith.constant 1 : i32
      scf.for %parallel_loop3A_293 = %parallel_loop3A_277 to %parallel_loop3A_278 step %parallel_loop3A_279  : i32 {
        %parallel_loop3A_294 = arith.constant 7 : i32
        %parallel_loop3A_295 = arith.andi %parallel_loop3A_293, %parallel_loop3A_294 : i32
        %parallel_loop3A_296 = arith.constant 16 : i32
        %parallel_loop3A_297 = arith.muli %parallel_loop3A_295, %parallel_loop3A_296 : i32
        %parallel_loop3A_298 = arith.constant 3 : i32
        %parallel_loop3A_299 = arith.shrsi %parallel_loop3A_293, %parallel_loop3A_298 : i32
        %parallel_loop3A_300 = arith.index_cast %parallel_loop3A_299 : i32 to index
        %parallel_loop3A_301 = arith.index_cast %parallel_loop3A_297 : i32 to index
        %parallel_loop3A_302 = tpu.vector_load %arg4[%parallel_loop3A_300, %parallel_loop3A_301] {strides = array<i32>} : memref<8x128xi32, #tpu.memory_space<vmem>>, vector<16xi32>,
        %parallel_loop3A_303 = arith.constant 1 : i32
        %parallel_loop3A_304 = vector.broadcast %parallel_loop3A_303 : i32 to vector<16xi32>
        %parallel_loop3A_305 = arith.subi %parallel_loop3A_302, %parallel_loop3A_304 : vector<16xi32>
        %parallel_loop3A_306 = vector.broadcast %parallel_loop3A_297 : i32 to vector<16xi32>
        %parallel_loop3A_307 = arith.addi %parallel_loop3A_306, %iota3A : vector<16xi32>
        %parallel_loop3A_308 = vector.broadcast %scan3A_201 : i32 to vector<16xi32>
        %parallel_loop3A_309 = arith.cmpi ult, %parallel_loop3A_305, %parallel_loop3A_308 : vector<16xi32>
        tpu.vector_store_idx %arg6[%parallel_loop3A_305, %parallel_loop3A_307], %broadcast_in_dim3A_3 masked %parallel_loop3A_309 {add = true} : memref<496x128xf32, #tpu.memory_space<vmem>>[vector<16xi32>, vector<16xi32>], vector<16xf32>, vector<16xi1>
      } {sc.loop_unroll_factor = 8 : i64, sc.parallel_access}
      %add3A_280 = arith.constant 2 : i32
      %add3A_281 = arith.addi %mul3A_266, %add3A_280 : i32
      %mul3A_282 = arith.constant 8 : i32
      %mul3A_283 = arith.muli %add3A_281, %mul3A_282 : i32
      %dma_start3A_284 = tpu.memref_slice %arg2[%mul3A_283, %add3A_189] : memref<200x16384xi32, #tpu.memory_space<hbm>> -> memref<8x128xi32, #tpu.memory_space<hbm>>
      %dma_start3A_285 = tpu.memref_slice %arg2[%mul3A_283, %add3A_189] : memref<200x16384xi32, #tpu.memory_space<hbm>> -> memref<8x128xi32, #tpu.memory_space<hbm>>
      tpu.enqueue_dma source(%dma_start3A_285 : memref<8x128xi32, #tpu.memory_space<hbm>>) target(%arg4 : memref<8x128xi32, #tpu.memory_space<vmem>>) target_semaphore(%arg8 : memref<!tpu.dma_semaphore, #tpu.memory_space<semaphore_mem>>)
      %dma_wait3A_286 = arith.constant 0 : i32
      %dma_wait3A_287 = tpu.memref_slice %arg2[%dma_wait3A_286, %add3A_189] : memref<200x16384xi32, #tpu.memory_space<hbm>> -> memref<8x128xi32, #tpu.memory_space<hbm>>
      %dma_wait3A_288 = arith.constant 0 : i32
      %dma_wait3A_289 = tpu.memref_slice %arg2[%dma_wait3A_288, %add3A_189] : memref<200x16384xi32, #tpu.memory_space<hbm>> -> memref<8x128xi32, #tpu.memory_space<hbm>>
      tpu.wait_dma2 semaphore(%arg9 : memref<!tpu.dma_semaphore, #tpu.memory_space<semaphore_mem>>) src(%dma_wait3A_289 : memref<8x128xi32, #tpu.memory_space<hbm>>) dst(%arg5 : memref<8x128xi32, #tpu.memory_space<vmem>>)
      %parallel_loop3A_290 = arith.constant 0 : i32
      %parallel_loop3A_291 = arith.constant 64 : i32
      %parallel_loop3A_292 = arith.constant 1 : i32
      scf.for %parallel_loop3A_293 = %parallel_loop3A_290 to %parallel_loop3A_291 step %parallel_loop3A_292  : i32 {
        %parallel_loop3A_294 = arith.constant 7 : i32
        %parallel_loop3A_295 = arith.andi %parallel_loop3A_293, %parallel_loop3A_294 : i32
        %parallel_loop3A_296 = arith.constant 16 : i32
        %parallel_loop3A_297 = arith.muli %parallel_loop3A_295, %parallel_loop3A_296 : i32
        %parallel_loop3A_298 = arith.constant 3 : i32
        %parallel_loop3A_299 = arith.shrsi %parallel_loop3A_293, %parallel_loop3A_298 : i32
        %parallel_loop3A_300 = arith.index_cast %parallel_loop3A_299 : i32 to index
        %parallel_loop3A_301 = arith.index_cast %parallel_loop3A_297 : i32 to index
        %parallel_loop3A_302 = tpu.vector_load %arg5[%parallel_loop3A_300, %parallel_loop3A_301] {strides = array<i32>} : memref<8x128xi32, #tpu.memory_space<vmem>>, vector<16xi32>,
        %parallel_loop3A_303 = arith.constant 1 : i32
        %parallel_loop3A_304 = vector.broadcast %parallel_loop3A_303 : i32 to vector<16xi32>
        %parallel_loop3A_305 = arith.subi %parallel_loop3A_302, %parallel_loop3A_304 : vector<16xi32>
        %parallel_loop3A_306 = vector.broadcast %parallel_loop3A_297 : i32 to vector<16xi32>
        %parallel_loop3A_307 = arith.addi %parallel_loop3A_306, %iota3A : vector<16xi32>
        %parallel_loop3A_308 = vector.broadcast %scan3A_202 : i32 to vector<16xi32>
        %parallel_loop3A_309 = arith.cmpi ult, %parallel_loop3A_305, %parallel_loop3A_308 : vector<16xi32>
        tpu.vector_store_idx %arg6[%parallel_loop3A_305, %parallel_loop3A_307], %broadcast_in_dim3A_3 masked %parallel_loop3A_309 {add = true} : memref<496x128xf32, #tpu.memory_space<vmem>>[vector<16xi32>, vector<16xi32>], vector<16xf32>, vector<16xi1>
      } {sc.loop_unroll_factor = 8 : i64, sc.parallel_access}
    }
    %scan3A_207 = arith.constant 12 : i32
    %dma_wait3A_208 = arith.constant 0 : i32
    %dma_wait3A_209 = tpu.memref_slice %arg2[%dma_wait3A_208, %add3A_189] : memref<200x16384xi32, #tpu.memory_space<hbm>> -> memref<8x128xi32, #tpu.memory_space<hbm>>
    %dma_wait3A_210 = arith.constant 0 : i32
    %dma_wait3A_211 = tpu.memref_slice %arg2[%dma_wait3A_210, %add3A_189] : memref<200x16384xi32, #tpu.memory_space<hbm>> -> memref<8x128xi32, #tpu.memory_space<hbm>>
    tpu.wait_dma2 semaphore(%arg8 : memref<!tpu.dma_semaphore, #tpu.memory_space<semaphore_mem>>) src(%dma_wait3A_211 : memref<8x128xi32, #tpu.memory_space<hbm>>) dst(%arg4 : memref<8x128xi32, #tpu.memory_space<vmem>>)
    %parallel_loop3A_212 = arith.constant 0 : i32
    %parallel_loop3A_213 = arith.constant 64 : i32
    %parallel_loop3A_214 = arith.constant 1 : i32
    %parallel_loop3A_215 = arith.constant 496 : i32
    scf.for %parallel_loop3A_260 = %parallel_loop3A_212 to %parallel_loop3A_213 step %parallel_loop3A_214  : i32 {
      %parallel_loop3A_261 = arith.constant 7 : i32
      %parallel_loop3A_262 = arith.andi %parallel_loop3A_260, %parallel_loop3A_261 : i32
      %parallel_loop3A_263 = arith.constant 16 : i32
      %parallel_loop3A_264 = arith.muli %parallel_loop3A_262, %parallel_loop3A_263 : i32
      %parallel_loop3A_265 = arith.constant 3 : i32
      %parallel_loop3A_266 = arith.shrsi %parallel_loop3A_260, %parallel_loop3A_265 : i32
      %parallel_loop3A_267 = arith.index_cast %parallel_loop3A_266 : i32 to index
      %parallel_loop3A_268 = arith.index_cast %parallel_loop3A_264 : i32 to index
      %parallel_loop3A_269 = tpu.vector_load %arg4[%parallel_loop3A_267, %parallel_loop3A_268] {strides = array<i32>} : memref<8x128xi32, #tpu.memory_space<vmem>>, vector<16xi32>,
      %parallel_loop3A_270 = arith.constant 1 : i32
      %parallel_loop3A_271 = vector.broadcast %parallel_loop3A_270 : i32 to vector<16xi32>
      %parallel_loop3A_272 = arith.subi %parallel_loop3A_269, %parallel_loop3A_271 : vector<16xi32>
      %parallel_loop3A_273 = vector.broadcast %parallel_loop3A_264 : i32 to vector<16xi32>
      %parallel_loop3A_274 = arith.addi %parallel_loop3A_273, %iota3A : vector<16xi32>
      %parallel_loop3A_275 = vector.broadcast %parallel_loop3A_215 : i32 to vector<16xi32>
      %parallel_loop3A_276 = arith.cmpi ult, %parallel_loop3A_272, %parallel_loop3A_275 : vector<16xi32>
      tpu.vector_store_idx %arg6[%parallel_loop3A_272, %parallel_loop3A_274], %broadcast_in_dim3A_3 masked %parallel_loop3A_276 {add = true} : memref<496x128xf32, #tpu.memory_space<vmem>>[vector<16xi32>, vector<16xi32>], vector<16xf32>, vector<16xi1>
    } {sc.loop_unroll_factor = 8 : i64, sc.parallel_access}
    %dma_start3A_216 = arith.constant 0 : i32
    %dma_start3A_217 = tpu.memref_slice %arg3[%dma_start3A_216, %add3A_189] : memref<999x16384xf32, #tpu.memory_space<hbm>> -> memref<496x128xf32, #tpu.memory_space<hbm>>
    %dma_start3A_218 = arith.constant 0 : i32
    %dma_start3A_219 = tpu.memref_slice %arg3[%dma_start3A_218, %add3A_189] : memref<999x16384xf32, #tpu.memory_space<hbm>> -> memref<496x128xf32, #tpu.memory_space<hbm>>
    tpu.enqueue_dma source(%arg6 : memref<496x128xf32, #tpu.memory_space<vmem>>) target(%dma_start3A_219 : memref<496x128xf32, #tpu.memory_space<hbm>>) target_semaphore(%arg10 : memref<!tpu.dma_semaphore, #tpu.memory_space<semaphore_mem>>)
    %add3A_220 = arith.constant 384 : i32
    %add3A_221 = arith.addi %mul3A_7, %add3A_220 : i32
    %dma_wait3A_222 = arith.constant 496 : i32
    %dma_wait3A_223 = tpu.memref_slice %arg3[%dma_wait3A_222, %add3A_157] : memref<999x16384xf32, #tpu.memory_space<hbm>> -> memref<503x128xf32, #tpu.memory_space<hbm>>
    %dma_wait3A_224 = arith.constant 496 : i32
    %dma_wait3A_225 = tpu.memref_slice %arg3[%dma_wait3A_224, %add3A_157] : memref<999x16384xf32, #tpu.memory_space<hbm>> -> memref<503x128xf32, #tpu.memory_space<hbm>>
    tpu.wait_dma2 semaphore(%arg11 : memref<!tpu.dma_semaphore, #tpu.memory_space<semaphore_mem>>) src(%arg7 : memref<503x128xf32, #tpu.memory_space<vmem>>) dst(%dma_wait3A_225 : memref<503x128xf32, #tpu.memory_space<hbm>>)
    %parallel_loop3A_226 = arith.constant 0 : i32
    %parallel_loop3A_227 = arith.constant 4024 : i32
    %parallel_loop3A_228 = arith.constant 1 : i32
    scf.for %parallel_loop3A_260 = %parallel_loop3A_226 to %parallel_loop3A_227 step %parallel_loop3A_228  : i32 {
      %parallel_loop3A_261 = arith.constant 3 : i32
      %parallel_loop3A_262 = arith.shrsi %parallel_loop3A_260, %parallel_loop3A_261 : i32
      %parallel_loop3A_263 = arith.constant 7 : i32
      %parallel_loop3A_264 = arith.andi %parallel_loop3A_260, %parallel_loop3A_263 : i32
      %parallel_loop3A_265 = arith.constant 16 : i32
      %parallel_loop3A_266 = arith.muli %parallel_loop3A_264, %parallel_loop3A_265 : i32
      %parallel_loop3A_267 = arith.index_cast %parallel_loop3A_262 : i32 to index
      %parallel_loop3A_268 = arith.index_cast %parallel_loop3A_266 : i32 to index
      %parallel_loop3A_269 = tpu.vector_load %arg7[%parallel_loop3A_267, %parallel_loop3A_268] {strides = array<i32>} : memref<503x128xf32, #tpu.memory_space<vmem>>, vector<16xf32>,
      tpu.vector_store %arg7[%parallel_loop3A_267, %parallel_loop3A_268], %broadcast_in_dim3A_1 {strides = array<i32>} : memref<503x128xf32, #tpu.memory_space<vmem>>, vector<16xf32>,
    } {sc.loop_unroll_factor = 12 : i64, sc.parallel_access}
    %dma_start3A_229 = arith.constant 0 : i32
    %dma_start3A_230 = tpu.memref_slice %arg2[%dma_start3A_229, %add3A_221] : memref<200x16384xi32, #tpu.memory_space<hbm>> -> memref<8x128xi32, #tpu.memory_space<hbm>>
    %dma_start3A_231 = arith.constant 0 : i32
    %dma_start3A_232 = tpu.memref_slice %arg2[%dma_start3A_231, %add3A_221] : memref<200x16384xi32, #tpu.memory_space<hbm>> -> memref<8x128xi32, #tpu.memory_space<hbm>>
    tpu.enqueue_dma source(%dma_start3A_232 : memref<8x128xi32, #tpu.memory_space<hbm>>) target(%arg4 : memref<8x128xi32, #tpu.memory_space<vmem>>) target_semaphore(%arg8 : memref<!tpu.dma_semaphore, #tpu.memory_space<semaphore_mem>>)
    %scan3A_233 = arith.constant 503 : i32
    %scan3A_234 = arith.constant 503 : i32
    %scan3A_235 = arith.constant 0 : i32
    %scan3A_236 = arith.constant 12 : i32
    %scan3A_237 = arith.addi %scan3A_235, %scan3A_236 : i32
    %scan3A_238 = arith.constant 1 : i32
    scf.for %scan3A_260 = %scan3A_235 to %scan3A_237 step %scan3A_238  : i32 {
      %mul3A_261 = arith.constant 1 : i32
      %mul3A_262 = arith.muli %scan3A_260, %mul3A_261 : i32
      %add3A_263 = arith.constant 0 : i32
      %add3A_264 = arith.addi %add3A_263, %mul3A_262 : i32
      %mul3A_265 = arith.constant 2 : i32
      %mul3A_266 = arith.muli %add3A_264, %mul3A_265 : i32
      %add3A_267 = arith.constant 1 : i32
      %add3A_268 = arith.addi %mul3A_266, %add3A_267 : i32
      %mul3A_269 = arith.constant 8 : i32
      %mul3A_270 = arith.muli %add3A_268, %mul3A_269 : i32
      %dma_start3A_271 = tpu.memref_slice %arg2[%mul3A_270, %add3A_221] : memref<200x16384xi32, #tpu.memory_space<hbm>> -> memref<8x128xi32, #tpu.memory_space<hbm>>
      %dma_start3A_272 = tpu.memref_slice %arg2[%mul3A_270, %add3A_221] : memref<200x16384xi32, #tpu.memory_space<hbm>> -> memref<8x128xi32, #tpu.memory_space<hbm>>
      tpu.enqueue_dma source(%dma_start3A_272 : memref<8x128xi32, #tpu.memory_space<hbm>>) target(%arg5 : memref<8x128xi32, #tpu.memory_space<vmem>>) target_semaphore(%arg9 : memref<!tpu.dma_semaphore, #tpu.memory_space<semaphore_mem>>)
      %dma_wait3A_273 = arith.constant 0 : i32
      %dma_wait3A_274 = tpu.memref_slice %arg2[%dma_wait3A_273, %add3A_221] : memref<200x16384xi32, #tpu.memory_space<hbm>> -> memref<8x128xi32, #tpu.memory_space<hbm>>
      %dma_wait3A_275 = arith.constant 0 : i32
      %dma_wait3A_276 = tpu.memref_slice %arg2[%dma_wait3A_275, %add3A_221] : memref<200x16384xi32, #tpu.memory_space<hbm>> -> memref<8x128xi32, #tpu.memory_space<hbm>>
      tpu.wait_dma2 semaphore(%arg8 : memref<!tpu.dma_semaphore, #tpu.memory_space<semaphore_mem>>) src(%dma_wait3A_276 : memref<8x128xi32, #tpu.memory_space<hbm>>) dst(%arg4 : memref<8x128xi32, #tpu.memory_space<vmem>>)
      %parallel_loop3A_277 = arith.constant 0 : i32
      %parallel_loop3A_278 = arith.constant 64 : i32
      %parallel_loop3A_279 = arith.constant 1 : i32
      scf.for %parallel_loop3A_293 = %parallel_loop3A_277 to %parallel_loop3A_278 step %parallel_loop3A_279  : i32 {
        %parallel_loop3A_294 = arith.constant 7 : i32
        %parallel_loop3A_295 = arith.andi %parallel_loop3A_293, %parallel_loop3A_294 : i32
        %parallel_loop3A_296 = arith.constant 16 : i32
        %parallel_loop3A_297 = arith.muli %parallel_loop3A_295, %parallel_loop3A_296 : i32
        %parallel_loop3A_298 = arith.constant 3 : i32
        %parallel_loop3A_299 = arith.shrsi %parallel_loop3A_293, %parallel_loop3A_298 : i32
        %parallel_loop3A_300 = arith.index_cast %parallel_loop3A_299 : i32 to index
        %parallel_loop3A_301 = arith.index_cast %parallel_loop3A_297 : i32 to index
        %parallel_loop3A_302 = tpu.vector_load %arg4[%parallel_loop3A_300, %parallel_loop3A_301] {strides = array<i32>} : memref<8x128xi32, #tpu.memory_space<vmem>>, vector<16xi32>,
        %parallel_loop3A_303 = arith.constant 497 : i32
        %parallel_loop3A_304 = vector.broadcast %parallel_loop3A_303 : i32 to vector<16xi32>
        %parallel_loop3A_305 = arith.subi %parallel_loop3A_302, %parallel_loop3A_304 : vector<16xi32>
        %parallel_loop3A_306 = vector.broadcast %parallel_loop3A_297 : i32 to vector<16xi32>
        %parallel_loop3A_307 = arith.addi %parallel_loop3A_306, %iota3A : vector<16xi32>
        %parallel_loop3A_308 = vector.broadcast %scan3A_233 : i32 to vector<16xi32>
        %parallel_loop3A_309 = arith.cmpi ult, %parallel_loop3A_305, %parallel_loop3A_308 : vector<16xi32>
        tpu.vector_store_idx %arg7[%parallel_loop3A_305, %parallel_loop3A_307], %broadcast_in_dim3A_3 masked %parallel_loop3A_309 {add = true} : memref<503x128xf32, #tpu.memory_space<vmem>>[vector<16xi32>, vector<16xi32>], vector<16xf32>, vector<16xi1>
      } {sc.loop_unroll_factor = 8 : i64, sc.parallel_access}
      %add3A_280 = arith.constant 2 : i32
      %add3A_281 = arith.addi %mul3A_266, %add3A_280 : i32
      %mul3A_282 = arith.constant 8 : i32
      %mul3A_283 = arith.muli %add3A_281, %mul3A_282 : i32
      %dma_start3A_284 = tpu.memref_slice %arg2[%mul3A_283, %add3A_221] : memref<200x16384xi32, #tpu.memory_space<hbm>> -> memref<8x128xi32, #tpu.memory_space<hbm>>
      %dma_start3A_285 = tpu.memref_slice %arg2[%mul3A_283, %add3A_221] : memref<200x16384xi32, #tpu.memory_space<hbm>> -> memref<8x128xi32, #tpu.memory_space<hbm>>
      tpu.enqueue_dma source(%dma_start3A_285 : memref<8x128xi32, #tpu.memory_space<hbm>>) target(%arg4 : memref<8x128xi32, #tpu.memory_space<vmem>>) target_semaphore(%arg8 : memref<!tpu.dma_semaphore, #tpu.memory_space<semaphore_mem>>)
      %dma_wait3A_286 = arith.constant 0 : i32
      %dma_wait3A_287 = tpu.memref_slice %arg2[%dma_wait3A_286, %add3A_221] : memref<200x16384xi32, #tpu.memory_space<hbm>> -> memref<8x128xi32, #tpu.memory_space<hbm>>
      %dma_wait3A_288 = arith.constant 0 : i32
      %dma_wait3A_289 = tpu.memref_slice %arg2[%dma_wait3A_288, %add3A_221] : memref<200x16384xi32, #tpu.memory_space<hbm>> -> memref<8x128xi32, #tpu.memory_space<hbm>>
      tpu.wait_dma2 semaphore(%arg9 : memref<!tpu.dma_semaphore, #tpu.memory_space<semaphore_mem>>) src(%dma_wait3A_289 : memref<8x128xi32, #tpu.memory_space<hbm>>) dst(%arg5 : memref<8x128xi32, #tpu.memory_space<vmem>>)
      %parallel_loop3A_290 = arith.constant 0 : i32
      %parallel_loop3A_291 = arith.constant 64 : i32
      %parallel_loop3A_292 = arith.constant 1 : i32
      scf.for %parallel_loop3A_293 = %parallel_loop3A_290 to %parallel_loop3A_291 step %parallel_loop3A_292  : i32 {
        %parallel_loop3A_294 = arith.constant 7 : i32
        %parallel_loop3A_295 = arith.andi %parallel_loop3A_293, %parallel_loop3A_294 : i32
        %parallel_loop3A_296 = arith.constant 16 : i32
        %parallel_loop3A_297 = arith.muli %parallel_loop3A_295, %parallel_loop3A_296 : i32
        %parallel_loop3A_298 = arith.constant 3 : i32
        %parallel_loop3A_299 = arith.shrsi %parallel_loop3A_293, %parallel_loop3A_298 : i32
        %parallel_loop3A_300 = arith.index_cast %parallel_loop3A_299 : i32 to index
        %parallel_loop3A_301 = arith.index_cast %parallel_loop3A_297 : i32 to index
        %parallel_loop3A_302 = tpu.vector_load %arg5[%parallel_loop3A_300, %parallel_loop3A_301] {strides = array<i32>} : memref<8x128xi32, #tpu.memory_space<vmem>>, vector<16xi32>,
        %parallel_loop3A_303 = arith.constant 497 : i32
        %parallel_loop3A_304 = vector.broadcast %parallel_loop3A_303 : i32 to vector<16xi32>
        %parallel_loop3A_305 = arith.subi %parallel_loop3A_302, %parallel_loop3A_304 : vector<16xi32>
        %parallel_loop3A_306 = vector.broadcast %parallel_loop3A_297 : i32 to vector<16xi32>
        %parallel_loop3A_307 = arith.addi %parallel_loop3A_306, %iota3A : vector<16xi32>
        %parallel_loop3A_308 = vector.broadcast %scan3A_234 : i32 to vector<16xi32>
        %parallel_loop3A_309 = arith.cmpi ult, %parallel_loop3A_305, %parallel_loop3A_308 : vector<16xi32>
        tpu.vector_store_idx %arg7[%parallel_loop3A_305, %parallel_loop3A_307], %broadcast_in_dim3A_3 masked %parallel_loop3A_309 {add = true} : memref<503x128xf32, #tpu.memory_space<vmem>>[vector<16xi32>, vector<16xi32>], vector<16xf32>, vector<16xi1>
      } {sc.loop_unroll_factor = 8 : i64, sc.parallel_access}
    }
    %scan3A_239 = arith.constant 12 : i32
    %dma_wait3A_240 = arith.constant 0 : i32
    %dma_wait3A_241 = tpu.memref_slice %arg2[%dma_wait3A_240, %add3A_221] : memref<200x16384xi32, #tpu.memory_space<hbm>> -> memref<8x128xi32, #tpu.memory_space<hbm>>
    %dma_wait3A_242 = arith.constant 0 : i32
    %dma_wait3A_243 = tpu.memref_slice %arg2[%dma_wait3A_242, %add3A_221] : memref<200x16384xi32, #tpu.memory_space<hbm>> -> memref<8x128xi32, #tpu.memory_space<hbm>>
    tpu.wait_dma2 semaphore(%arg8 : memref<!tpu.dma_semaphore, #tpu.memory_space<semaphore_mem>>) src(%dma_wait3A_243 : memref<8x128xi32, #tpu.memory_space<hbm>>) dst(%arg4 : memref<8x128xi32, #tpu.memory_space<vmem>>)
    %parallel_loop3A_244 = arith.constant 0 : i32
    %parallel_loop3A_245 = arith.constant 64 : i32
    %parallel_loop3A_246 = arith.constant 1 : i32
    %parallel_loop3A_247 = arith.constant 503 : i32
    scf.for %parallel_loop3A_260 = %parallel_loop3A_244 to %parallel_loop3A_245 step %parallel_loop3A_246  : i32 {
      %parallel_loop3A_261 = arith.constant 7 : i32
      %parallel_loop3A_262 = arith.andi %parallel_loop3A_260, %parallel_loop3A_261 : i32
      %parallel_loop3A_263 = arith.constant 16 : i32
      %parallel_loop3A_264 = arith.muli %parallel_loop3A_262, %parallel_loop3A_263 : i32
      %parallel_loop3A_265 = arith.constant 3 : i32
      %parallel_loop3A_266 = arith.shrsi %parallel_loop3A_260, %parallel_loop3A_265 : i32
      %parallel_loop3A_267 = arith.index_cast %parallel_loop3A_266 : i32 to index
      %parallel_loop3A_268 = arith.index_cast %parallel_loop3A_264 : i32 to index
      %parallel_loop3A_269 = tpu.vector_load %arg4[%parallel_loop3A_267, %parallel_loop3A_268] {strides = array<i32>} : memref<8x128xi32, #tpu.memory_space<vmem>>, vector<16xi32>,
      %parallel_loop3A_270 = arith.constant 497 : i32
      %parallel_loop3A_271 = vector.broadcast %parallel_loop3A_270 : i32 to vector<16xi32>
      %parallel_loop3A_272 = arith.subi %parallel_loop3A_269, %parallel_loop3A_271 : vector<16xi32>
      %parallel_loop3A_273 = vector.broadcast %parallel_loop3A_264 : i32 to vector<16xi32>
      %parallel_loop3A_274 = arith.addi %parallel_loop3A_273, %iota3A : vector<16xi32>
      %parallel_loop3A_275 = vector.broadcast %parallel_loop3A_247 : i32 to vector<16xi32>
      %parallel_loop3A_276 = arith.cmpi ult, %parallel_loop3A_272, %parallel_loop3A_275 : vector<16xi32>
      tpu.vector_store_idx %arg7[%parallel_loop3A_272, %parallel_loop3A_274], %broadcast_in_dim3A_3 masked %parallel_loop3A_276 {add = true} : memref<503x128xf32, #tpu.memory_space<vmem>>[vector<16xi32>, vector<16xi32>], vector<16xf32>, vector<16xi1>
    } {sc.loop_unroll_factor = 8 : i64, sc.parallel_access}
    %dma_start3A_248 = arith.constant 496 : i32
    %dma_start3A_249 = tpu.memref_slice %arg3[%dma_start3A_248, %add3A_221] : memref<999x16384xf32, #tpu.memory_space<hbm>> -> memref<503x128xf32, #tpu.memory_space<hbm>>
    %dma_start3A_250 = arith.constant 496 : i32
    %dma_start3A_251 = tpu.memref_slice %arg3[%dma_start3A_250, %add3A_221] : memref<999x16384xf32, #tpu.memory_space<hbm>> -> memref<503x128xf32, #tpu.memory_space<hbm>>
    tpu.enqueue_dma source(%arg7 : memref<503x128xf32, #tpu.memory_space<vmem>>) target(%dma_start3A_251 : memref<503x128xf32, #tpu.memory_space<hbm>>) target_semaphore(%arg11 : memref<!tpu.dma_semaphore, #tpu.memory_space<semaphore_mem>>)
    %dma_wait3A_252 = arith.constant 0 : i32
    %dma_wait3A_253 = tpu.memref_slice %arg3[%dma_wait3A_252, %add3A_189] : memref<999x16384xf32, #tpu.memory_space<hbm>> -> memref<496x128xf32, #tpu.memory_space<hbm>>
    %dma_wait3A_254 = arith.constant 0 : i32
    %dma_wait3A_255 = tpu.memref_slice %arg3[%dma_wait3A_254, %add3A_189] : memref<999x16384xf32, #tpu.memory_space<hbm>> -> memref<496x128xf32, #tpu.memory_space<hbm>>
    tpu.wait_dma2 semaphore(%arg10 : memref<!tpu.dma_semaphore, #tpu.memory_space<semaphore_mem>>) src(%arg6 : memref<496x128xf32, #tpu.memory_space<vmem>>) dst(%dma_wait3A_255 : memref<496x128xf32, #tpu.memory_space<hbm>>)
    %dma_wait3A_256 = arith.constant 496 : i32
    %dma_wait3A_257 = tpu.memref_slice %arg3[%dma_wait3A_256, %add3A_221] : memref<999x16384xf32, #tpu.memory_space<hbm>> -> memref<503x128xf32, #tpu.memory_space<hbm>>
    %dma_wait3A_258 = arith.constant 496 : i32
    %dma_wait3A_259 = tpu.memref_slice %arg3[%dma_wait3A_258, %add3A_221] : memref<999x16384xf32, #tpu.memory_space<hbm>> -> memref<503x128xf32, #tpu.memory_space<hbm>>
    tpu.wait_dma2 semaphore(%arg11 : memref<!tpu.dma_semaphore, #tpu.memory_space<semaphore_mem>>) src(%arg7 : memref<503x128xf32, #tpu.memory_space<vmem>>) dst(%dma_wait3A_259 : memref<503x128xf32, #tpu.memory_space<hbm>>)
    return
  }
}

</mosaic_0001>

<sc_bundles>
// kernel: kernel.3.cloned.1.call-start
scs
__scs_entry_jumppad:
0x0: {  	(pc) =	sbr.rel $0x88, $3  }
0x1: {  	(tag) =	ssettag $0x0;
	lr =	simm.s32 $0x1  }
0x2: {  	[smem:$0x3FA0] =	sst lr;
	_ =	strace $0xD0000000  }
0x3: {  	_ = 	snop  }
0x4: {  	_ = 	snop  }
0x5: {  	_ = 	snop  }
0x6: {  	_ = 	snop  }
0x7: {  	_ = 	snop  }
__scs_overlays_trampoline_lowered:
0x8: {  	[smem:$0x3FAF] =	sst s0  }
0x9: {  	[smem:$0x3FB0] =	sst s1  }
0xa: {  	[smem:$0x3FB1] =	sst s2  }
0xb: {  	[smem:$0x3FB2] =	sst s3  }
0xc: {  	[smem:$0x3FB3] =	sst s4  }
0xd: {  	[smem:$0x3FB4] =	sst s5  }
0xe: {  	[smem:$0x3FB5] =	sst s6  }
0xf: {  	[smem:$0x3FB6] =	sst s7  }
0x10: {  	[smem:$0x3FB7] =	sst s8  }
0x11: {  	[smem:$0x3FB8] =	sst s9;
	s0 =	simm.s32 @!p0 $0x0  }
0x12: {  	s1 =	sld [smem:$0x3F9E];
	s0 =	simm.s32 @p0 $0x1  }
0x13: {  	[smem:$0x3FB9] =	sst s0;
	s0 =	simm.s32 @!p1 $0x0  }
0x14: {  	s2 =	sld [smem:$0x3F9D];
	s0 =	simm.s32 @p1 $0x1  }
0x15: {  	[smem:$0x3FBA] =	sst s0;
	s0 =	simm.s32 @!p2 $0x0  }
0x16: {  	s3 =	sld [smem:$0x3FDB];
	s0 =	simm.s32 @p2 $0x1  }
0x17: {  	s4 =	simm.s32 $0x1BF5;
	[smem:$0x3FBC] =	sst s0  }
0x18: {  	s0 =	sld [smem:$0x3F9F];
	_ =	swait.ge [sflag:s4], $0x0  }
0x19: {  	s7 =	sld [smem:$0x3FA0]  }
0x1a: {  	s8 =	sadd.s32 $0xFFFFE003, lr  }
0x1b: {  	s9 =	sadd.s32 $0xFFFFFEF7, lr;
	s5 =	simm.s32 $0xFFFFFFFF;
	p2 =	slt.u32 s8, $0xFFFFF086  }
0x1c: {  	p1 =	slt.u32 s9, $0xF7A;
	s5 =	simm.s32 @!p2 $0x0  }
0x1d: {  	s5 =	simm.s32 @p1 $0x1;
	p0 =	seq.s32 s7, s2  }
0x1e: {  	s7 =	smul.u32 @!p0 $0xF7A, s2;
	p2 =	seq.s32 @!p0 s5, $0x0  }
0x1f: {  	s9 =	smul.u32 $0xF7A, s1;
	s8 =	simm.s32 @!p0 $0x1BF5;
	p2 =	por !p2, p0  }
0x20: {  	[sflag:s8] =	ssyncset.s32 @!p0 $0xFFFFF086;
	s6 =	sadd.s32 @!p0 s3, s7;
	s7 =	simm.s32 @!p0 $0x108  }
0x21: {  	s3 =	sadd.s32 s3, s9;
	s6 =	sadd.s32 @!p0 $0x88, s6;
	s7 =	simm.s32 @p2 $0x1082  }
0x22: {  	[simem:s7], [sflag:s8] =	dma.local @!p0 [hbm:s6], $0xF7A  }
0x23: {  	s9 =	sor.u32 $0xD0000000, s2;
	s6 =	simm.s32 $0x108;
	_ =	swait.ge @!p0 [sflag:s8], $0x0  }
0x24: {  	s3 =	sadd.s32 $0x88, s3;
	s6 =	simm.s32 @!p1 $0x1082;
	[sflag:s4] =	ssyncset.s32 $0xFFFFF086  }
0x25: {  	[simem:s6], [sflag:s4] =	dma.local [hbm:s3], $0xF7A  }
0x26: {  	[smem:$0x3FA0] =	sst s1;
	(tag) =	ssettag s2;
	_ =	strace s9  }
0x27: {  	s1 =	sld [smem:$0x3FB0]  }
0x28: {  	s2 =	sld [smem:$0x3FB1]  }
0x29: {  	s4 =	sld [smem:$0x3FB3]  }
0x2a: {  	p0 =	seq.s32 s5, $0x0;
	s5 =	sld [smem:$0x3FB4]  }
0x2b: {  	s6 =	sld [smem:$0x3FB5]  }
0x2c: {  	s7 =	sld [smem:$0x3FB6]  }
0x2d: {  	s3 =	simm.s32 $0x108;
	s8 =	sld [smem:$0x3FB7]  }
0x2e: {  	s3 =	simm.s32 @!p0 $0x1082;
	s9 =	sld [smem:$0x3FB8]  }
0x2f: {  	lr =	sadd.s32 s0, s3;
	s0 =	sld [smem:$0x3FAF]  }
0x30: {  	s3 =	sld [smem:$0x3FB2]  }
0x31: {  	[smem:$0x3FBB] =	sst s10  }
0x32: {  	s10 =	sld [smem:$0x3FB9];
	_ =	sdelay $0x3  }
0x33: {  	p0 =	seq.s32 s10, $0x1;
	s10 =	sld [smem:$0x3FBB];
	_ =	sdelay $0x3  }
0x34: {  	[smem:$0x3FBB] =	sst s10  }
0x35: {  	s10 =	sld [smem:$0x3FBA];
	_ =	sdelay $0x3  }
0x36: {  	p1 =	seq.s32 s10, $0x1;
	s10 =	sld [smem:$0x3FBB];
	_ =	sdelay $0x3  }
0x37: {  	[smem:$0x3FBB] =	sst s10  }
0x38: {  	s10 =	sld [smem:$0x3FBC]  }
0x39: {  	_ = 	snop;
	(pc) =	sbr.ind lr, $3  }
0x3a: {  	_ = 	snop  }
0x3b: {  	_ = 	snop  }
0x3c: {  	p2 =	seq.s32 s10, $0x1;
	s10 =	sld [smem:$0x3FBB]  }
0x3d: {  	_ =	shalt  }
0x3e: {  	_ =	shalt  }
0x3f: {  	_ =	shalt  }
0x40: {  	_ =	shalt  }
0x41: {  	_ =	shalt  }
0x42: {  	_ =	shalt  }
0x43: {  	_ =	shalt  }
0x44: {  	_ =	shalt  }
0x45: {  	_ =	shalt  }
0x46: {  	_ =	shalt  }
0x47: {  	_ =	shalt  }
0x48: {  	_ =	shalt  }
0x49: {  	_ =	shalt  }
0x4a: {  	_ =	shalt  }
0x4b: {  	_ =	shalt  }
0x4c: {  	_ =	shalt  }
0x4d: {  	_ =	shalt  }
0x4e: {  	_ =	shalt  }
0x4f: {  	_ =	shalt  }
0x50: {  	_ =	shalt  }
0x51: {  	_ =	shalt  }
0x52: {  	_ =	shalt  }
0x53: {  	_ =	shalt  }
0x54: {  	_ =	shalt  }
0x55: {  	_ =	shalt  }
0x56: {  	_ =	shalt  }
0x57: {  	_ =	shalt  }
0x58: {  	_ =	shalt  }
0x59: {  	_ =	shalt  }
0x5a: {  	_ =	shalt  }
0x5b: {  	_ =	shalt  }
0x5c: {  	_ =	shalt  }
0x5d: {  	_ =	shalt  }
0x5e: {  	_ =	shalt  }
0x5f: {  	_ =	shalt  }
0x60: {  	_ =	shalt  }
0x61: {  	_ =	shalt  }
0x62: {  	_ =	shalt  }
0x63: {  	_ =	shalt  }
0x64: {  	_ =	shalt  }
0x65: {  	_ =	shalt  }
0x66: {  	_ =	shalt  }
0x67: {  	_ =	shalt  }
0x68: {  	_ =	shalt  }
0x69: {  	_ =	shalt  }
0x6a: {  	_ =	shalt  }
0x6b: {  	_ =	shalt  }
0x6c: {  	_ =	shalt  }
0x6d: {  	_ =	shalt  }
0x6e: {  	_ =	shalt  }
0x6f: {  	_ =	shalt  }
0x70: {  	_ =	shalt  }
0x71: {  	_ =	shalt  }
0x72: {  	_ =	shalt  }
0x73: {  	_ =	shalt  }
0x74: {  	_ =	shalt  }
0x75: {  	_ =	shalt  }
0x76: {  	_ =	shalt  }
0x77: {  	_ =	shalt  }
0x78: {  	_ =	shalt  }
0x79: {  	_ =	shalt  }
0x7a: {  	_ =	shalt  }
0x7b: {  	_ =	shalt  }
0x7c: {  	_ =	shalt  }
0x7d: {  	_ =	shalt  }
0x7e: {  	_ =	shalt  }
0x7f: {  	_ =	shalt  }
0x80: {  	_ =	shalt  }
0x81: {  	_ =	shalt  }
0x82: {  	_ =	shalt  }
0x83: {  	_ =	shalt  }
0x84: {  	_ =	shalt  }
0x85: {  	_ =	shalt  }
0x86: {  	_ =	shalt  }
0x87: {  	_ =	shalt  }
.Lfunc_end0:
.L_simem_size_0:
called_computation_lowered:
.L_overlay_start_0:
0x88: {  	s2 =	sld [smem:$0x3FD9]  }
0x89: {  	s3 =	sld [smem:$0x3FFE];
	_ =	sdelay $0x1  }
0x8a: {  	s1 =	srdreg.scid  }
0x8b: {  	s0 =	sand.u32 $0x1, s1  }
0x8c: {  	s18 =	sshll.u32 s0, $0xA;
	s2 =	sadd.s32 s3, s2  }
0x8d: {  	s2 =	sadd.s32 s2, s18  }
0x8e: {  	[smem:$0x3FC7] =	sst s2  }
0x8f: {  	_ = 	snop  }
0x90: {  	s2 =	sld [smem:$0x3FC9]  }
0x91: {  	s19 =	sld [smem:$0x3FD0];
	(tm) =	ssettm $0x1  }
0x92: {  	s4 =	sld [smem:$0x3FFB];
	_ =	sdelay $0x3  }
0x93: {  	_ =	strace s4  }
0x94: {  	s4 =	sld [smem:$0x3FFC];
	_ =	sdelay $0x3  }
0x95: {  	_ =	strace s4  }
0x96: {  	s4 =	sld [smem:$0x3FFD];
	_ =	sdelay $0x3  }
0x97: {  	_ =	strace s4  }
0x98: {  	_ =	strace $0x8FFFFFFF  }
0x99: {  	s20 =	sld [smem:$0x3FDB];
	_ =	sdelay $0x1  }
0x9a: {  	s5 =	simm.s32 $_scs_section_size  }
0x9b: {  	s6 =	simm.s32 $_size__tile_overlayer_lowered;
	s7 =	simm.s32 $_tile_overlayer_lowered  }
0x9c: {  	s23 =	simm.s32 $0x1BFF;
	s22 =	sshll.u32 s7, $0x1;
	s4 =	sadd.s32 s5, s20  }
0x9d: {  	s8 =	simm.s32 $0x0;
	s21 =	sshll.u32 s6, $0x1;
	s6 =	sadd.s32 s22, s4  }
0x9e: {  	[timem:s8], [sflag:s23] =	dma.local [hbm:s6], s21  }
0x9f: {  	_ =	swait.ge [sflag:s23], s21  }
0xa0: {  	s5 =	ssub.s32 $0x0, s21;
	[sflag:s23] =	ssyncset.done $0x0  }
0xa1: {  	[sflag:s23] =	ssyncadd.s32 s5;
	_ =	sdelay $0x1  }
0xa2: {  	s24 =	simm.s32 $0x1B8B  }
0xa3: {  	_ =	swait.ge [sflag:s24], $0x1  }
0xa4: {  	[sflag:s24] =	ssyncset.done $0x0  }
0xa5: {  	s25 =	simm.s32 $0x1B8E;
	[sflag:s24] =	ssyncadd.s32 $0xFFFFFFFF  }
0xa6: {  	s26 =	simm.s32 $execute0_lowered;
	[smem:$0x3FD2] =	sst s25  }
0xa7: {  	s5 =	sshll.u32 s26, $0x1;
	_ =	strace $0x80000046;
	[dreg:$0x1] =	wrdreg $0xFFFFFFFF  }
0xa8: {  	s28 =	simm.s32 $_size_execute0_lowered;
	s4 =	sadd.s32 s4, s5;
	[dreg:$0x0] =	wrdreg $0x0  }
0xa9: {  	s5 =	sshll.u32 s28, $0x1;
	[dreg:$0x2] =	wrdreg s4  }
0xaa: {  	[dreg:$0x3] =	wrdreg s5  }
0xab: {  	[dreg:$0x4] =	wrdreg $0xC0  }
0xac: {  	_ =	task [dreg:s8], $0x5FFFF  }
0xad: {  	[dreg:$0x1] =	wrdreg $0xFFFFFFFF  }
0xae: {  	[dreg:$0x0] =	wrdreg $0x60  }
0xaf: {  	[dreg:$0x2] =	wrdreg s2  }
0xb0: {  	[dreg:$0x3] =	wrdreg s19  }
0xb1: {  	[dreg:$0x4] =	wrdreg $0x9  }
0xb2: {  	_ =	task.clear_ibuf [dreg:s8], $0x5FFFF;
	_ =	strace $0x90000046  }
0xb3: {  	s29 =	simm.s32 $0x9;
	_ =	strace $0x80000048  }
0xb4: {  	_ =	swait.ge [sflag:s29], $0x1  }
0xb5: {  	[sflag:s29] =	ssyncadd.s32 $0xFFFFFFFF  }
0xb6: {  	_ =	strace $0x90000048  }
0xb7: {  	_ =	sfence  }
0xb8: {  	s30 =	sld [smem:$0x0];
	_ =	sdelay $0x2  }
0xb9: {  	s31 =	sshll.u32 s1, $0xD;
	s1 =	sshrl.u32 s1, $0x2  }
0xba: {  	s3 =	sand.u32 $0x4000, s31;
	s1 =	sadd.s32 s1, s30  }
0xbb: {  	s0 =	sor.u32 s3, s0;
	s1 =	sshll.u32 s1, $0x11  }
0xbc: {  	s0 =	sor.u32 s1, s0  }
0xbd: {  	s0 =	sadd.s32 $0x8F2B, s0  }
0xbe: {  	[sflag:s0] =	ssyncadd.remote.s32 $0x1  }
0xbf: {  	_ =	sfence.sel $0xFFFF  }
0xc0: {  	[dreg:$0x0] =	wrdreg $0xFFFFFFFF;
	(pc) =	sbr.abs _section_cstart, $3  }
0xc1: {  	[dreg:$0x1] =	wrdreg $0xFFFFFFFF  }
0xc2: {  	_ =	task.clear_ibuf [dreg:s8], $0x2FFFF;
	_ =	strace $0x9FFFFFFF  }
0xc3: {  	(tm) =	ssettm $0x7FFFFFFF  }
tec
execute0_lowered:
.L_overlay_start_1:
0x0: {  	(tag) =	ssettag $0x1  }
0x1: {  	s1 =	rddreg [dreg:$0x0]  }
0x2: {  	s0 =	rddreg [dreg:$0x1];
	s3 =	simm.s32 $0x0  }
0x3: {  	s2 =	srdreg.scid;
	s4 =	stileid.u32;
	s28 =	simm.s32 $0x1  }
0x4: {  	s29 =	simm.s32 $0x800;
	s30 =	simm.s32 $0x2;
	s2 =	sand.u32 $0x1, s2  }
0x5: {  	s4 =	sshll.u32 s4, $0xA;
	s5 =	ssub.s32 $0x2, s2;
	s2 =	sshll.u32 s2, $0x9  }
0x6: {  	[smem:$0x7FF] =	sst s3;
	s6 =	sshrl.u32 s5, $0x1;
	s4 =	sor.u32 s2, s4  }
0x7: {  	_ =	strace $0x80000047;
	s14 =	ssub.s32 s5, s6;
	s15 =	sadd.s32 s1, s4  }
0x8: {  	s7 =	sshll.u32 s4, $0x3;
	s6 =	sadd.s32 $0x4000, s1;
	s11 =	sadd.s32 s0, s4  }
0x9: {  	s8 =	sor.u32 $0x400, s7;
	[dreg:$0x3] =	wrdreg s15;
	s9 =	sadd.s32 $0x8000, s15  }
0xa: {  	s16 =	sadd.s32 $0xF8000, s11;
	s12 =	sor.u32 $0x40400, s7;
	[dreg:$0x4] =	wrdreg s11  }
0xb: {  	s13 =	sor.u32 $0x800, s7;
	s19 =	sadd.s32 $0xF8080, s11;
	[dreg:$0x5] =	wrdreg s16  }
0xc: {  	s23 =	sadd.s32 $0xF8100, s11;
	s26 =	sadd.s32 $0xF8180, s11;
	[dreg:$0x8] =	wrdreg s19  }
0xd: {  	s31 =	smax.u32 s14, $0x1;
	s14 =	simm.s32 $0x3;
	[dreg:$0xb] =	wrdreg s23  }
0xe: {  	s10 =	sshrl.u32 s8, $0x3;
	s20 =	sshrl.u32 s13, $0x3;
	[dreg:$0xe] =	wrdreg s26  }
0xf: {  	[dreg:$0xf] =	wrdreg s31;
	s26 =	simm.s32 $0x400;
	s17 =	sadd.s32 s1, s10  }
0x10: {  	s19 =	simm.s32 $0x4;
	s18 =	sadd.s32 s0, s10;
	[dreg:$0x6] =	wrdreg s17  }
0x11: {  	s21 =	sadd.s32 s1, s20;
	[dreg:$0x7] =	wrdreg s18;
	s18 =	sor.u32 $0xC00, s7  }
0x12: {  	v0 =	vlaneseq.u32;
	s22 =	sadd.s32 s0, s20;
	[dreg:$0x9] =	wrdreg s21;
	s24 =	sshrl.u32 s18, $0x3  }
0x13: {  	v1 =	vimm.f32 $0.0e+00;
	v2 =	vimm.f32 $1.000000000e+00;
	v3 =	vor.u32 $0x10, v0;
	s23 =	simm.s32 $0x0;
	[dreg:$0xa] =	wrdreg s22;
	s25 =	sadd.s32 s1, s24  }
0x14: {  	v4 =	vor.u32 $0x20, v0;
	v5 =	vor.u32 $0x30, v0;
	v6 =	vor.u32 $0x40, v0;
	s17 =	sor.u32 $0x40800, s7;
	s0 =	sadd.s32 s0, s24;
	[dreg:$0xc] =	wrdreg s25  }
0x15: {  	v7 =	vor.u32 $0x50, v0;
	v8 =	vor.u32 $0x60, v0;
	v9 =	vor.u32 $0x70, v0;
	s22 =	sor.u32 $0x40C00, s7;
	[dreg:$0xd] =	wrdreg s0;
	s0 =	simm.s32 $0x10000  }
.LBB2_1:
0x16: {  	s2 =	simm.s32 $0xA0  }
0x17: {  	s7 =	simm.s32 $0x40;
	s2 =	sand.u32 $0x1FFE0, s2  }
0x18: {  	s31 =	simm.s32 $0x0;
	s7 =	sand.u32 $0x1FFC0, s7;
	[tilespmem:s2+$0x800] =	vst v1  }
0x19: {  	s11 =	sand.u32 $0xFFC0, s31;
	[tilespmem:s7+$0x800] =	vst v1  }
0x1a: {  	[tilespmem:s11+$0x800] =	vst v1  }
0x1b: {  	[tilespmem:s11+$0x810] =	vst v1  }
0x1c: {  	s10 =	simm.s32 $0x50;
	s25 =	simm.s32 $0x0;
	s15 =	simm.s32 $0x60;
	[tilespmem:s11+$0x820] =	vst v1  }
0x1d: {  	s16 =	simm.s32 $0x70;
	s21 =	simm.s32 $0x90;
	s10 =	sand.u32 $0x1FFD0, s10;
	[tilespmem:s11+$0x830] =	vst v1  }
0x1e: {  	s24 =	sand.u32 $0x1FFE0, s15;
	s20 =	sand.u32 $0x1FFF0, s16;
	s2 =	simm.s32 $0xB0;
	[tilespmem:s10+$0x800] =	vst v1  }
0x1f: {  	s16 =	sand.u32 $0x1FFD0, s21;
	s7 =	simm.s32 $0xF780;
	[tilespmem:s24+$0x800] =	vst v1;
	s15 =	sand.u32 $0x1FFF0, s2  }
.LBB2_2:
0x20: {  	s10 =	simm.s32 $0x800;
	[tilespmem:s20+$0x800] =	vst v1;
	s2 =	sadd.s32 $0xC0, s2  }
0x21: {  	s25 =	sadd.s32 $0xC, s25;
	s20 =	sadd.s32 $0xFFFFFF90, s2;
	s21 =	sadd.s32 $0xFFFFFFF0, s2;
	[tilespmem:s11+$0x880] =	vst v1  }
0x22: {  	s11 =	sadd.s32 $0xFFFFFFA0, s2;
	p0 =	slt.u32 s25, $0xF6C;
	s21 =	sand.u32 $0x1FFE0, s21;
	[tilespmem:s16+$0x800] =	vst v1  }
0x23: {  	s24 =	sadd.s32 $0xFFFFFFC0, s2;
	s5 =	sadd.s32 $0xFFFFFFE0, s2;
	s16 =	sadd.s32 $0xFFFFFFB0, s2;
	[tilespmem:s21+$0x800] =	vst v1  }
0x24: {  	s20 =	sand.u32 $0x1FFC0, s20;
	s31 =	sand.u32 $0x1FFD0, s11;
	s21 =	sadd.s32 $0xFFFFFF50, s2;
	[tilespmem:s15+$0x800] =	vst v1  }
0x25: {  	s11 =	sand.u32 $0xFFC0, s21;
	s21 =	sand.u32 $0x1FFE0, s16;
	[tilespmem:s20+$0x800] =	vst v1;
	s20 =	sand.u32 $0x1FFF0, s24  }
0x26: {  	s16 =	sand.u32 $0x1FFD0, s5;
	s15 =	sand.u32 $0x1FFF0, s2;
	[tilespmem:s11+$0x800] =	vst v1  }
.Ltmp0:
0x27: {  	[tilespmem:s11+$0x810] =	vst v1;
	(pc) =	sbr.rel @p0 .LBB2_2-.Ltmp0, $4  }
0x28: {  	[tilespmem:s11+$0x820] =	vst v1  }
0x29: {  	[tilespmem:s11+$0x830] =	vst v1  }
0x2a: {  	[tilespmem:s31+$0x800] =	vst v1  }
0x2b: {  	[tilespmem:s21+$0x800] =	vst v1  }
0x2c: {  	[tilespmem:s20+$0x800] =	vst v1  }
0x2d: {  	[tilespmem:s11+$0x880] =	vst v1  }
0x2e: {  	[tilespmem:s16+$0x800] =	vst v1  }
0x2f: {  	[tilespmem:s15+$0x800] =	vst v1  }
.LBB2_4:
0x30: {  	p0 =	sne.s32 s7, $0xF7F0  }
.Ltmp1:
0x31: {  	_ = 	snop;
	(pc) =	sbr.rel @p0 .LBB2_4-.Ltmp1, $4  }
0x32: {  	_ = 	snop  }
0x33: {  	s2 =	sand.u32 $0x3FFFFF80, s7  }
0x34: {  	s2 =	sadd.s32 s2, s10  }
0x35: {  	s7 =	sadd.s32 $0x10, s7;
	s10 =	sadd.s32 $0x10, s10;
	[tilespmem:s2+$0x0] =	vst v1  }
0x36: {  	s25 =	simm.s32 $0x0;
	s2 =	rddreg [dreg:$0x3]  }
0x37: {  	[tilespmem:s25], [sflag:$0x1] =	stream.linear.gather [hbm4b:s2+s25], $0x400, $0x38;
	[tilespmem:$0x1FC00] =	vst v63  }
.LBB2_6:
0x38: {  	s7 =	sshll.u32 s25, $0xF  }
0x39: {  	s2 =	sor.u32 s7, s4  }
0x3a: {  	s2 =	sadd.s32 s2, s6  }
0x3b: {  	[tilespmem:s26], [sflag:$0x2] =	stream.linear.gather [hbm4b:s2+s3], $0x400, $0x38;
	[tilespmem:$0x1FC00] =	vst v63  }
0x3c: {  	_ =	swait.ge [sflag:s28], $0x400  }
0x3d: {  	[sflag:s28] =	ssyncset.done $0x0  }
0x3e: {  	s31 =	simm.s32 $0x40;
	[sflag:s28] =	ssyncadd.s32 $0xFFFFFC00  }
0x3f: {  	v10 =	vld [tilespmem:s31+$0x30]  }
0x40: {  	v11 =	vld [tilespmem:s31+$0xFFFFFFD0]  }
0x41: {  	v12 =	vld [tilespmem:s31+$0xFFFFFFE0]  }
0x42: {  	v14 =	vld [tilespmem:s31+$0x0]  }
0x43: {  	v15 =	vld [tilespmem:s31+$0x10]  }
0x44: {  	v16 =	vld [tilespmem:s31+$0x20]  }
0x45: {  	v17 =	vld [tilespmem:s31+$0xFFFFFFC0];
	_ =	sdelay $0x1  }
0x46: {  	v13 =	vld [tilespmem:s31+$0xFFFFFFF0]  }
0x47: {  	v10 =	vadd.s32 $0xFFFFFFFF, v10  }
0x48: {  	v11 =	vadd.s32 $0xFFFFFFFF, v11;
	v12 =	vadd.s32 $0xFFFFFFFF, v12;
	v20 =	vadd.s32 $0xFFFFFFFF, v14  }
0x49: {  	v21 =	vadd.s32 $0xFFFFFFFF, v15;
	v16 =	vadd.s32 $0xFFFFFFFF, v16;
	v14 =	vadd.s32 $0xFFFFFFFF, v17  }
0x4a: {  	vm2 =	vlt.u32 v10, $0x1F0;
	v10 =	vshll.u32 v10, $0x7;
	v18 =	vshll.u32 v11, $0x7  }
0x4b: {  	vm3 =	vlt.u32 v11, $0x1F0;
	v11 =	vadd.s32 $0xFFFFFFFF, v13;
	v19 =	vor.u32 v9, v10  }
0x4c: {  	vm0 =	vlt.u32 v12, $0x1F0;
	v22 =	vshll.u32 v21, $0x7;
	v18 =	vor.u32 v3, v18  }
0x4d: {  	v15 =	vshll.u32 v16, $0x7;
	vm5 =	vlt.u32 v14, $0x1F0;
	v14 =	vshll.u32 v14, $0x7  }
0x4e: {  	vm4 =	vlt.u32 v20, $0x1F0;
	v10 =	vshll.u32 v12, $0x7;
	v13 =	vshll.u32 v11, $0x7  }
0x4f: {  	v12 =	vshll.u32 v20, $0x7;
	v14 =	vor.u32 v0, v14;
	v10 =	vor.u32 v4, v10  }
0x50: {  	vm1 =	vlt.u32 v11, $0x1F0;
	v11 =	vor.u32 v5, v13;
	v13 =	vor.u32 v6, v12;
	[tilespmem:v19+s29+$0x0] =	vst.idx.add.f32.msk vm2, v2  }
0x51: {  	s10 =	simm.s32 $0x0;
	s2 =	simm.s32 $0xC0;
	v12 =	vor.u32 v7, v22;
	[tilespmem:v18+s29+$0x0] =	vst.idx.add.f32.msk vm3, v2;
	vm3 =	vlt.u32 v21, $0x1F0;
	vm2 =	vlt.u32 v16, $0x1F0  }
.LBB2_7:
0x52: {  	v16 =	vld [tilespmem:s2+$0x30];
	s10 =	sadd.s32 $0x8, s10;
	v17 =	vor.u32 v8, v15  }
0x53: {  	v15 =	vld [tilespmem:s2+$0xFFFFFFD0];
	p0 =	slt.u32 s10, $0x38  }
0x54: {  	v18 =	vld [tilespmem:s2+$0xFFFFFFE0]  }
0x55: {  	v19 =	vld [tilespmem:s2+$0xFFFFFFF0]  }
0x56: {  	v20 =	vld [tilespmem:s2+$0x0]  }
0x57: {  	v21 =	vld [tilespmem:s2+$0x10];
	v16 =	vadd.s32 $0xFFFFFFFF, v16  }
0x58: {  	v15 =	vadd.s32 $0xFFFFFFFF, v15;
	v22 =	vld [tilespmem:s2+$0x20];
	vm6 =	vlt.u32 v16, $0x1F0;
	v16 =	vshll.u32 v16, $0x7  }
0x59: {  	v23 =	vld [tilespmem:s2+$0xFFFFFFC0];
	v24 =	vshll.u32 v15, $0x7;
	v18 =	vadd.s32 $0xFFFFFFFF, v18;
	v16 =	vor.u32 v9, v16  }
0x5a: {  	vm7 =	vlt.u32 v15, $0x1F0;
	v15 =	vshll.u32 v18, $0x7;
	v19 =	vadd.s32 $0xFFFFFFFF, v19;
	[tilespmem:v14+s29+$0x0] =	vst.idx.add.f32.msk vm5, v2  }
0x5b: {  	v24 =	vor.u32 v3, v24;
	v14 =	vshll.u32 v19, $0x7;
	v20 =	vadd.s32 $0xFFFFFFFF, v20;
	[tilespmem:v10+s29+$0x0] =	vst.idx.add.f32.msk vm0, v2  }
0x5c: {  	vm0 =	vlt.u32 v18, $0x1F0;
	v18 =	vshll.u32 v20, $0x7;
	v21 =	vadd.s32 $0xFFFFFFFF, v21;
	[tilespmem:v11+s29+$0x0] =	vst.idx.add.f32.msk vm1, v2  }
.Ltmp2:
0x5d: {  	v10 =	vor.u32 v4, v15;
	v25 =	vshll.u32 v21, $0x7;
	v22 =	vadd.s32 $0xFFFFFFFF, v22;
	[tilespmem:v13+s29+$0x0] =	vst.idx.add.f32.msk vm4, v2;
	(pc) =	sbr.rel @p0 .LBB2_7-.Ltmp2, $4  }
0x5e: {  	vm1 =	vlt.u32 v19, $0x1F0;
	v11 =	vadd.s32 $0xFFFFFFFF, v23;
	v15 =	vshll.u32 v22, $0x7;
	[tilespmem:v16+s29+$0x0] =	vst.idx.add.f32.msk vm6, v2  }
0x5f: {  	vm5 =	vlt.u32 v11, $0x1F0;
	v13 =	vshll.u32 v11, $0x7;
	v11 =	vor.u32 v5, v14;
	[tilespmem:v12+s29+$0x0] =	vst.idx.add.f32.msk vm3, v2  }
0x60: {  	vm4 =	vlt.u32 v20, $0x1F0;
	v14 =	vor.u32 v0, v13;
	[tilespmem:v24+s29+$0x0] =	vst.idx.add.f32.msk vm7, v2;
	v13 =	vor.u32 v6, v18  }
0x61: {  	s2 =	sadd.s32 $0x80, s2;
	vm3 =	vlt.u32 v21, $0x1F0;
	v12 =	vor.u32 v7, v25;
	[tilespmem:v17+s29+$0x0] =	vst.idx.add.f32.msk vm2, v2;
	vm2 =	vlt.u32 v22, $0x1F0  }
0x62: {  	_ =	sdelay $0x4  }
0x63: {  	v15 =	vor.u32 v8, v15;
	[tilespmem:v14+s29+$0x0] =	vst.idx.add.f32.msk vm5, v2  }
0x64: {  	[tilespmem:v10+s29+$0x0] =	vst.idx.add.f32.msk vm0, v2  }
0x65: {  	[tilespmem:v11+s29+$0x0] =	vst.idx.add.f32.msk vm1, v2  }
0x66: {  	[tilespmem:v13+s29+$0x0] =	vst.idx.add.f32.msk vm4, v2  }
0x67: {  	[tilespmem:v12+s29+$0x0] =	vst.idx.add.f32.msk vm3, v2  }
0x68: {  	s2 =	sadd.s32 s7, s9;
	[tilespmem:v15+s29+$0x0] =	vst.idx.add.f32.msk vm2, v2  }
0x69: {  	[tilespmem:s3], [sflag:$0x1] =	stream.linear.gather [hbm4b:s2+s3], $0x400, $0x38;
	[tilespmem:$0x1FC00] =	vst v63  }
0x6a: {  	_ =	swait.ge [sflag:s30], $0x400  }
0x6b: {  	[sflag:s30] =	ssyncset.done $0x0  }
0x6c: {  	s31 =	simm.s32 $0x440;
	[sflag:s30] =	ssyncadd.s32 $0xFFFFFC00  }
0x6d: {  	v10 =	vld [tilespmem:s31+$0x30]  }
0x6e: {  	v11 =	vld [tilespmem:s31+$0xFFFFFFD0]  }
0x6f: {  	v12 =	vld [tilespmem:s31+$0xFFFFFFE0]  }
0x70: {  	v14 =	vld [tilespmem:s31+$0x0]  }
0x71: {  	v15 =	vld [tilespmem:s31+$0x10]  }
0x72: {  	v16 =	vld [tilespmem:s31+$0x20];
	_ =	sdelay $0x1  }
0x73: {  	v13 =	vld [tilespmem:s31+$0xFFFFFFF0]  }
0x74: {  	v10 =	vadd.s32 $0xFFFFFFFF, v10  }
0x75: {  	v11 =	vadd.s32 $0xFFFFFFFF, v11;
	v12 =	vadd.s32 $0xFFFFFFFF, v12;
	v20 =	vadd.s32 $0xFFFFFFFF, v14  }
0x76: {  	v17 =	vld [tilespmem:s31+$0xFFFFFFC0];
	v22 =	vadd.s32 $0xFFFFFFFF, v15;
	v16 =	vadd.s32 $0xFFFFFFFF, v16;
	vm2 =	vlt.u32 v10, $0x1F0  }
0x77: {  	v10 =	vshll.u32 v10, $0x7;
	v18 =	vshll.u32 v11, $0x7;
	vm3 =	vlt.u32 v11, $0x1F0  }
0x78: {  	v11 =	vadd.s32 $0xFFFFFFFF, v13;
	vm0 =	vlt.u32 v12, $0x1F0;
	v19 =	vor.u32 v9, v10  }
0x79: {  	v21 =	vshll.u32 v20, $0x7;
	v23 =	vshll.u32 v22, $0x7;
	v18 =	vor.u32 v3, v18  }
0x7a: {  	v15 =	vshll.u32 v16, $0x7;
	v10 =	vshll.u32 v12, $0x7;
	v13 =	vshll.u32 v11, $0x7  }
0x7b: {  	v12 =	vadd.s32 $0xFFFFFFFF, v17;
	vm1 =	vlt.u32 v11, $0x1F0;
	v10 =	vor.u32 v4, v10  }
0x7c: {  	vm5 =	vlt.u32 v12, $0x1F0;
	v11 =	vshll.u32 v12, $0x7;
	v12 =	vor.u32 v5, v13  }
0x7d: {  	vm4 =	vlt.u32 v20, $0x1F0;
	v13 =	vor.u32 v6, v21;
	v14 =	vor.u32 v0, v11;
	[tilespmem:v19+s29+$0x0] =	vst.idx.add.f32.msk vm2, v2  }
0x7e: {  	s7 =	simm.s32 $0x0;
	s2 =	simm.s32 $0x4C0;
	v11 =	vor.u32 v7, v23;
	[tilespmem:v18+s29+$0x0] =	vst.idx.add.f32.msk vm3, v2;
	vm3 =	vlt.u32 v22, $0x1F0;
	vm2 =	vlt.u32 v16, $0x1F0  }
.LBB2_9:
0x7f: {  	v16 =	vld [tilespmem:s2+$0x30];
	s7 =	sadd.s32 $0x8, s7;
	v17 =	vor.u32 v8, v15  }
0x80: {  	v15 =	vld [tilespmem:s2+$0xFFFFFFD0];
	p0 =	slt.u32 s7, $0x38  }
0x81: {  	v18 =	vld [tilespmem:s2+$0xFFFFFFE0]  }
0x82: {  	v19 =	vld [tilespmem:s2+$0xFFFFFFF0]  }
0x83: {  	v20 =	vld [tilespmem:s2+$0x0]  }
0x84: {  	v21 =	vld [tilespmem:s2+$0x10];
	v16 =	vadd.s32 $0xFFFFFFFF, v16  }
0x85: {  	v15 =	vadd.s32 $0xFFFFFFFF, v15;
	v22 =	vld [tilespmem:s2+$0x20];
	vm6 =	vlt.u32 v16, $0x1F0;
	v16 =	vshll.u32 v16, $0x7  }
0x86: {  	v23 =	vld [tilespmem:s2+$0xFFFFFFC0];
	v24 =	vshll.u32 v15, $0x7;
	v18 =	vadd.s32 $0xFFFFFFFF, v18;
	v16 =	vor.u32 v9, v16  }
0x87: {  	vm7 =	vlt.u32 v15, $0x1F0;
	v15 =	vshll.u32 v18, $0x7;
	v19 =	vadd.s32 $0xFFFFFFFF, v19;
	[tilespmem:v14+s29+$0x0] =	vst.idx.add.f32.msk vm5, v2  }
0x88: {  	v24 =	vor.u32 v3, v24;
	v14 =	vshll.u32 v19, $0x7;
	v20 =	vadd.s32 $0xFFFFFFFF, v20;
	[tilespmem:v10+s29+$0x0] =	vst.idx.add.f32.msk vm0, v2  }
0x89: {  	vm0 =	vlt.u32 v18, $0x1F0;
	v18 =	vshll.u32 v20, $0x7;
	v21 =	vadd.s32 $0xFFFFFFFF, v21;
	[tilespmem:v12+s29+$0x0] =	vst.idx.add.f32.msk vm1, v2  }
.Ltmp3:
0x8a: {  	v10 =	vor.u32 v4, v15;
	v25 =	vshll.u32 v21, $0x7;
	v22 =	vadd.s32 $0xFFFFFFFF, v22;
	[tilespmem:v13+s29+$0x0] =	vst.idx.add.f32.msk vm4, v2;
	(pc) =	sbr.rel @p0 .LBB2_9-.Ltmp3, $4  }
0x8b: {  	vm1 =	vlt.u32 v19, $0x1F0;
	v12 =	vadd.s32 $0xFFFFFFFF, v23;
	v15 =	vshll.u32 v22, $0x7;
	[tilespmem:v16+s29+$0x0] =	vst.idx.add.f32.msk vm6, v2  }
0x8c: {  	vm5 =	vlt.u32 v12, $0x1F0;
	v13 =	vshll.u32 v12, $0x7;
	v12 =	vor.u32 v5, v14;
	[tilespmem:v11+s29+$0x0] =	vst.idx.add.f32.msk vm3, v2  }
0x8d: {  	vm4 =	vlt.u32 v20, $0x1F0;
	v14 =	vor.u32 v0, v13;
	[tilespmem:v24+s29+$0x0] =	vst.idx.add.f32.msk vm7, v2;
	v13 =	vor.u32 v6, v18  }
0x8e: {  	s2 =	sadd.s32 $0x80, s2;
	vm3 =	vlt.u32 v21, $0x1F0;
	v11 =	vor.u32 v7, v25;
	[tilespmem:v17+s29+$0x0] =	vst.idx.add.f32.msk vm2, v2;
	vm2 =	vlt.u32 v22, $0x1F0  }
0x8f: {  	_ =	sdelay $0x3  }
0x90: {  	s25 =	sadd.s32 $0x1, s25  }
0x91: {  	v15 =	vor.u32 v8, v15;
	[tilespmem:v14+s29+$0x0] =	vst.idx.add.f32.msk vm5, v2;
	p0 =	sne.s32 s25, $0xC  }
.Ltmp4:
0x92: {  	[tilespmem:v10+s29+$0x0] =	vst.idx.add.f32.msk vm0, v2;
	(pc) =	sbr.rel @p0 .LBB2_6-.Ltmp4, $4  }
0x93: {  	[tilespmem:v12+s29+$0x0] =	vst.idx.add.f32.msk vm1, v2  }
0x94: {  	[tilespmem:v13+s29+$0x0] =	vst.idx.add.f32.msk vm4, v2  }
0x95: {  	[tilespmem:v11+s29+$0x0] =	vst.idx.add.f32.msk vm3, v2  }
0x96: {  	[tilespmem:v15+s29+$0x0] =	vst.idx.add.f32.msk vm2, v2  }
0x97: {  	_ =	swait.ge [sflag:s28], $0x400  }
0x98: {  	[sflag:s28] =	ssyncset.done $0x0  }
0x99: {  	s2 =	simm.s32 $0x40;
	[sflag:s28] =	ssyncadd.s32 $0xFFFFFC00  }
0x9a: {  	v10 =	vld [tilespmem:s2+$0x30]  }
0x9b: {  	v11 =	vld [tilespmem:s2+$0xFFFFFFD0]  }
0x9c: {  	v12 =	vld [tilespmem:s2+$0xFFFFFFE0]  }
0x9d: {  	v14 =	vld [tilespmem:s2+$0x0]  }
0x9e: {  	v15 =	vld [tilespmem:s2+$0x10]  }
0x9f: {  	v16 =	vld [tilespmem:s2+$0x20]  }
0xa0: {  	v17 =	vld [tilespmem:s2+$0xFFFFFFC0];
	_ =	sdelay $0x1  }
0xa1: {  	v13 =	vld [tilespmem:s2+$0xFFFFFFF0]  }
0xa2: {  	v10 =	vadd.s32 $0xFFFFFFFF, v10  }
0xa3: {  	v11 =	vadd.s32 $0xFFFFFFFF, v11;
	v12 =	vadd.s32 $0xFFFFFFFF, v12;
	v20 =	vadd.s32 $0xFFFFFFFF, v14  }
0xa4: {  	v21 =	vadd.s32 $0xFFFFFFFF, v15;
	v16 =	vadd.s32 $0xFFFFFFFF, v16;
	v14 =	vadd.s32 $0xFFFFFFFF, v17  }
0xa5: {  	vm2 =	vlt.u32 v10, $0x1F0;
	v10 =	vshll.u32 v10, $0x7;
	v18 =	vshll.u32 v11, $0x7  }
0xa6: {  	vm3 =	vlt.u32 v11, $0x1F0;
	v11 =	vadd.s32 $0xFFFFFFFF, v13;
	v19 =	vor.u32 v9, v10  }
0xa7: {  	vm0 =	vlt.u32 v12, $0x1F0;
	v22 =	vshll.u32 v21, $0x7;
	v18 =	vor.u32 v3, v18  }
0xa8: {  	v15 =	vshll.u32 v16, $0x7;
	vm5 =	vlt.u32 v14, $0x1F0;
	v14 =	vshll.u32 v14, $0x7  }
0xa9: {  	vm4 =	vlt.u32 v20, $0x1F0;
	v10 =	vshll.u32 v12, $0x7;
	v13 =	vshll.u32 v11, $0x7  }
0xaa: {  	v12 =	vshll.u32 v20, $0x7;
	v14 =	vor.u32 v0, v14;
	v10 =	vor.u32 v4, v10  }
0xab: {  	vm1 =	vlt.u32 v11, $0x1F0;
	v11 =	vor.u32 v5, v13;
	v13 =	vor.u32 v6, v12;
	[tilespmem:v19+s29+$0x0] =	vst.idx.add.f32.msk vm2, v2  }
0xac: {  	s7 =	simm.s32 $0x0;
	s2 =	simm.s32 $0xC0;
	v12 =	vor.u32 v7, v22;
	[tilespmem:v18+s29+$0x0] =	vst.idx.add.f32.msk vm3, v2;
	vm3 =	vlt.u32 v21, $0x1F0;
	vm2 =	vlt.u32 v16, $0x1F0  }
.LBB2_12:
0xad: {  	v16 =	vld [tilespmem:s2+$0x30];
	s7 =	sadd.s32 $0x8, s7;
	v17 =	vor.u32 v8, v15  }
0xae: {  	v15 =	vld [tilespmem:s2+$0xFFFFFFD0];
	p0 =	slt.u32 s7, $0x38  }
0xaf: {  	v18 =	vld [tilespmem:s2+$0xFFFFFFE0]  }
0xb0: {  	v19 =	vld [tilespmem:s2+$0xFFFFFFF0]  }
0xb1: {  	v20 =	vld [tilespmem:s2+$0x0]  }
0xb2: {  	v21 =	vld [tilespmem:s2+$0x10];
	v16 =	vadd.s32 $0xFFFFFFFF, v16  }
0xb3: {  	v15 =	vadd.s32 $0xFFFFFFFF, v15;
	v22 =	vld [tilespmem:s2+$0x20];
	vm6 =	vlt.u32 v16, $0x1F0;
	v16 =	vshll.u32 v16, $0x7  }
0xb4: {  	v23 =	vld [tilespmem:s2+$0xFFFFFFC0];
	v24 =	vshll.u32 v15, $0x7;
	v18 =	vadd.s32 $0xFFFFFFFF, v18;
	v16 =	vor.u32 v9, v16  }
0xb5: {  	vm7 =	vlt.u32 v15, $0x1F0;
	v15 =	vshll.u32 v18, $0x7;
	v19 =	vadd.s32 $0xFFFFFFFF, v19;
	[tilespmem:v14+s29+$0x0] =	vst.idx.add.f32.msk vm5, v2  }
0xb6: {  	v24 =	vor.u32 v3, v24;
	v14 =	vshll.u32 v19, $0x7;
	v20 =	vadd.s32 $0xFFFFFFFF, v20;
	[tilespmem:v10+s29+$0x0] =	vst.idx.add.f32.msk vm0, v2  }
0xb7: {  	vm0 =	vlt.u32 v18, $0x1F0;
	v18 =	vshll.u32 v20, $0x7;
	v21 =	vadd.s32 $0xFFFFFFFF, v21;
	[tilespmem:v11+s29+$0x0] =	vst.idx.add.f32.msk vm1, v2  }
.Ltmp5:
0xb8: {  	v10 =	vor.u32 v4, v15;
	v25 =	vshll.u32 v21, $0x7;
	v22 =	vadd.s32 $0xFFFFFFFF, v22;
	[tilespmem:v13+s29+$0x0] =	vst.idx.add.f32.msk vm4, v2;
	(pc) =	sbr.rel @p0 .LBB2_12-.Ltmp5, $4  }
0xb9: {  	vm1 =	vlt.u32 v19, $0x1F0;
	v11 =	vadd.s32 $0xFFFFFFFF, v23;
	v15 =	vshll.u32 v22, $0x7;
	[tilespmem:v16+s29+$0x0] =	vst.idx.add.f32.msk vm6, v2  }
0xba: {  	vm5 =	vlt.u32 v11, $0x1F0;
	v13 =	vshll.u32 v11, $0x7;
	v11 =	vor.u32 v5, v14;
	[tilespmem:v12+s29+$0x0] =	vst.idx.add.f32.msk vm3, v2  }
0xbb: {  	vm4 =	vlt.u32 v20, $0x1F0;
	v14 =	vor.u32 v0, v13;
	[tilespmem:v24+s29+$0x0] =	vst.idx.add.f32.msk vm7, v2;
	v13 =	vor.u32 v6, v18  }
0xbc: {  	s2 =	sadd.s32 $0x80, s2;
	vm3 =	vlt.u32 v21, $0x1F0;
	v12 =	vor.u32 v7, v25;
	[tilespmem:v17+s29+$0x0] =	vst.idx.add.f32.msk vm2, v2;
	vm2 =	vlt.u32 v22, $0x1F0  }
0xbd: {  	_ =	sdelay $0x4  }
0xbe: {  	v15 =	vor.u32 v8, v15;
	[tilespmem:v14+s29+$0x0] =	vst.idx.add.f32.msk vm5, v2  }
0xbf: {  	[tilespmem:v10+s29+$0x0] =	vst.idx.add.f32.msk vm0, v2  }
0xc0: {  	[tilespmem:v11+s29+$0x0] =	vst.idx.add.f32.msk vm1, v2  }
0xc1: {  	[tilespmem:v13+s29+$0x0] =	vst.idx.add.f32.msk vm4, v2  }
0xc2: {  	[tilespmem:v12+s29+$0x0] =	vst.idx.add.f32.msk vm3, v2  }
0xc3: {  	[tilespmem:v15+s29+$0x0] =	vst.idx.add.f32.msk vm2, v2  }
0xc4: {  	s5 =	simm.s32 $0x20000;
	s21 =	simm.s32 $0xA0;
	s2 =	rddreg [dreg:$0x4]  }
0xc5: {  	[hbm4b:s2+s26] =	stream.strided.scatter [tilespmem:s29], [sflag:$0x3], $0xF800, s5, s26, $0x38;
	[tilespmem:$0x1FC00] =	vst v63  }
0xc6: {  	s24 =	simm.s32 $0x40;
	s2 =	sand.u32 $0x1FFE0, s21  }
0xc7: {  	s25 =	simm.s32 $0x0;
	s5 =	sand.u32 $0x1FFC0, s24;
	[tilespmem:s2+$0x10000] =	vst v1  }
0xc8: {  	s11 =	sand.u32 $0xFFC0, s25;
	[tilespmem:s5+$0x10000] =	vst v1  }
0xc9: {  	[tilespmem:s11+$0x10000] =	vst v1  }
0xca: {  	s7 =	simm.s32 $0xFB40;
	[tilespmem:s11+$0x10010] =	vst v1  }
0xcb: {  	s10 =	simm.s32 $0x10040;
	s31 =	simm.s32 $0x50;
	s15 =	simm.s32 $0x60;
	[tilespmem:s11+$0x10020] =	vst v1  }
0xcc: {  	s16 =	simm.s32 $0x70;
	s25 =	simm.s32 $0x0;
	s24 =	sand.u32 $0x1FFE0, s15;
	[tilespmem:s11+$0x10030] =	vst v1  }
0xcd: {  	s21 =	simm.s32 $0x90;
	s2 =	simm.s32 $0xB0;
	s5 =	sand.u32 $0x1FFD0, s31;
	[tilespmem:s24+$0x10000] =	vst v1  }
0xce: {  	s20 =	sand.u32 $0x1FFF0, s16;
	s16 =	sand.u32 $0x1FFD0, s21;
	[tilespmem:s5+$0x10000] =	vst v1;
	s15 =	sand.u32 $0x1FFF0, s2  }
.LBB2_14:
0xcf: {  	[tilespmem:s20+$0x10000] =	vst v1;
	s2 =	sadd.s32 $0xC0, s2  }
0xd0: {  	s25 =	sadd.s32 $0xC, s25;
	s5 =	sadd.s32 $0xFFFFFF90, s2;
	s20 =	sadd.s32 $0xFFFFFFF0, s2;
	[tilespmem:s11+$0x10080] =	vst v1  }
0xd1: {  	s11 =	sadd.s32 $0xFFFFFFA0, s2;
	p0 =	slt.u32 s25, $0xFA8;
	s20 =	sand.u32 $0x1FFE0, s20;
	[tilespmem:s16+$0x10000] =	vst v1  }
0xd2: {  	s21 =	sadd.s32 $0xFFFFFFC0, s2;
	s24 =	sadd.s32 $0xFFFFFFE0, s2;
	s16 =	sadd.s32 $0xFFFFFFB0, s2;
	[tilespmem:s20+$0x10000] =	vst v1  }
0xd3: {  	s5 =	sand.u32 $0x1FFC0, s5;
	s31 =	sand.u32 $0x1FFD0, s11;
	s20 =	sadd.s32 $0xFFFFFF50, s2;
	[tilespmem:s15+$0x10000] =	vst v1  }
0xd4: {  	s11 =	sand.u32 $0xFFC0, s20;
	s20 =	sand.u32 $0x1FFF0, s21;
	[tilespmem:s5+$0x10000] =	vst v1;
	s5 =	sand.u32 $0x1FFE0, s16  }
0xd5: {  	s15 =	sand.u32 $0x1FFF0, s2;
	s16 =	sand.u32 $0x1FFD0, s24;
	[tilespmem:s11+$0x10000] =	vst v1  }
.Ltmp6:
0xd6: {  	[tilespmem:s11+$0x10010] =	vst v1;
	(pc) =	sbr.rel @p0 .LBB2_14-.Ltmp6, $4  }
0xd7: {  	[tilespmem:s11+$0x10020] =	vst v1  }
0xd8: {  	[tilespmem:s11+$0x10030] =	vst v1  }
0xd9: {  	[tilespmem:s31+$0x10000] =	vst v1  }
0xda: {  	[tilespmem:s5+$0x10000] =	vst v1  }
0xdb: {  	[tilespmem:s20+$0x10000] =	vst v1  }
0xdc: {  	[tilespmem:s11+$0x10080] =	vst v1  }
0xdd: {  	[tilespmem:s16+$0x10000] =	vst v1  }
0xde: {  	[tilespmem:s15+$0x10000] =	vst v1  }
.LBB2_16:
0xdf: {  	p0 =	sne.s32 s7, $0xFB70  }
.Ltmp7:
0xe0: {  	_ = 	snop;
	(pc) =	sbr.rel @p0 .LBB2_16-.Ltmp7, $4  }
0xe1: {  	_ = 	snop  }
0xe2: {  	s2 =	sand.u32 $0x3FFFFF80, s7  }
0xe3: {  	s2 =	sadd.s32 s2, s10  }
0xe4: {  	s7 =	sadd.s32 $0x10, s7;
	s10 =	sadd.s32 $0x10, s10;
	[tilespmem:s2+$0x0] =	vst v1  }
0xe5: {  	s25 =	simm.s32 $0x0;
	s2 =	rddreg [dreg:$0x3]  }
0xe6: {  	[tilespmem:s25], [sflag:$0x1] =	stream.linear.gather [hbm4b:s2+s25], $0x400, $0x38;
	[tilespmem:$0x1FC00] =	vst v63  }
.LBB2_18:
0xe7: {  	s7 =	sshll.u32 s25, $0xF  }
0xe8: {  	s2 =	sor.u32 s7, s4  }
0xe9: {  	s2 =	sadd.s32 s2, s6  }
0xea: {  	[tilespmem:s26], [sflag:$0x2] =	stream.linear.gather [hbm4b:s2+s3], $0x400, $0x38;
	[tilespmem:$0x1FC00] =	vst v63  }
0xeb: {  	_ =	swait.ge [sflag:s28], $0x400  }
0xec: {  	[sflag:s28] =	ssyncset.done $0x0  }
0xed: {  	s31 =	simm.s32 $0x40;
	[sflag:s28] =	ssyncadd.s32 $0xFFFFFC00  }
0xee: {  	v10 =	vld [tilespmem:s31+$0x30]  }
0xef: {  	v11 =	vld [tilespmem:s31+$0xFFFFFFD0]  }
0xf0: {  	v12 =	vld [tilespmem:s31+$0xFFFFFFE0]  }
0xf1: {  	v14 =	vld [tilespmem:s31+$0x0]  }
0xf2: {  	v15 =	vld [tilespmem:s31+$0x10]  }
0xf3: {  	v16 =	vld [tilespmem:s31+$0x20]  }
0xf4: {  	v17 =	vld [tilespmem:s31+$0xFFFFFFC0];
	_ =	sdelay $0x1  }
0xf5: {  	v13 =	vld [tilespmem:s31+$0xFFFFFFF0]  }
0xf6: {  	v10 =	vadd.s32 $0xFFFFFE0F, v10  }
0xf7: {  	v11 =	vadd.s32 $0xFFFFFE0F, v11;
	v12 =	vadd.s32 $0xFFFFFE0F, v12;
	v20 =	vadd.s32 $0xFFFFFE0F, v14  }
0xf8: {  	v21 =	vadd.s32 $0xFFFFFE0F, v15;
	v16 =	vadd.s32 $0xFFFFFE0F, v16;
	v14 =	vadd.s32 $0xFFFFFE0F, v17  }
0xf9: {  	vm2 =	vlt.u32 v10, $0x1F7;
	v10 =	vshll.u32 v10, $0x7;
	v18 =	vshll.u32 v11, $0x7  }
0xfa: {  	vm3 =	vlt.u32 v11, $0x1F7;
	v11 =	vadd.s32 $0xFFFFFE0F, v13;
	v19 =	vor.u32 v9, v10  }
0xfb: {  	vm0 =	vlt.u32 v12, $0x1F7;
	v22 =	vshll.u32 v21, $0x7;
	v18 =	vor.u32 v3, v18  }
0xfc: {  	v15 =	vshll.u32 v16, $0x7;
	vm5 =	vlt.u32 v14, $0x1F7;
	v14 =	vshll.u32 v14, $0x7  }
0xfd: {  	vm4 =	vlt.u32 v20, $0x1F7;
	v10 =	vshll.u32 v12, $0x7;
	v13 =	vshll.u32 v11, $0x7  }
0xfe: {  	v12 =	vshll.u32 v20, $0x7;
	v14 =	vor.u32 v0, v14;
	v10 =	vor.u32 v4, v10  }
0xff: {  	vm1 =	vlt.u32 v11, $0x1F7;
	v11 =	vor.u32 v5, v13;
	v13 =	vor.u32 v6, v12;
	[tilespmem:v19+s0+$0x0] =	vst.idx.add.f32.msk vm2, v2  }
0x100: {  	s10 =	simm.s32 $0x0;
	s2 =	simm.s32 $0xC0;
	v12 =	vor.u32 v7, v22;
	[tilespmem:v18+s0+$0x0] =	vst.idx.add.f32.msk vm3, v2;
	vm3 =	vlt.u32 v21, $0x1F7;
	vm2 =	vlt.u32 v16, $0x1F7  }
.LBB2_19:
0x101: {  	v16 =	vld [tilespmem:s2+$0x30];
	s10 =	sadd.s32 $0x8, s10;
	v17 =	vor.u32 v8, v15  }
0x102: {  	v15 =	vld [tilespmem:s2+$0xFFFFFFD0];
	p0 =	slt.u32 s10, $0x38  }
0x103: {  	v18 =	vld [tilespmem:s2+$0xFFFFFFE0]  }
0x104: {  	v19 =	vld [tilespmem:s2+$0xFFFFFFF0]  }
0x105: {  	v20 =	vld [tilespmem:s2+$0x0]  }
0x106: {  	v21 =	vld [tilespmem:s2+$0x10];
	v16 =	vadd.s32 $0xFFFFFE0F, v16  }
0x107: {  	v15 =	vadd.s32 $0xFFFFFE0F, v15;
	v22 =	vld [tilespmem:s2+$0x20];
	vm6 =	vlt.u32 v16, $0x1F7;
	v16 =	vshll.u32 v16, $0x7  }
0x108: {  	v23 =	vld [tilespmem:s2+$0xFFFFFFC0];
	v24 =	vshll.u32 v15, $0x7;
	v18 =	vadd.s32 $0xFFFFFE0F, v18;
	v16 =	vor.u32 v9, v16  }
0x109: {  	vm7 =	vlt.u32 v15, $0x1F7;
	v15 =	vshll.u32 v18, $0x7;
	v19 =	vadd.s32 $0xFFFFFE0F, v19;
	[tilespmem:v14+s0+$0x0] =	vst.idx.add.f32.msk vm5, v2  }
0x10a: {  	v24 =	vor.u32 v3, v24;
	v14 =	vshll.u32 v19, $0x7;
	v20 =	vadd.s32 $0xFFFFFE0F, v20;
	[tilespmem:v10+s0+$0x0] =	vst.idx.add.f32.msk vm0, v2  }
0x10b: {  	vm0 =	vlt.u32 v18, $0x1F7;
	v18 =	vshll.u32 v20, $0x7;
	v21 =	vadd.s32 $0xFFFFFE0F, v21;
	[tilespmem:v11+s0+$0x0] =	vst.idx.add.f32.msk vm1, v2  }
.Ltmp8:
0x10c: {  	v10 =	vor.u32 v4, v15;
	v25 =	vshll.u32 v21, $0x7;
	v22 =	vadd.s32 $0xFFFFFE0F, v22;
	[tilespmem:v13+s0+$0x0] =	vst.idx.add.f32.msk vm4, v2;
	(pc) =	sbr.rel @p0 .LBB2_19-.Ltmp8, $4  }
0x10d: {  	vm1 =	vlt.u32 v19, $0x1F7;
	v11 =	vadd.s32 $0xFFFFFE0F, v23;
	v15 =	vshll.u32 v22, $0x7;
	[tilespmem:v16+s0+$0x0] =	vst.idx.add.f32.msk vm6, v2  }
0x10e: {  	vm5 =	vlt.u32 v11, $0x1F7;
	v13 =	vshll.u32 v11, $0x7;
	v11 =	vor.u32 v5, v14;
	[tilespmem:v12+s0+$0x0] =	vst.idx.add.f32.msk vm3, v2  }
0x10f: {  	vm4 =	vlt.u32 v20, $0x1F7;
	v14 =	vor.u32 v0, v13;
	[tilespmem:v24+s0+$0x0] =	vst.idx.add.f32.msk vm7, v2;
	v13 =	vor.u32 v6, v18  }
0x110: {  	s2 =	sadd.s32 $0x80, s2;
	vm3 =	vlt.u32 v21, $0x1F7;
	v12 =	vor.u32 v7, v25;
	[tilespmem:v17+s0+$0x0] =	vst.idx.add.f32.msk vm2, v2;
	vm2 =	vlt.u32 v22, $0x1F7  }
0x111: {  	_ =	sdelay $0x4  }
0x112: {  	v15 =	vor.u32 v8, v15;
	[tilespmem:v14+s0+$0x0] =	vst.idx.add.f32.msk vm5, v2  }
0x113: {  	[tilespmem:v10+s0+$0x0] =	vst.idx.add.f32.msk vm0, v2  }
0x114: {  	[tilespmem:v11+s0+$0x0] =	vst.idx.add.f32.msk vm1, v2  }
0x115: {  	[tilespmem:v13+s0+$0x0] =	vst.idx.add.f32.msk vm4, v2  }
0x116: {  	[tilespmem:v12+s0+$0x0] =	vst.idx.add.f32.msk vm3, v2  }
0x117: {  	s2 =	sadd.s32 s7, s9;
	[tilespmem:v15+s0+$0x0] =	vst.idx.add.f32.msk vm2, v2  }
0x118: {  	[tilespmem:s3], [sflag:$0x1] =	stream.linear.gather [hbm4b:s2+s3], $0x400, $0x38;
	[tilespmem:$0x1FC00] =	vst v63  }
0x119: {  	_ =	swait.ge [sflag:s30], $0x400  }
0x11a: {  	[sflag:s30] =	ssyncset.done $0x0  }
0x11b: {  	s31 =	simm.s32 $0x440;
	[sflag:s30] =	ssyncadd.s32 $0xFFFFFC00  }
0x11c: {  	v10 =	vld [tilespmem:s31+$0x30]  }
0x11d: {  	v11 =	vld [tilespmem:s31+$0xFFFFFFD0]  }
0x11e: {  	v12 =	vld [tilespmem:s31+$0xFFFFFFE0]  }
0x11f: {  	v14 =	vld [tilespmem:s31+$0x0]  }
0x120: {  	v15 =	vld [tilespmem:s31+$0x10]  }
0x121: {  	v16 =	vld [tilespmem:s31+$0x20];
	_ =	sdelay $0x1  }
0x122: {  	v13 =	vld [tilespmem:s31+$0xFFFFFFF0]  }
0x123: {  	v10 =	vadd.s32 $0xFFFFFE0F, v10  }
0x124: {  	v11 =	vadd.s32 $0xFFFFFE0F, v11;
	v12 =	vadd.s32 $0xFFFFFE0F, v12;
	v20 =	vadd.s32 $0xFFFFFE0F, v14  }
0x125: {  	v17 =	vld [tilespmem:s31+$0xFFFFFFC0];
	v22 =	vadd.s32 $0xFFFFFE0F, v15;
	v16 =	vadd.s32 $0xFFFFFE0F, v16;
	vm2 =	vlt.u32 v10, $0x1F7  }
0x126: {  	v10 =	vshll.u32 v10, $0x7;
	v18 =	vshll.u32 v11, $0x7;
	vm3 =	vlt.u32 v11, $0x1F7  }
0x127: {  	v11 =	vadd.s32 $0xFFFFFE0F, v13;
	vm0 =	vlt.u32 v12, $0x1F7;
	v19 =	vor.u32 v9, v10  }
0x128: {  	v21 =	vshll.u32 v20, $0x7;
	v23 =	vshll.u32 v22, $0x7;
	v18 =	vor.u32 v3, v18  }
0x129: {  	v15 =	vshll.u32 v16, $0x7;
	v10 =	vshll.u32 v12, $0x7;
	v13 =	vshll.u32 v11, $0x7  }
0x12a: {  	v12 =	vadd.s32 $0xFFFFFE0F, v17;
	vm1 =	vlt.u32 v11, $0x1F7;
	v10 =	vor.u32 v4, v10  }
0x12b: {  	vm5 =	vlt.u32 v12, $0x1F7;
	v11 =	vshll.u32 v12, $0x7;
	v12 =	vor.u32 v5, v13  }
0x12c: {  	vm4 =	vlt.u32 v20, $0x1F7;
	v13 =	vor.u32 v6, v21;
	v14 =	vor.u32 v0, v11;
	[tilespmem:v19+s0+$0x0] =	vst.idx.add.f32.msk vm2, v2  }
0x12d: {  	s7 =	simm.s32 $0x0;
	s2 =	simm.s32 $0x4C0;
	v11 =	vor.u32 v7, v23;
	[tilespmem:v18+s0+$0x0] =	vst.idx.add.f32.msk vm3, v2;
	vm3 =	vlt.u32 v22, $0x1F7;
	vm2 =	vlt.u32 v16, $0x1F7  }
.LBB2_21:
0x12e: {  	v16 =	vld [tilespmem:s2+$0x30];
	s7 =	sadd.s32 $0x8, s7;
	v17 =	vor.u32 v8, v15  }
0x12f: {  	v15 =	vld [tilespmem:s2+$0xFFFFFFD0];
	p0 =	slt.u32 s7, $0x38  }
0x130: {  	v18 =	vld [tilespmem:s2+$0xFFFFFFE0]  }
0x131: {  	v19 =	vld [tilespmem:s2+$0xFFFFFFF0]  }
0x132: {  	v20 =	vld [tilespmem:s2+$0x0]  }
0x133: {  	v21 =	vld [tilespmem:s2+$0x10];
	v16 =	vadd.s32 $0xFFFFFE0F, v16  }
0x134: {  	v15 =	vadd.s32 $0xFFFFFE0F, v15;
	v22 =	vld [tilespmem:s2+$0x20];
	vm6 =	vlt.u32 v16, $0x1F7;
	v16 =	vshll.u32 v16, $0x7  }
0x135: {  	v23 =	vld [tilespmem:s2+$0xFFFFFFC0];
	v24 =	vshll.u32 v15, $0x7;
	v18 =	vadd.s32 $0xFFFFFE0F, v18;
	v16 =	vor.u32 v9, v16  }
0x136: {  	vm7 =	vlt.u32 v15, $0x1F7;
	v15 =	vshll.u32 v18, $0x7;
	v19 =	vadd.s32 $0xFFFFFE0F, v19;
	[tilespmem:v14+s0+$0x0] =	vst.idx.add.f32.msk vm5, v2  }
0x137: {  	v24 =	vor.u32 v3, v24;
	v14 =	vshll.u32 v19, $0x7;
	v20 =	vadd.s32 $0xFFFFFE0F, v20;
	[tilespmem:v10+s0+$0x0] =	vst.idx.add.f32.msk vm0, v2  }
0x138: {  	vm0 =	vlt.u32 v18, $0x1F7;
	v18 =	vshll.u32 v20, $0x7;
	v21 =	vadd.s32 $0xFFFFFE0F, v21;
	[tilespmem:v12+s0+$0x0] =	vst.idx.add.f32.msk vm1, v2  }
.Ltmp9:
0x139: {  	v10 =	vor.u32 v4, v15;
	v25 =	vshll.u32 v21, $0x7;
	v22 =	vadd.s32 $0xFFFFFE0F, v22;
	[tilespmem:v13+s0+$0x0] =	vst.idx.add.f32.msk vm4, v2;
	(pc) =	sbr.rel @p0 .LBB2_21-.Ltmp9, $4  }
0x13a: {  	vm1 =	vlt.u32 v19, $0x1F7;
	v12 =	vadd.s32 $0xFFFFFE0F, v23;
	v15 =	vshll.u32 v22, $0x7;
	[tilespmem:v16+s0+$0x0] =	vst.idx.add.f32.msk vm6, v2  }
0x13b: {  	vm5 =	vlt.u32 v12, $0x1F7;
	v13 =	vshll.u32 v12, $0x7;
	v12 =	vor.u32 v5, v14;
	[tilespmem:v11+s0+$0x0] =	vst.idx.add.f32.msk vm3, v2  }
0x13c: {  	vm4 =	vlt.u32 v20, $0x1F7;
	v14 =	vor.u32 v0, v13;
	[tilespmem:v24+s0+$0x0] =	vst.idx.add.f32.msk vm7, v2;
	v13 =	vor.u32 v6, v18  }
0x13d: {  	s2 =	sadd.s32 $0x80, s2;
	vm3 =	vlt.u32 v21, $0x1F7;
	v11 =	vor.u32 v7, v25;
	[tilespmem:v17+s0+$0x0] =	vst.idx.add.f32.msk vm2, v2;
	vm2 =	vlt.u32 v22, $0x1F7  }
0x13e: {  	_ =	sdelay $0x3  }
0x13f: {  	s25 =	sadd.s32 $0x1, s25  }
0x140: {  	v15 =	vor.u32 v8, v15;
	[tilespmem:v14+s0+$0x0] =	vst.idx.add.f32.msk vm5, v2;
	p0 =	sne.s32 s25, $0xC  }
.Ltmp10:
0x141: {  	[tilespmem:v10+s0+$0x0] =	vst.idx.add.f32.msk vm0, v2;
	(pc) =	sbr.rel @p0 .LBB2_18-.Ltmp10, $4  }
0x142: {  	[tilespmem:v12+s0+$0x0] =	vst.idx.add.f32.msk vm1, v2  }
0x143: {  	[tilespmem:v13+s0+$0x0] =	vst.idx.add.f32.msk vm4, v2  }
0x144: {  	[tilespmem:v11+s0+$0x0] =	vst.idx.add.f32.msk vm3, v2  }
0x145: {  	[tilespmem:v15+s0+$0x0] =	vst.idx.add.f32.msk vm2, v2  }
0x146: {  	_ =	swait.ge [sflag:s28], $0x400  }
0x147: {  	[sflag:s28] =	ssyncset.done $0x0  }
0x148: {  	s2 =	simm.s32 $0x40;
	[sflag:s28] =	ssyncadd.s32 $0xFFFFFC00  }
0x149: {  	v10 =	vld [tilespmem:s2+$0x30]  }
0x14a: {  	v11 =	vld [tilespmem:s2+$0xFFFFFFD0]  }
0x14b: {  	v12 =	vld [tilespmem:s2+$0xFFFFFFE0]  }
0x14c: {  	v14 =	vld [tilespmem:s2+$0x0]  }
0x14d: {  	v15 =	vld [tilespmem:s2+$0x10]  }
0x14e: {  	v16 =	vld [tilespmem:s2+$0x20]  }
0x14f: {  	v17 =	vld [tilespmem:s2+$0xFFFFFFC0];
	_ =	sdelay $0x1  }
0x150: {  	v13 =	vld [tilespmem:s2+$0xFFFFFFF0]  }
0x151: {  	v10 =	vadd.s32 $0xFFFFFE0F, v10  }
0x152: {  	v11 =	vadd.s32 $0xFFFFFE0F, v11;
	v12 =	vadd.s32 $0xFFFFFE0F, v12;
	v20 =	vadd.s32 $0xFFFFFE0F, v14  }
0x153: {  	v21 =	vadd.s32 $0xFFFFFE0F, v15;
	v16 =	vadd.s32 $0xFFFFFE0F, v16;
	v14 =	vadd.s32 $0xFFFFFE0F, v17  }
0x154: {  	vm2 =	vlt.u32 v10, $0x1F7;
	v10 =	vshll.u32 v10, $0x7;
	v18 =	vshll.u32 v11, $0x7  }
0x155: {  	vm3 =	vlt.u32 v11, $0x1F7;
	v11 =	vadd.s32 $0xFFFFFE0F, v13;
	v19 =	vor.u32 v9, v10  }
0x156: {  	vm0 =	vlt.u32 v12, $0x1F7;
	v22 =	vshll.u32 v21, $0x7;
	v18 =	vor.u32 v3, v18  }
0x157: {  	v15 =	vshll.u32 v16, $0x7;
	vm5 =	vlt.u32 v14, $0x1F7;
	v14 =	vshll.u32 v14, $0x7  }
0x158: {  	vm4 =	vlt.u32 v20, $0x1F7;
	v10 =	vshll.u32 v12, $0x7;
	v13 =	vshll.u32 v11, $0x7  }
0x159: {  	v12 =	vshll.u32 v20, $0x7;
	v14 =	vor.u32 v0, v14;
	v10 =	vor.u32 v4, v10  }
0x15a: {  	vm1 =	vlt.u32 v11, $0x1F7;
	v11 =	vor.u32 v5, v13;
	v13 =	vor.u32 v6, v12;
	[tilespmem:v19+s0+$0x0] =	vst.idx.add.f32.msk vm2, v2  }
0x15b: {  	s7 =	simm.s32 $0x0;
	s2 =	simm.s32 $0xC0;
	v12 =	vor.u32 v7, v22;
	[tilespmem:v18+s0+$0x0] =	vst.idx.add.f32.msk vm3, v2;
	vm3 =	vlt.u32 v21, $0x1F7;
	vm2 =	vlt.u32 v16, $0x1F7  }
.LBB2_24:
0x15c: {  	v16 =	vld [tilespmem:s2+$0x30];
	s7 =	sadd.s32 $0x8, s7;
	v17 =	vor.u32 v8, v15  }
0x15d: {  	v15 =	vld [tilespmem:s2+$0xFFFFFFD0];
	p0 =	slt.u32 s7, $0x38  }
0x15e: {  	v18 =	vld [tilespmem:s2+$0xFFFFFFE0]  }
0x15f: {  	v19 =	vld [tilespmem:s2+$0xFFFFFFF0]  }
0x160: {  	v20 =	vld [tilespmem:s2+$0x0]  }
0x161: {  	v21 =	vld [tilespmem:s2+$0x10];
	v16 =	vadd.s32 $0xFFFFFE0F, v16  }
0x162: {  	v15 =	vadd.s32 $0xFFFFFE0F, v15;
	v22 =	vld [tilespmem:s2+$0x20];
	vm6 =	vlt.u32 v16, $0x1F7;
	v16 =	vshll.u32 v16, $0x7  }
0x163: {  	v23 =	vld [tilespmem:s2+$0xFFFFFFC0];
	v24 =	vshll.u32 v15, $0x7;
	v18 =	vadd.s32 $0xFFFFFE0F, v18;
	v16 =	vor.u32 v9, v16  }
0x164: {  	vm7 =	vlt.u32 v15, $0x1F7;
	v15 =	vshll.u32 v18, $0x7;
	v19 =	vadd.s32 $0xFFFFFE0F, v19;
	[tilespmem:v14+s0+$0x0] =	vst.idx.add.f32.msk vm5, v2  }
0x165: {  	v24 =	vor.u32 v3, v24;
	v14 =	vshll.u32 v19, $0x7;
	v20 =	vadd.s32 $0xFFFFFE0F, v20;
	[tilespmem:v10+s0+$0x0] =	vst.idx.add.f32.msk vm0, v2  }
0x166: {  	vm0 =	vlt.u32 v18, $0x1F7;
	v18 =	vshll.u32 v20, $0x7;
	v21 =	vadd.s32 $0xFFFFFE0F, v21;
	[tilespmem:v11+s0+$0x0] =	vst.idx.add.f32.msk vm1, v2  }
.Ltmp11:
0x167: {  	v10 =	vor.u32 v4, v15;
	v25 =	vshll.u32 v21, $0x7;
	v22 =	vadd.s32 $0xFFFFFE0F, v22;
	[tilespmem:v13+s0+$0x0] =	vst.idx.add.f32.msk vm4, v2;
	(pc) =	sbr.rel @p0 .LBB2_24-.Ltmp11, $4  }
0x168: {  	vm1 =	vlt.u32 v19, $0x1F7;
	v11 =	vadd.s32 $0xFFFFFE0F, v23;
	v15 =	vshll.u32 v22, $0x7;
	[tilespmem:v16+s0+$0x0] =	vst.idx.add.f32.msk vm6, v2  }
0x169: {  	vm5 =	vlt.u32 v11, $0x1F7;
	v13 =	vshll.u32 v11, $0x7;
	v11 =	vor.u32 v5, v14;
	[tilespmem:v12+s0+$0x0] =	vst.idx.add.f32.msk vm3, v2  }
0x16a: {  	vm4 =	vlt.u32 v20, $0x1F7;
	v14 =	vor.u32 v0, v13;
	[tilespmem:v24+s0+$0x0] =	vst.idx.add.f32.msk vm7, v2;
	v13 =	vor.u32 v6, v18  }
0x16b: {  	s2 =	sadd.s32 $0x80, s2;
	vm3 =	vlt.u32 v21, $0x1F7;
	v12 =	vor.u32 v7, v25;
	[tilespmem:v17+s0+$0x0] =	vst.idx.add.f32.msk vm2, v2;
	vm2 =	vlt.u32 v22, $0x1F7  }
0x16c: {  	_ =	sdelay $0x4  }
0x16d: {  	v15 =	vor.u32 v8, v15;
	[tilespmem:v14+s0+$0x0] =	vst.idx.add.f32.msk vm5, v2  }
0x16e: {  	[tilespmem:v10+s0+$0x0] =	vst.idx.add.f32.msk vm0, v2  }
0x16f: {  	[tilespmem:v11+s0+$0x0] =	vst.idx.add.f32.msk vm1, v2  }
0x170: {  	[tilespmem:v13+s0+$0x0] =	vst.idx.add.f32.msk vm4, v2  }
0x171: {  	[tilespmem:v12+s0+$0x0] =	vst.idx.add.f32.msk vm3, v2  }
0x172: {  	[tilespmem:v15+s0+$0x0] =	vst.idx.add.f32.msk vm2, v2  }
0x173: {  	s5 =	simm.s32 $0x20000;
	s2 =	rddreg [dreg:$0x5]  }
0x174: {  	[hbm4b:s2+s26] =	stream.strided.scatter [tilespmem:s0], [sflag:$0x4], $0xF800, s5, s26, $0x38;
	[tilespmem:$0x1FC00] =	vst v63  }
0x175: {  	s20 =	simm.s32 $0x1F800;
	s2 =	sadd.s32 $0xF8000, s2  }
0x176: {  	[hbm4b:s2+s3] =	stream.linear.scatter [tilespmem:s20], [sflag:$0x4], $0x380, $0x38;
	[tilespmem:$0x1FC00] =	vst v63  }
0x177: {  	_ =	swait.ge [sflag:s14], $0xF800  }
0x178: {  	s21 =	simm.s32 $0xA0;
	[sflag:s14] =	ssyncset.done $0x0  }
0x179: {  	s24 =	simm.s32 $0x40;
	s2 =	sand.u32 $0x1FFE0, s21;
	[sflag:s14] =	ssyncadd.s32 $0xFFFF0800  }
0x17a: {  	s25 =	simm.s32 $0x0;
	s5 =	sand.u32 $0x1FFC0, s24;
	[tilespmem:s2+$0x800] =	vst v1  }
0x17b: {  	s11 =	sand.u32 $0xFFC0, s25;
	[tilespmem:s5+$0x800] =	vst v1  }
0x17c: {  	[tilespmem:s11+$0x800] =	vst v1  }
0x17d: {  	[tilespmem:s11+$0x810] =	vst v1  }
0x17e: {  	s31 =	simm.s32 $0x50;
	s7 =	simm.s32 $0x60;
	[tilespmem:s11+$0x820] =	vst v1  }
0x17f: {  	s10 =	simm.s32 $0x0;
	s15 =	simm.s32 $0x70;
	s7 =	sand.u32 $0x1FFE0, s7;
	[tilespmem:s11+$0x830] =	vst v1  }
0x180: {  	s16 =	simm.s32 $0x90;
	s2 =	simm.s32 $0xB0;
	s5 =	sand.u32 $0x1FFD0, s31;
	[tilespmem:s7+$0x800] =	vst v1  }
0x181: {  	s16 =	sand.u32 $0x1FFD0, s16;
	s20 =	sand.u32 $0x1FFF0, s15;
	[tilespmem:s5+$0x800] =	vst v1;
	s15 =	sand.u32 $0x1FFF0, s2  }
.LBB2_26:
0x182: {  	s7 =	simm.s32 $0xF780;
	s25 =	simm.s32 $0x800;
	[tilespmem:s20+$0x800] =	vst v1;
	s2 =	sadd.s32 $0xC0, s2  }
0x183: {  	s10 =	sadd.s32 $0xC, s10;
	s5 =	sadd.s32 $0xFFFFFF90, s2;
	s20 =	sadd.s32 $0xFFFFFFF0, s2;
	[tilespmem:s11+$0x880] =	vst v1  }
0x184: {  	s11 =	sadd.s32 $0xFFFFFFA0, s2;
	p0 =	slt.u32 s10, $0xF6C;
	s20 =	sand.u32 $0x1FFE0, s20;
	[tilespmem:s16+$0x800] =	vst v1  }
0x185: {  	s21 =	sadd.s32 $0xFFFFFFC0, s2;
	s24 =	sadd.s32 $0xFFFFFFE0, s2;
	s16 =	sadd.s32 $0xFFFFFFB0, s2;
	[tilespmem:s20+$0x800] =	vst v1  }
0x186: {  	s5 =	sand.u32 $0x1FFC0, s5;
	s31 =	sand.u32 $0x1FFD0, s11;
	s20 =	sadd.s32 $0xFFFFFF50, s2;
	[tilespmem:s15+$0x800] =	vst v1  }
0x187: {  	s11 =	sand.u32 $0xFFC0, s20;
	s20 =	sand.u32 $0x1FFF0, s21;
	[tilespmem:s5+$0x800] =	vst v1;
	s5 =	sand.u32 $0x1FFE0, s16  }
0x188: {  	s15 =	sand.u32 $0x1FFF0, s2;
	s16 =	sand.u32 $0x1FFD0, s24;
	[tilespmem:s11+$0x800] =	vst v1  }
.Ltmp12:
0x189: {  	[tilespmem:s11+$0x810] =	vst v1;
	(pc) =	sbr.rel @p0 .LBB2_26-.Ltmp12, $4  }
0x18a: {  	[tilespmem:s11+$0x820] =	vst v1  }
0x18b: {  	[tilespmem:s11+$0x830] =	vst v1  }
0x18c: {  	[tilespmem:s31+$0x800] =	vst v1  }
0x18d: {  	[tilespmem:s5+$0x800] =	vst v1  }
0x18e: {  	[tilespmem:s20+$0x800] =	vst v1  }
0x18f: {  	[tilespmem:s11+$0x880] =	vst v1  }
0x190: {  	[tilespmem:s16+$0x800] =	vst v1  }
0x191: {  	[tilespmem:s15+$0x800] =	vst v1  }
.LBB2_28:
0x192: {  	p0 =	sne.s32 s7, $0xF7F0  }
.Ltmp13:
0x193: {  	_ = 	snop;
	(pc) =	sbr.rel @p0 .LBB2_28-.Ltmp13, $4  }
0x194: {  	_ = 	snop  }
0x195: {  	s2 =	sand.u32 $0x3FFFFF80, s7  }
0x196: {  	s2 =	sadd.s32 s2, s25  }
0x197: {  	s7 =	sadd.s32 $0x10, s7;
	s25 =	sadd.s32 $0x10, s25;
	[tilespmem:s2+$0x0] =	vst v1  }
0x198: {  	s25 =	simm.s32 $0x0;
	s2 =	rddreg [dreg:$0x6]  }
0x199: {  	[tilespmem:s25], [sflag:$0x1] =	stream.linear.gather [hbm4b:s2+s25], $0x400, $0x38;
	[tilespmem:$0x1FC00] =	vst v63  }
.LBB2_30:
0x19a: {  	s7 =	sshll.u32 s25, $0x12  }
0x19b: {  	s2 =	sor.u32 s8, s7  }
0x19c: {  	s2 =	sshrl.u32 s2, $0x3  }
0x19d: {  	s2 =	sadd.s32 s2, s1  }
0x19e: {  	s2 =	sadd.s32 $0x4000, s2  }
0x19f: {  	[tilespmem:s26], [sflag:$0x2] =	stream.linear.gather [hbm4b:s2+s3], $0x400, $0x38;
	[tilespmem:$0x1FC00] =	vst v63  }
0x1a0: {  	_ =	swait.ge [sflag:s28], $0x400  }
0x1a1: {  	[sflag:s28] =	ssyncset.done $0x0  }
0x1a2: {  	s31 =	simm.s32 $0x40;
	[sflag:s28] =	ssyncadd.s32 $0xFFFFFC00  }
0x1a3: {  	v10 =	vld [tilespmem:s31+$0x30]  }
0x1a4: {  	v11 =	vld [tilespmem:s31+$0xFFFFFFD0]  }
0x1a5: {  	v12 =	vld [tilespmem:s31+$0xFFFFFFE0]  }
0x1a6: {  	v14 =	vld [tilespmem:s31+$0x0]  }
0x1a7: {  	v15 =	vld [tilespmem:s31+$0x10]  }
0x1a8: {  	v16 =	vld [tilespmem:s31+$0x20];
	_ =	sdelay $0x1  }
0x1a9: {  	v13 =	vld [tilespmem:s31+$0xFFFFFFF0]  }
0x1aa: {  	v10 =	vadd.s32 $0xFFFFFFFF, v10  }
0x1ab: {  	v11 =	vadd.s32 $0xFFFFFFFF, v11;
	v12 =	vadd.s32 $0xFFFFFFFF, v12;
	v20 =	vadd.s32 $0xFFFFFFFF, v14  }
0x1ac: {  	v17 =	vld [tilespmem:s31+$0xFFFFFFC0];
	v22 =	vadd.s32 $0xFFFFFFFF, v15;
	v16 =	vadd.s32 $0xFFFFFFFF, v16;
	vm2 =	vlt.u32 v10, $0x1F0  }
0x1ad: {  	v10 =	vshll.u32 v10, $0x7;
	v18 =	vshll.u32 v11, $0x7;
	vm3 =	vlt.u32 v11, $0x1F0  }
0x1ae: {  	v11 =	vadd.s32 $0xFFFFFFFF, v13;
	vm0 =	vlt.u32 v12, $0x1F0;
	v19 =	vor.u32 v9, v10  }
0x1af: {  	v21 =	vshll.u32 v20, $0x7;
	v23 =	vshll.u32 v22, $0x7;
	v18 =	vor.u32 v3, v18  }
0x1b0: {  	v15 =	vshll.u32 v16, $0x7;
	v10 =	vshll.u32 v12, $0x7;
	v13 =	vshll.u32 v11, $0x7  }
0x1b1: {  	v12 =	vadd.s32 $0xFFFFFFFF, v17;
	vm1 =	vlt.u32 v11, $0x1F0;
	v10 =	vor.u32 v4, v10  }
0x1b2: {  	vm5 =	vlt.u32 v12, $0x1F0;
	v11 =	vshll.u32 v12, $0x7;
	v12 =	vor.u32 v5, v13  }
0x1b3: {  	vm4 =	vlt.u32 v20, $0x1F0;
	v13 =	vor.u32 v6, v21;
	v14 =	vor.u32 v0, v11;
	[tilespmem:v19+s29+$0x0] =	vst.idx.add.f32.msk vm2, v2  }
0x1b4: {  	s10 =	simm.s32 $0x0;
	s2 =	simm.s32 $0xC0;
	v11 =	vor.u32 v7, v23;
	[tilespmem:v18+s29+$0x0] =	vst.idx.add.f32.msk vm3, v2;
	vm3 =	vlt.u32 v22, $0x1F0;
	vm2 =	vlt.u32 v16, $0x1F0  }
.LBB2_31:
0x1b5: {  	v16 =	vld [tilespmem:s2+$0x30];
	s10 =	sadd.s32 $0x8, s10;
	v17 =	vor.u32 v8, v15  }
0x1b6: {  	v15 =	vld [tilespmem:s2+$0xFFFFFFD0];
	p0 =	slt.u32 s10, $0x38  }
0x1b7: {  	v18 =	vld [tilespmem:s2+$0xFFFFFFE0]  }
0x1b8: {  	v19 =	vld [tilespmem:s2+$0xFFFFFFF0]  }
0x1b9: {  	v20 =	vld [tilespmem:s2+$0x0]  }
0x1ba: {  	v21 =	vld [tilespmem:s2+$0x10];
	v16 =	vadd.s32 $0xFFFFFFFF, v16  }
0x1bb: {  	v15 =	vadd.s32 $0xFFFFFFFF, v15;
	v22 =	vld [tilespmem:s2+$0x20];
	vm6 =	vlt.u32 v16, $0x1F0;
	v16 =	vshll.u32 v16, $0x7  }
0x1bc: {  	v23 =	vld [tilespmem:s2+$0xFFFFFFC0];
	v24 =	vshll.u32 v15, $0x7;
	v18 =	vadd.s32 $0xFFFFFFFF, v18;
	v16 =	vor.u32 v9, v16  }
0x1bd: {  	vm7 =	vlt.u32 v15, $0x1F0;
	v15 =	vshll.u32 v18, $0x7;
	v19 =	vadd.s32 $0xFFFFFFFF, v19;
	[tilespmem:v14+s29+$0x0] =	vst.idx.add.f32.msk vm5, v2  }
0x1be: {  	v24 =	vor.u32 v3, v24;
	v14 =	vshll.u32 v19, $0x7;
	v20 =	vadd.s32 $0xFFFFFFFF, v20;
	[tilespmem:v10+s29+$0x0] =	vst.idx.add.f32.msk vm0, v2  }
0x1bf: {  	vm0 =	vlt.u32 v18, $0x1F0;
	v18 =	vshll.u32 v20, $0x7;
	v21 =	vadd.s32 $0xFFFFFFFF, v21;
	[tilespmem:v12+s29+$0x0] =	vst.idx.add.f32.msk vm1, v2  }
.Ltmp14:
0x1c0: {  	v10 =	vor.u32 v4, v15;
	v25 =	vshll.u32 v21, $0x7;
	v22 =	vadd.s32 $0xFFFFFFFF, v22;
	[tilespmem:v13+s29+$0x0] =	vst.idx.add.f32.msk vm4, v2;
	(pc) =	sbr.rel @p0 .LBB2_31-.Ltmp14, $4  }
0x1c1: {  	vm1 =	vlt.u32 v19, $0x1F0;
	v12 =	vadd.s32 $0xFFFFFFFF, v23;
	v15 =	vshll.u32 v22, $0x7;
	[tilespmem:v16+s29+$0x0] =	vst.idx.add.f32.msk vm6, v2  }
0x1c2: {  	vm5 =	vlt.u32 v12, $0x1F0;
	v13 =	vshll.u32 v12, $0x7;
	v12 =	vor.u32 v5, v14;
	[tilespmem:v11+s29+$0x0] =	vst.idx.add.f32.msk vm3, v2  }
0x1c3: {  	vm4 =	vlt.u32 v20, $0x1F0;
	v14 =	vor.u32 v0, v13;
	[tilespmem:v24+s29+$0x0] =	vst.idx.add.f32.msk vm7, v2;
	v13 =	vor.u32 v6, v18  }
0x1c4: {  	s2 =	sadd.s32 $0x80, s2;
	vm3 =	vlt.u32 v21, $0x1F0;
	v11 =	vor.u32 v7, v25;
	[tilespmem:v17+s29+$0x0] =	vst.idx.add.f32.msk vm2, v2;
	vm2 =	vlt.u32 v22, $0x1F0  }
0x1c5: {  	_ =	sdelay $0x4  }
0x1c6: {  	v15 =	vor.u32 v8, v15;
	[tilespmem:v14+s29+$0x0] =	vst.idx.add.f32.msk vm5, v2  }
0x1c7: {  	[tilespmem:v10+s29+$0x0] =	vst.idx.add.f32.msk vm0, v2  }
0x1c8: {  	[tilespmem:v12+s29+$0x0] =	vst.idx.add.f32.msk vm1, v2  }
0x1c9: {  	[tilespmem:v13+s29+$0x0] =	vst.idx.add.f32.msk vm4, v2;
	s2 =	sadd.s32 s12, s7  }
0x1ca: {  	[tilespmem:v11+s29+$0x0] =	vst.idx.add.f32.msk vm3, v2;
	s2 =	sshrl.u32 s2, $0x3  }
0x1cb: {  	s2 =	sadd.s32 s1, s2;
	[tilespmem:v15+s29+$0x0] =	vst.idx.add.f32.msk vm2, v2  }
0x1cc: {  	[tilespmem:s3], [sflag:$0x1] =	stream.linear.gather [hbm4b:s2+s3], $0x400, $0x38;
	[tilespmem:$0x1FC00] =	vst v63  }
0x1cd: {  	_ =	swait.ge [sflag:s30], $0x400  }
0x1ce: {  	[sflag:s30] =	ssyncset.done $0x0  }
0x1cf: {  	s31 =	simm.s32 $0x440;
	[sflag:s30] =	ssyncadd.s32 $0xFFFFFC00  }
0x1d0: {  	v10 =	vld [tilespmem:s31+$0x30]  }
0x1d1: {  	v11 =	vld [tilespmem:s31+$0xFFFFFFD0]  }
0x1d2: {  	v12 =	vld [tilespmem:s31+$0xFFFFFFE0]  }
0x1d3: {  	v14 =	vld [tilespmem:s31+$0x0]  }
0x1d4: {  	v15 =	vld [tilespmem:s31+$0x10]  }
0x1d5: {  	v16 =	vld [tilespmem:s31+$0x20];
	_ =	sdelay $0x1  }
0x1d6: {  	v13 =	vld [tilespmem:s31+$0xFFFFFFF0]  }
0x1d7: {  	v10 =	vadd.s32 $0xFFFFFFFF, v10  }
0x1d8: {  	v11 =	vadd.s32 $0xFFFFFFFF, v11;
	v12 =	vadd.s32 $0xFFFFFFFF, v12;
	v20 =	vadd.s32 $0xFFFFFFFF, v14  }
0x1d9: {  	v17 =	vld [tilespmem:s31+$0xFFFFFFC0];
	v22 =	vadd.s32 $0xFFFFFFFF, v15;
	v16 =	vadd.s32 $0xFFFFFFFF, v16;
	vm2 =	vlt.u32 v10, $0x1F0  }
0x1da: {  	v10 =	vshll.u32 v10, $0x7;
	v18 =	vshll.u32 v11, $0x7;
	vm3 =	vlt.u32 v11, $0x1F0  }
0x1db: {  	v11 =	vadd.s32 $0xFFFFFFFF, v13;
	vm0 =	vlt.u32 v12, $0x1F0;
	v19 =	vor.u32 v9, v10  }
0x1dc: {  	v21 =	vshll.u32 v20, $0x7;
	v23 =	vshll.u32 v22, $0x7;
	v18 =	vor.u32 v3, v18  }
0x1dd: {  	v15 =	vshll.u32 v16, $0x7;
	v10 =	vshll.u32 v12, $0x7;
	v13 =	vshll.u32 v11, $0x7  }
0x1de: {  	v12 =	vadd.s32 $0xFFFFFFFF, v17;
	vm1 =	vlt.u32 v11, $0x1F0;
	v10 =	vor.u32 v4, v10  }
0x1df: {  	vm5 =	vlt.u32 v12, $0x1F0;
	v11 =	vshll.u32 v12, $0x7;
	v12 =	vor.u32 v5, v13  }
0x1e0: {  	vm4 =	vlt.u32 v20, $0x1F0;
	v13 =	vor.u32 v6, v21;
	v14 =	vor.u32 v0, v11;
	[tilespmem:v19+s29+$0x0] =	vst.idx.add.f32.msk vm2, v2  }
0x1e1: {  	s7 =	simm.s32 $0x0;
	s2 =	simm.s32 $0x4C0;
	v11 =	vor.u32 v7, v23;
	[tilespmem:v18+s29+$0x0] =	vst.idx.add.f32.msk vm3, v2;
	vm3 =	vlt.u32 v22, $0x1F0;
	vm2 =	vlt.u32 v16, $0x1F0  }
.LBB2_33:
0x1e2: {  	v16 =	vld [tilespmem:s2+$0x30];
	s7 =	sadd.s32 $0x8, s7;
	v17 =	vor.u32 v8, v15  }
0x1e3: {  	v15 =	vld [tilespmem:s2+$0xFFFFFFD0];
	p0 =	slt.u32 s7, $0x38  }
0x1e4: {  	v18 =	vld [tilespmem:s2+$0xFFFFFFE0]  }
0x1e5: {  	v19 =	vld [tilespmem:s2+$0xFFFFFFF0]  }
0x1e6: {  	v20 =	vld [tilespmem:s2+$0x0]  }
0x1e7: {  	v21 =	vld [tilespmem:s2+$0x10];
	v16 =	vadd.s32 $0xFFFFFFFF, v16  }
0x1e8: {  	v15 =	vadd.s32 $0xFFFFFFFF, v15;
	v22 =	vld [tilespmem:s2+$0x20];
	vm6 =	vlt.u32 v16, $0x1F0;
	v16 =	vshll.u32 v16, $0x7  }
0x1e9: {  	v23 =	vld [tilespmem:s2+$0xFFFFFFC0];
	v24 =	vshll.u32 v15, $0x7;
	v18 =	vadd.s32 $0xFFFFFFFF, v18;
	v16 =	vor.u32 v9, v16  }
0x1ea: {  	vm7 =	vlt.u32 v15, $0x1F0;
	v15 =	vshll.u32 v18, $0x7;
	v19 =	vadd.s32 $0xFFFFFFFF, v19;
	[tilespmem:v14+s29+$0x0] =	vst.idx.add.f32.msk vm5, v2  }
0x1eb: {  	v24 =	vor.u32 v3, v24;
	v14 =	vshll.u32 v19, $0x7;
	v20 =	vadd.s32 $0xFFFFFFFF, v20;
	[tilespmem:v10+s29+$0x0] =	vst.idx.add.f32.msk vm0, v2  }
0x1ec: {  	vm0 =	vlt.u32 v18, $0x1F0;
	v18 =	vshll.u32 v20, $0x7;
	v21 =	vadd.s32 $0xFFFFFFFF, v21;
	[tilespmem:v12+s29+$0x0] =	vst.idx.add.f32.msk vm1, v2  }
.Ltmp15:
0x1ed: {  	v10 =	vor.u32 v4, v15;
	v25 =	vshll.u32 v21, $0x7;
	v22 =	vadd.s32 $0xFFFFFFFF, v22;
	[tilespmem:v13+s29+$0x0] =	vst.idx.add.f32.msk vm4, v2;
	(pc) =	sbr.rel @p0 .LBB2_33-.Ltmp15, $4  }
0x1ee: {  	vm1 =	vlt.u32 v19, $0x1F0;
	v12 =	vadd.s32 $0xFFFFFFFF, v23;
	v15 =	vshll.u32 v22, $0x7;
	[tilespmem:v16+s29+$0x0] =	vst.idx.add.f32.msk vm6, v2  }
0x1ef: {  	vm5 =	vlt.u32 v12, $0x1F0;
	v13 =	vshll.u32 v12, $0x7;
	v12 =	vor.u32 v5, v14;
	[tilespmem:v11+s29+$0x0] =	vst.idx.add.f32.msk vm3, v2  }
0x1f0: {  	vm4 =	vlt.u32 v20, $0x1F0;
	v14 =	vor.u32 v0, v13;
	[tilespmem:v24+s29+$0x0] =	vst.idx.add.f32.msk vm7, v2;
	v13 =	vor.u32 v6, v18  }
0x1f1: {  	s2 =	sadd.s32 $0x80, s2;
	vm3 =	vlt.u32 v21, $0x1F0;
	v11 =	vor.u32 v7, v25;
	[tilespmem:v17+s29+$0x0] =	vst.idx.add.f32.msk vm2, v2;
	vm2 =	vlt.u32 v22, $0x1F0  }
0x1f2: {  	_ =	sdelay $0x3  }
0x1f3: {  	s25 =	sadd.s32 $0x1, s25  }
0x1f4: {  	v15 =	vor.u32 v8, v15;
	[tilespmem:v14+s29+$0x0] =	vst.idx.add.f32.msk vm5, v2;
	p0 =	sne.s32 s25, $0xC  }
.Ltmp16:
0x1f5: {  	[tilespmem:v10+s29+$0x0] =	vst.idx.add.f32.msk vm0, v2;
	(pc) =	sbr.rel @p0 .LBB2_30-.Ltmp16, $4  }
0x1f6: {  	[tilespmem:v12+s29+$0x0] =	vst.idx.add.f32.msk vm1, v2  }
0x1f7: {  	[tilespmem:v13+s29+$0x0] =	vst.idx.add.f32.msk vm4, v2  }
0x1f8: {  	[tilespmem:v11+s29+$0x0] =	vst.idx.add.f32.msk vm3, v2  }
0x1f9: {  	[tilespmem:v15+s29+$0x0] =	vst.idx.add.f32.msk vm2, v2  }
0x1fa: {  	_ =	swait.ge [sflag:s28], $0x400  }
0x1fb: {  	[sflag:s28] =	ssyncset.done $0x0  }
0x1fc: {  	s2 =	simm.s32 $0x40;
	[sflag:s28] =	ssyncadd.s32 $0xFFFFFC00  }
0x1fd: {  	v10 =	vld [tilespmem:s2+$0x30]  }
0x1fe: {  	v11 =	vld [tilespmem:s2+$0xFFFFFFD0]  }
0x1ff: {  	v12 =	vld [tilespmem:s2+$0xFFFFFFE0]  }
0x200: {  	v14 =	vld [tilespmem:s2+$0x0]  }
0x201: {  	v15 =	vld [tilespmem:s2+$0x10]  }
0x202: {  	v16 =	vld [tilespmem:s2+$0x20]  }
0x203: {  	v17 =	vld [tilespmem:s2+$0xFFFFFFC0];
	_ =	sdelay $0x1  }
0x204: {  	v13 =	vld [tilespmem:s2+$0xFFFFFFF0]  }
0x205: {  	v10 =	vadd.s32 $0xFFFFFFFF, v10  }
0x206: {  	v11 =	vadd.s32 $0xFFFFFFFF, v11;
	v12 =	vadd.s32 $0xFFFFFFFF, v12;
	v20 =	vadd.s32 $0xFFFFFFFF, v14  }
0x207: {  	v21 =	vadd.s32 $0xFFFFFFFF, v15;
	v16 =	vadd.s32 $0xFFFFFFFF, v16;
	v14 =	vadd.s32 $0xFFFFFFFF, v17  }
0x208: {  	vm2 =	vlt.u32 v10, $0x1F0;
	v10 =	vshll.u32 v10, $0x7;
	v18 =	vshll.u32 v11, $0x7  }
0x209: {  	vm3 =	vlt.u32 v11, $0x1F0;
	v11 =	vadd.s32 $0xFFFFFFFF, v13;
	v19 =	vor.u32 v9, v10  }
0x20a: {  	vm0 =	vlt.u32 v12, $0x1F0;
	v22 =	vshll.u32 v21, $0x7;
	v18 =	vor.u32 v3, v18  }
0x20b: {  	v15 =	vshll.u32 v16, $0x7;
	vm5 =	vlt.u32 v14, $0x1F0;
	v14 =	vshll.u32 v14, $0x7  }
0x20c: {  	vm4 =	vlt.u32 v20, $0x1F0;
	v10 =	vshll.u32 v12, $0x7;
	v13 =	vshll.u32 v11, $0x7  }
0x20d: {  	v12 =	vshll.u32 v20, $0x7;
	v14 =	vor.u32 v0, v14;
	v10 =	vor.u32 v4, v10  }
0x20e: {  	vm1 =	vlt.u32 v11, $0x1F0;
	v11 =	vor.u32 v5, v13;
	v13 =	vor.u32 v6, v12;
	[tilespmem:v19+s29+$0x0] =	vst.idx.add.f32.msk vm2, v2  }
0x20f: {  	s7 =	simm.s32 $0x0;
	s2 =	simm.s32 $0xC0;
	v12 =	vor.u32 v7, v22;
	[tilespmem:v18+s29+$0x0] =	vst.idx.add.f32.msk vm3, v2;
	vm3 =	vlt.u32 v21, $0x1F0;
	vm2 =	vlt.u32 v16, $0x1F0  }
.LBB2_36:
0x210: {  	v16 =	vld [tilespmem:s2+$0x30];
	s7 =	sadd.s32 $0x8, s7;
	v17 =	vor.u32 v8, v15  }
0x211: {  	v15 =	vld [tilespmem:s2+$0xFFFFFFD0];
	p0 =	slt.u32 s7, $0x38  }
0x212: {  	v18 =	vld [tilespmem:s2+$0xFFFFFFE0]  }
0x213: {  	v19 =	vld [tilespmem:s2+$0xFFFFFFF0]  }
0x214: {  	v20 =	vld [tilespmem:s2+$0x0]  }
0x215: {  	v21 =	vld [tilespmem:s2+$0x10];
	v16 =	vadd.s32 $0xFFFFFFFF, v16  }
0x216: {  	v15 =	vadd.s32 $0xFFFFFFFF, v15;
	v22 =	vld [tilespmem:s2+$0x20];
	vm6 =	vlt.u32 v16, $0x1F0;
	v16 =	vshll.u32 v16, $0x7  }
0x217: {  	v23 =	vld [tilespmem:s2+$0xFFFFFFC0];
	v24 =	vshll.u32 v15, $0x7;
	v18 =	vadd.s32 $0xFFFFFFFF, v18;
	v16 =	vor.u32 v9, v16  }
0x218: {  	vm7 =	vlt.u32 v15, $0x1F0;
	v15 =	vshll.u32 v18, $0x7;
	v19 =	vadd.s32 $0xFFFFFFFF, v19;
	[tilespmem:v14+s29+$0x0] =	vst.idx.add.f32.msk vm5, v2  }
0x219: {  	v24 =	vor.u32 v3, v24;
	v14 =	vshll.u32 v19, $0x7;
	v20 =	vadd.s32 $0xFFFFFFFF, v20;
	[tilespmem:v10+s29+$0x0] =	vst.idx.add.f32.msk vm0, v2  }
0x21a: {  	vm0 =	vlt.u32 v18, $0x1F0;
	v18 =	vshll.u32 v20, $0x7;
	v21 =	vadd.s32 $0xFFFFFFFF, v21;
	[tilespmem:v11+s29+$0x0] =	vst.idx.add.f32.msk vm1, v2  }
.Ltmp17:
0x21b: {  	v10 =	vor.u32 v4, v15;
	v25 =	vshll.u32 v21, $0x7;
	v22 =	vadd.s32 $0xFFFFFFFF, v22;
	[tilespmem:v13+s29+$0x0] =	vst.idx.add.f32.msk vm4, v2;
	(pc) =	sbr.rel @p0 .LBB2_36-.Ltmp17, $4  }
0x21c: {  	vm1 =	vlt.u32 v19, $0x1F0;
	v11 =	vadd.s32 $0xFFFFFFFF, v23;
	v15 =	vshll.u32 v22, $0x7;
	[tilespmem:v16+s29+$0x0] =	vst.idx.add.f32.msk vm6, v2  }
0x21d: {  	vm5 =	vlt.u32 v11, $0x1F0;
	v13 =	vshll.u32 v11, $0x7;
	v11 =	vor.u32 v5, v14;
	[tilespmem:v12+s29+$0x0] =	vst.idx.add.f32.msk vm3, v2  }
0x21e: {  	vm4 =	vlt.u32 v20, $0x1F0;
	v14 =	vor.u32 v0, v13;
	[tilespmem:v24+s29+$0x0] =	vst.idx.add.f32.msk vm7, v2;
	v13 =	vor.u32 v6, v18  }
0x21f: {  	s2 =	sadd.s32 $0x80, s2;
	vm3 =	vlt.u32 v21, $0x1F0;
	v12 =	vor.u32 v7, v25;
	[tilespmem:v17+s29+$0x0] =	vst.idx.add.f32.msk vm2, v2;
	vm2 =	vlt.u32 v22, $0x1F0  }
0x220: {  	_ =	sdelay $0x4  }
0x221: {  	v15 =	vor.u32 v8, v15;
	[tilespmem:v14+s29+$0x0] =	vst.idx.add.f32.msk vm5, v2  }
0x222: {  	[tilespmem:v10+s29+$0x0] =	vst.idx.add.f32.msk vm0, v2  }
0x223: {  	[tilespmem:v11+s29+$0x0] =	vst.idx.add.f32.msk vm1, v2  }
0x224: {  	[tilespmem:v13+s29+$0x0] =	vst.idx.add.f32.msk vm4, v2  }
0x225: {  	[tilespmem:v12+s29+$0x0] =	vst.idx.add.f32.msk vm3, v2  }
0x226: {  	[tilespmem:v15+s29+$0x0] =	vst.idx.add.f32.msk vm2, v2  }
0x227: {  	s5 =	simm.s32 $0x20000;
	s2 =	rddreg [dreg:$0x7]  }
0x228: {  	[hbm4b:s2+s26] =	stream.strided.scatter [tilespmem:s29], [sflag:$0x3], $0xF800, s5, s26, $0x38;
	[tilespmem:$0x1FC00] =	vst v63  }
0x229: {  	_ =	swait.ge [sflag:s19], $0xFB80  }
0x22a: {  	s21 =	simm.s32 $0xA0;
	[sflag:s19] =	ssyncset.done $0x0  }
0x22b: {  	s24 =	simm.s32 $0x40;
	s2 =	sand.u32 $0x1FFE0, s21;
	[sflag:s19] =	ssyncadd.s32 $0xFFFF0480  }
0x22c: {  	s25 =	simm.s32 $0x0;
	s5 =	sand.u32 $0x1FFC0, s24;
	[tilespmem:s2+$0x10000] =	vst v1  }
0x22d: {  	s11 =	sand.u32 $0xFFC0, s25;
	[tilespmem:s5+$0x10000] =	vst v1  }
0x22e: {  	[tilespmem:s11+$0x10000] =	vst v1  }
0x22f: {  	[tilespmem:s11+$0x10010] =	vst v1  }
0x230: {  	s31 =	simm.s32 $0x50;
	s7 =	simm.s32 $0x60;
	[tilespmem:s11+$0x10020] =	vst v1  }
0x231: {  	s10 =	simm.s32 $0x0;
	s15 =	simm.s32 $0x70;
	s7 =	sand.u32 $0x1FFE0, s7;
	[tilespmem:s11+$0x10030] =	vst v1  }
0x232: {  	s16 =	simm.s32 $0x90;
	s2 =	simm.s32 $0xB0;
	s5 =	sand.u32 $0x1FFD0, s31;
	[tilespmem:s7+$0x10000] =	vst v1  }
0x233: {  	s20 =	sand.u32 $0x1FFF0, s15;
	s16 =	sand.u32 $0x1FFD0, s16;
	[tilespmem:s5+$0x10000] =	vst v1;
	s15 =	sand.u32 $0x1FFF0, s2  }
.LBB2_38:
0x234: {  	s7 =	simm.s32 $0xFB40;
	s25 =	simm.s32 $0x10040;
	[tilespmem:s20+$0x10000] =	vst v1;
	s2 =	sadd.s32 $0xC0, s2  }
0x235: {  	s10 =	sadd.s32 $0xC, s10;
	s5 =	sadd.s32 $0xFFFFFF90, s2;
	s20 =	sadd.s32 $0xFFFFFFF0, s2;
	[tilespmem:s11+$0x10080] =	vst v1  }
0x236: {  	s11 =	sadd.s32 $0xFFFFFFA0, s2;
	p0 =	slt.u32 s10, $0xFA8;
	s20 =	sand.u32 $0x1FFE0, s20;
	[tilespmem:s16+$0x10000] =	vst v1  }
0x237: {  	s21 =	sadd.s32 $0xFFFFFFC0, s2;
	s24 =	sadd.s32 $0xFFFFFFE0, s2;
	s16 =	sadd.s32 $0xFFFFFFB0, s2;
	[tilespmem:s20+$0x10000] =	vst v1  }
0x238: {  	s5 =	sand.u32 $0x1FFC0, s5;
	s31 =	sand.u32 $0x1FFD0, s11;
	s20 =	sadd.s32 $0xFFFFFF50, s2;
	[tilespmem:s15+$0x10000] =	vst v1  }
0x239: {  	s11 =	sand.u32 $0xFFC0, s20;
	s20 =	sand.u32 $0x1FFF0, s21;
	[tilespmem:s5+$0x10000] =	vst v1;
	s5 =	sand.u32 $0x1FFE0, s16  }
0x23a: {  	s15 =	sand.u32 $0x1FFF0, s2;
	s16 =	sand.u32 $0x1FFD0, s24;
	[tilespmem:s11+$0x10000] =	vst v1  }
.Ltmp18:
0x23b: {  	[tilespmem:s11+$0x10010] =	vst v1;
	(pc) =	sbr.rel @p0 .LBB2_38-.Ltmp18, $4  }
0x23c: {  	[tilespmem:s11+$0x10020] =	vst v1  }
0x23d: {  	[tilespmem:s11+$0x10030] =	vst v1  }
0x23e: {  	[tilespmem:s31+$0x10000] =	vst v1  }
0x23f: {  	[tilespmem:s5+$0x10000] =	vst v1  }
0x240: {  	[tilespmem:s20+$0x10000] =	vst v1  }
0x241: {  	[tilespmem:s11+$0x10080] =	vst v1  }
0x242: {  	[tilespmem:s16+$0x10000] =	vst v1  }
0x243: {  	[tilespmem:s15+$0x10000] =	vst v1  }
.LBB2_40:
0x244: {  	p0 =	sne.s32 s7, $0xFB70  }
.Ltmp19:
0x245: {  	_ = 	snop;
	(pc) =	sbr.rel @p0 .LBB2_40-.Ltmp19, $4  }
0x246: {  	_ = 	snop  }
0x247: {  	s2 =	sand.u32 $0x3FFFFF80, s7  }
0x248: {  	s2 =	sadd.s32 s2, s25  }
0x249: {  	s7 =	sadd.s32 $0x10, s7;
	s25 =	sadd.s32 $0x10, s25;
	[tilespmem:s2+$0x0] =	vst v1  }
0x24a: {  	s25 =	simm.s32 $0x0;
	s2 =	rddreg [dreg:$0x6]  }
0x24b: {  	[tilespmem:s25], [sflag:$0x1] =	stream.linear.gather [hbm4b:s2+s25], $0x400, $0x38;
	[tilespmem:$0x1FC00] =	vst v63  }
.LBB2_42:
0x24c: {  	s7 =	sshll.u32 s25, $0x12  }
0x24d: {  	s2 =	sor.u32 s8, s7  }
0x24e: {  	s2 =	sshrl.u32 s2, $0x3  }
0x24f: {  	s2 =	sadd.s32 s2, s1  }
0x250: {  	s2 =	sadd.s32 $0x4000, s2  }
0x251: {  	[tilespmem:s26], [sflag:$0x2] =	stream.linear.gather [hbm4b:s2+s3], $0x400, $0x38;
	[tilespmem:$0x1FC00] =	vst v63  }
0x252: {  	_ =	swait.ge [sflag:s28], $0x400  }
0x253: {  	[sflag:s28] =	ssyncset.done $0x0  }
0x254: {  	s31 =	simm.s32 $0x40;
	[sflag:s28] =	ssyncadd.s32 $0xFFFFFC00  }
0x255: {  	v10 =	vld [tilespmem:s31+$0x30]  }
0x256: {  	v11 =	vld [tilespmem:s31+$0xFFFFFFD0]  }
0x257: {  	v12 =	vld [tilespmem:s31+$0xFFFFFFE0]  }
0x258: {  	v14 =	vld [tilespmem:s31+$0x0]  }
0x259: {  	v15 =	vld [tilespmem:s31+$0x10]  }
0x25a: {  	v16 =	vld [tilespmem:s31+$0x20];
	_ =	sdelay $0x1  }
0x25b: {  	v13 =	vld [tilespmem:s31+$0xFFFFFFF0]  }
0x25c: {  	v10 =	vadd.s32 $0xFFFFFE0F, v10  }
0x25d: {  	v11 =	vadd.s32 $0xFFFFFE0F, v11;
	v12 =	vadd.s32 $0xFFFFFE0F, v12;
	v20 =	vadd.s32 $0xFFFFFE0F, v14  }
0x25e: {  	v17 =	vld [tilespmem:s31+$0xFFFFFFC0];
	v22 =	vadd.s32 $0xFFFFFE0F, v15;
	v16 =	vadd.s32 $0xFFFFFE0F, v16;
	vm2 =	vlt.u32 v10, $0x1F7  }
0x25f: {  	v10 =	vshll.u32 v10, $0x7;
	v18 =	vshll.u32 v11, $0x7;
	vm3 =	vlt.u32 v11, $0x1F7  }
0x260: {  	v11 =	vadd.s32 $0xFFFFFE0F, v13;
	vm0 =	vlt.u32 v12, $0x1F7;
	v19 =	vor.u32 v9, v10  }
0x261: {  	v21 =	vshll.u32 v20, $0x7;
	v23 =	vshll.u32 v22, $0x7;
	v18 =	vor.u32 v3, v18  }
0x262: {  	v15 =	vshll.u32 v16, $0x7;
	v10 =	vshll.u32 v12, $0x7;
	v13 =	vshll.u32 v11, $0x7  }
0x263: {  	v12 =	vadd.s32 $0xFFFFFE0F, v17;
	vm1 =	vlt.u32 v11, $0x1F7;
	v10 =	vor.u32 v4, v10  }
0x264: {  	vm5 =	vlt.u32 v12, $0x1F7;
	v11 =	vshll.u32 v12, $0x7;
	v12 =	vor.u32 v5, v13  }
0x265: {  	vm4 =	vlt.u32 v20, $0x1F7;
	v13 =	vor.u32 v6, v21;
	v14 =	vor.u32 v0, v11;
	[tilespmem:v19+s0+$0x0] =	vst.idx.add.f32.msk vm2, v2  }
0x266: {  	s10 =	simm.s32 $0x0;
	s2 =	simm.s32 $0xC0;
	v11 =	vor.u32 v7, v23;
	[tilespmem:v18+s0+$0x0] =	vst.idx.add.f32.msk vm3, v2;
	vm3 =	vlt.u32 v22, $0x1F7;
	vm2 =	vlt.u32 v16, $0x1F7  }
.LBB2_43:
0x267: {  	v16 =	vld [tilespmem:s2+$0x30];
	s10 =	sadd.s32 $0x8, s10;
	v17 =	vor.u32 v8, v15  }
0x268: {  	v15 =	vld [tilespmem:s2+$0xFFFFFFD0];
	p0 =	slt.u32 s10, $0x38  }
0x269: {  	v18 =	vld [tilespmem:s2+$0xFFFFFFE0]  }
0x26a: {  	v19 =	vld [tilespmem:s2+$0xFFFFFFF0]  }
0x26b: {  	v20 =	vld [tilespmem:s2+$0x0]  }
0x26c: {  	v21 =	vld [tilespmem:s2+$0x10];
	v16 =	vadd.s32 $0xFFFFFE0F, v16  }
0x26d: {  	v15 =	vadd.s32 $0xFFFFFE0F, v15;
	v22 =	vld [tilespmem:s2+$0x20];
	vm6 =	vlt.u32 v16, $0x1F7;
	v16 =	vshll.u32 v16, $0x7  }
0x26e: {  	v23 =	vld [tilespmem:s2+$0xFFFFFFC0];
	v24 =	vshll.u32 v15, $0x7;
	v18 =	vadd.s32 $0xFFFFFE0F, v18;
	v16 =	vor.u32 v9, v16  }
0x26f: {  	vm7 =	vlt.u32 v15, $0x1F7;
	v15 =	vshll.u32 v18, $0x7;
	v19 =	vadd.s32 $0xFFFFFE0F, v19;
	[tilespmem:v14+s0+$0x0] =	vst.idx.add.f32.msk vm5, v2  }
0x270: {  	v24 =	vor.u32 v3, v24;
	v14 =	vshll.u32 v19, $0x7;
	v20 =	vadd.s32 $0xFFFFFE0F, v20;
	[tilespmem:v10+s0+$0x0] =	vst.idx.add.f32.msk vm0, v2  }
0x271: {  	vm0 =	vlt.u32 v18, $0x1F7;
	v18 =	vshll.u32 v20, $0x7;
	v21 =	vadd.s32 $0xFFFFFE0F, v21;
	[tilespmem:v12+s0+$0x0] =	vst.idx.add.f32.msk vm1, v2  }
.Ltmp20:
0x272: {  	v10 =	vor.u32 v4, v15;
	v25 =	vshll.u32 v21, $0x7;
	v22 =	vadd.s32 $0xFFFFFE0F, v22;
	[tilespmem:v13+s0+$0x0] =	vst.idx.add.f32.msk vm4, v2;
	(pc) =	sbr.rel @p0 .LBB2_43-.Ltmp20, $4  }
0x273: {  	vm1 =	vlt.u32 v19, $0x1F7;
	v12 =	vadd.s32 $0xFFFFFE0F, v23;
	v15 =	vshll.u32 v22, $0x7;
	[tilespmem:v16+s0+$0x0] =	vst.idx.add.f32.msk vm6, v2  }
0x274: {  	vm5 =	vlt.u32 v12, $0x1F7;
	v13 =	vshll.u32 v12, $0x7;
	v12 =	vor.u32 v5, v14;
	[tilespmem:v11+s0+$0x0] =	vst.idx.add.f32.msk vm3, v2  }
0x275: {  	vm4 =	vlt.u32 v20, $0x1F7;
	v14 =	vor.u32 v0, v13;
	[tilespmem:v24+s0+$0x0] =	vst.idx.add.f32.msk vm7, v2;
	v13 =	vor.u32 v6, v18  }
0x276: {  	s2 =	sadd.s32 $0x80, s2;
	vm3 =	vlt.u32 v21, $0x1F7;
	v11 =	vor.u32 v7, v25;
	[tilespmem:v17+s0+$0x0] =	vst.idx.add.f32.msk vm2, v2;
	vm2 =	vlt.u32 v22, $0x1F7  }
0x277: {  	_ =	sdelay $0x4  }
0x278: {  	v15 =	vor.u32 v8, v15;
	[tilespmem:v14+s0+$0x0] =	vst.idx.add.f32.msk vm5, v2  }
0x279: {  	[tilespmem:v10+s0+$0x0] =	vst.idx.add.f32.msk vm0, v2  }
0x27a: {  	[tilespmem:v12+s0+$0x0] =	vst.idx.add.f32.msk vm1, v2  }
0x27b: {  	[tilespmem:v13+s0+$0x0] =	vst.idx.add.f32.msk vm4, v2;
	s2 =	sadd.s32 s12, s7  }
0x27c: {  	[tilespmem:v11+s0+$0x0] =	vst.idx.add.f32.msk vm3, v2;
	s2 =	sshrl.u32 s2, $0x3  }
0x27d: {  	s2 =	sadd.s32 s1, s2;
	[tilespmem:v15+s0+$0x0] =	vst.idx.add.f32.msk vm2, v2  }
0x27e: {  	[tilespmem:s3], [sflag:$0x1] =	stream.linear.gather [hbm4b:s2+s3], $0x400, $0x38;
	[tilespmem:$0x1FC00] =	vst v63  }
0x27f: {  	_ =	swait.ge [sflag:s30], $0x400  }
0x280: {  	[sflag:s30] =	ssyncset.done $0x0  }
0x281: {  	s31 =	simm.s32 $0x440;
	[sflag:s30] =	ssyncadd.s32 $0xFFFFFC00  }
0x282: {  	v10 =	vld [tilespmem:s31+$0x30]  }
0x283: {  	v11 =	vld [tilespmem:s31+$0xFFFFFFD0]  }
0x284: {  	v12 =	vld [tilespmem:s31+$0xFFFFFFE0]  }
0x285: {  	v14 =	vld [tilespmem:s31+$0x0]  }
0x286: {  	v15 =	vld [tilespmem:s31+$0x10]  }
0x287: {  	v16 =	vld [tilespmem:s31+$0x20];
	_ =	sdelay $0x1  }
0x288: {  	v13 =	vld [tilespmem:s31+$0xFFFFFFF0]  }
0x289: {  	v10 =	vadd.s32 $0xFFFFFE0F, v10  }
0x28a: {  	v11 =	vadd.s32 $0xFFFFFE0F, v11;
	v12 =	vadd.s32 $0xFFFFFE0F, v12;
	v20 =	vadd.s32 $0xFFFFFE0F, v14  }
0x28b: {  	v17 =	vld [tilespmem:s31+$0xFFFFFFC0];
	v22 =	vadd.s32 $0xFFFFFE0F, v15;
	v16 =	vadd.s32 $0xFFFFFE0F, v16;
	vm2 =	vlt.u32 v10, $0x1F7  }
0x28c: {  	v10 =	vshll.u32 v10, $0x7;
	v18 =	vshll.u32 v11, $0x7;
	vm3 =	vlt.u32 v11, $0x1F7  }
0x28d: {  	v11 =	vadd.s32 $0xFFFFFE0F, v13;
	vm0 =	vlt.u32 v12, $0x1F7;
	v19 =	vor.u32 v9, v10  }
0x28e: {  	v21 =	vshll.u32 v20, $0x7;
	v23 =	vshll.u32 v22, $0x7;
	v18 =	vor.u32 v3, v18  }
0x28f: {  	v15 =	vshll.u32 v16, $0x7;
	v10 =	vshll.u32 v12, $0x7;
	v13 =	vshll.u32 v11, $0x7  }
0x290: {  	v12 =	vadd.s32 $0xFFFFFE0F, v17;
	vm1 =	vlt.u32 v11, $0x1F7;
	v10 =	vor.u32 v4, v10  }
0x291: {  	vm5 =	vlt.u32 v12, $0x1F7;
	v11 =	vshll.u32 v12, $0x7;
	v12 =	vor.u32 v5, v13  }
0x292: {  	vm4 =	vlt.u32 v20, $0x1F7;
	v13 =	vor.u32 v6, v21;
	v14 =	vor.u32 v0, v11;
	[tilespmem:v19+s0+$0x0] =	vst.idx.add.f32.msk vm2, v2  }
0x293: {  	s7 =	simm.s32 $0x0;
	s2 =	simm.s32 $0x4C0;
	v11 =	vor.u32 v7, v23;
	[tilespmem:v18+s0+$0x0] =	vst.idx.add.f32.msk vm3, v2;
	vm3 =	vlt.u32 v22, $0x1F7;
	vm2 =	vlt.u32 v16, $0x1F7  }
.LBB2_45:
0x294: {  	v16 =	vld [tilespmem:s2+$0x30];
	s7 =	sadd.s32 $0x8, s7;
	v17 =	vor.u32 v8, v15  }
0x295: {  	v15 =	vld [tilespmem:s2+$0xFFFFFFD0];
	p0 =	slt.u32 s7, $0x38  }
0x296: {  	v18 =	vld [tilespmem:s2+$0xFFFFFFE0]  }
0x297: {  	v19 =	vld [tilespmem:s2+$0xFFFFFFF0]  }
0x298: {  	v20 =	vld [tilespmem:s2+$0x0]  }
0x299: {  	v21 =	vld [tilespmem:s2+$0x10];
	v16 =	vadd.s32 $0xFFFFFE0F, v16  }
0x29a: {  	v15 =	vadd.s32 $0xFFFFFE0F, v15;
	v22 =	vld [tilespmem:s2+$0x20];
	vm6 =	vlt.u32 v16, $0x1F7;
	v16 =	vshll.u32 v16, $0x7  }
0x29b: {  	v23 =	vld [tilespmem:s2+$0xFFFFFFC0];
	v24 =	vshll.u32 v15, $0x7;
	v18 =	vadd.s32 $0xFFFFFE0F, v18;
	v16 =	vor.u32 v9, v16  }
0x29c: {  	vm7 =	vlt.u32 v15, $0x1F7;
	v15 =	vshll.u32 v18, $0x7;
	v19 =	vadd.s32 $0xFFFFFE0F, v19;
	[tilespmem:v14+s0+$0x0] =	vst.idx.add.f32.msk vm5, v2  }
0x29d: {  	v24 =	vor.u32 v3, v24;
	v14 =	vshll.u32 v19, $0x7;
	v20 =	vadd.s32 $0xFFFFFE0F, v20;
	[tilespmem:v10+s0+$0x0] =	vst.idx.add.f32.msk vm0, v2  }
0x29e: {  	vm0 =	vlt.u32 v18, $0x1F7;
	v18 =	vshll.u32 v20, $0x7;
	v21 =	vadd.s32 $0xFFFFFE0F, v21;
	[tilespmem:v12+s0+$0x0] =	vst.idx.add.f32.msk vm1, v2  }
.Ltmp21:
0x29f: {  	v10 =	vor.u32 v4, v15;
	v25 =	vshll.u32 v21, $0x7;
	v22 =	vadd.s32 $0xFFFFFE0F, v22;
	[tilespmem:v13+s0+$0x0] =	vst.idx.add.f32.msk vm4, v2;
	(pc) =	sbr.rel @p0 .LBB2_45-.Ltmp21, $4  }
0x2a0: {  	vm1 =	vlt.u32 v19, $0x1F7;
	v12 =	vadd.s32 $0xFFFFFE0F, v23;
	v15 =	vshll.u32 v22, $0x7;
	[tilespmem:v16+s0+$0x0] =	vst.idx.add.f32.msk vm6, v2  }
0x2a1: {  	vm5 =	vlt.u32 v12, $0x1F7;
	v13 =	vshll.u32 v12, $0x7;
	v12 =	vor.u32 v5, v14;
	[tilespmem:v11+s0+$0x0] =	vst.idx.add.f32.msk vm3, v2  }
0x2a2: {  	vm4 =	vlt.u32 v20, $0x1F7;
	v14 =	vor.u32 v0, v13;
	[tilespmem:v24+s0+$0x0] =	vst.idx.add.f32.msk vm7, v2;
	v13 =	vor.u32 v6, v18  }
0x2a3: {  	s2 =	sadd.s32 $0x80, s2;
	vm3 =	vlt.u32 v21, $0x1F7;
	v11 =	vor.u32 v7, v25;
	[tilespmem:v17+s0+$0x0] =	vst.idx.add.f32.msk vm2, v2;
	vm2 =	vlt.u32 v22, $0x1F7  }
0x2a4: {  	_ =	sdelay $0x3  }
0x2a5: {  	s25 =	sadd.s32 $0x1, s25  }
0x2a6: {  	v15 =	vor.u32 v8, v15;
	[tilespmem:v14+s0+$0x0] =	vst.idx.add.f32.msk vm5, v2;
	p0 =	sne.s32 s25, $0xC  }
.Ltmp22:
0x2a7: {  	[tilespmem:v10+s0+$0x0] =	vst.idx.add.f32.msk vm0, v2;
	(pc) =	sbr.rel @p0 .LBB2_42-.Ltmp22, $4  }
0x2a8: {  	[tilespmem:v12+s0+$0x0] =	vst.idx.add.f32.msk vm1, v2  }
0x2a9: {  	[tilespmem:v13+s0+$0x0] =	vst.idx.add.f32.msk vm4, v2  }
0x2aa: {  	[tilespmem:v11+s0+$0x0] =	vst.idx.add.f32.msk vm3, v2  }
0x2ab: {  	[tilespmem:v15+s0+$0x0] =	vst.idx.add.f32.msk vm2, v2  }
0x2ac: {  	_ =	swait.ge [sflag:s28], $0x400  }
0x2ad: {  	[sflag:s28] =	ssyncset.done $0x0  }
0x2ae: {  	s2 =	simm.s32 $0x40;
	[sflag:s28] =	ssyncadd.s32 $0xFFFFFC00  }
0x2af: {  	v10 =	vld [tilespmem:s2+$0x30]  }
0x2b0: {  	v11 =	vld [tilespmem:s2+$0xFFFFFFD0]  }
0x2b1: {  	v12 =	vld [tilespmem:s2+$0xFFFFFFE0]  }
0x2b2: {  	v14 =	vld [tilespmem:s2+$0x0]  }
0x2b3: {  	v15 =	vld [tilespmem:s2+$0x10]  }
0x2b4: {  	v16 =	vld [tilespmem:s2+$0x20]  }
0x2b5: {  	v17 =	vld [tilespmem:s2+$0xFFFFFFC0];
	_ =	sdelay $0x1  }
0x2b6: {  	v13 =	vld [tilespmem:s2+$0xFFFFFFF0]  }
0x2b7: {  	v10 =	vadd.s32 $0xFFFFFE0F, v10  }
0x2b8: {  	v11 =	vadd.s32 $0xFFFFFE0F, v11;
	v12 =	vadd.s32 $0xFFFFFE0F, v12;
	v20 =	vadd.s32 $0xFFFFFE0F, v14  }
0x2b9: {  	v21 =	vadd.s32 $0xFFFFFE0F, v15;
	v16 =	vadd.s32 $0xFFFFFE0F, v16;
	v14 =	vadd.s32 $0xFFFFFE0F, v17  }
0x2ba: {  	vm2 =	vlt.u32 v10, $0x1F7;
	v10 =	vshll.u32 v10, $0x7;
	v18 =	vshll.u32 v11, $0x7  }
0x2bb: {  	vm3 =	vlt.u32 v11, $0x1F7;
	v11 =	vadd.s32 $0xFFFFFE0F, v13;
	v19 =	vor.u32 v9, v10  }
0x2bc: {  	vm0 =	vlt.u32 v12, $0x1F7;
	v22 =	vshll.u32 v21, $0x7;
	v18 =	vor.u32 v3, v18  }
0x2bd: {  	v15 =	vshll.u32 v16, $0x7;
	vm5 =	vlt.u32 v14, $0x1F7;
	v14 =	vshll.u32 v14, $0x7  }
0x2be: {  	vm4 =	vlt.u32 v20, $0x1F7;
	v10 =	vshll.u32 v12, $0x7;
	v13 =	vshll.u32 v11, $0x7  }
0x2bf: {  	v12 =	vshll.u32 v20, $0x7;
	v14 =	vor.u32 v0, v14;
	v10 =	vor.u32 v4, v10  }
0x2c0: {  	vm1 =	vlt.u32 v11, $0x1F7;
	v11 =	vor.u32 v5, v13;
	v13 =	vor.u32 v6, v12;
	[tilespmem:v19+s0+$0x0] =	vst.idx.add.f32.msk vm2, v2  }
0x2c1: {  	s7 =	simm.s32 $0x0;
	s2 =	simm.s32 $0xC0;
	v12 =	vor.u32 v7, v22;
	[tilespmem:v18+s0+$0x0] =	vst.idx.add.f32.msk vm3, v2;
	vm3 =	vlt.u32 v21, $0x1F7;
	vm2 =	vlt.u32 v16, $0x1F7  }
.LBB2_48:
0x2c2: {  	v16 =	vld [tilespmem:s2+$0x30];
	s7 =	sadd.s32 $0x8, s7;
	v17 =	vor.u32 v8, v15  }
0x2c3: {  	v15 =	vld [tilespmem:s2+$0xFFFFFFD0];
	p0 =	slt.u32 s7, $0x38  }
0x2c4: {  	v18 =	vld [tilespmem:s2+$0xFFFFFFE0]  }
0x2c5: {  	v19 =	vld [tilespmem:s2+$0xFFFFFFF0]  }
0x2c6: {  	v20 =	vld [tilespmem:s2+$0x0]  }
0x2c7: {  	v21 =	vld [tilespmem:s2+$0x10];
	v16 =	vadd.s32 $0xFFFFFE0F, v16  }
0x2c8: {  	v15 =	vadd.s32 $0xFFFFFE0F, v15;
	v22 =	vld [tilespmem:s2+$0x20];
	vm6 =	vlt.u32 v16, $0x1F7;
	v16 =	vshll.u32 v16, $0x7  }
0x2c9: {  	v23 =	vld [tilespmem:s2+$0xFFFFFFC0];
	v24 =	vshll.u32 v15, $0x7;
	v18 =	vadd.s32 $0xFFFFFE0F, v18;
	v16 =	vor.u32 v9, v16  }
0x2ca: {  	vm7 =	vlt.u32 v15, $0x1F7;
	v15 =	vshll.u32 v18, $0x7;
	v19 =	vadd.s32 $0xFFFFFE0F, v19;
	[tilespmem:v14+s0+$0x0] =	vst.idx.add.f32.msk vm5, v2  }
0x2cb: {  	v24 =	vor.u32 v3, v24;
	v14 =	vshll.u32 v19, $0x7;
	v20 =	vadd.s32 $0xFFFFFE0F, v20;
	[tilespmem:v10+s0+$0x0] =	vst.idx.add.f32.msk vm0, v2  }
0x2cc: {  	vm0 =	vlt.u32 v18, $0x1F7;
	v18 =	vshll.u32 v20, $0x7;
	v21 =	vadd.s32 $0xFFFFFE0F, v21;
	[tilespmem:v11+s0+$0x0] =	vst.idx.add.f32.msk vm1, v2  }
.Ltmp23:
0x2cd: {  	v10 =	vor.u32 v4, v15;
	v25 =	vshll.u32 v21, $0x7;
	v22 =	vadd.s32 $0xFFFFFE0F, v22;
	[tilespmem:v13+s0+$0x0] =	vst.idx.add.f32.msk vm4, v2;
	(pc) =	sbr.rel @p0 .LBB2_48-.Ltmp23, $4  }
0x2ce: {  	vm1 =	vlt.u32 v19, $0x1F7;
	v11 =	vadd.s32 $0xFFFFFE0F, v23;
	v15 =	vshll.u32 v22, $0x7;
	[tilespmem:v16+s0+$0x0] =	vst.idx.add.f32.msk vm6, v2  }
0x2cf: {  	vm5 =	vlt.u32 v11, $0x1F7;
	v13 =	vshll.u32 v11, $0x7;
	v11 =	vor.u32 v5, v14;
	[tilespmem:v12+s0+$0x0] =	vst.idx.add.f32.msk vm3, v2  }
0x2d0: {  	vm4 =	vlt.u32 v20, $0x1F7;
	v14 =	vor.u32 v0, v13;
	[tilespmem:v24+s0+$0x0] =	vst.idx.add.f32.msk vm7, v2;
	v13 =	vor.u32 v6, v18  }
0x2d1: {  	s2 =	sadd.s32 $0x80, s2;
	vm3 =	vlt.u32 v21, $0x1F7;
	v12 =	vor.u32 v7, v25;
	[tilespmem:v17+s0+$0x0] =	vst.idx.add.f32.msk vm2, v2;
	vm2 =	vlt.u32 v22, $0x1F7  }
0x2d2: {  	_ =	sdelay $0x4  }
0x2d3: {  	v15 =	vor.u32 v8, v15;
	[tilespmem:v14+s0+$0x0] =	vst.idx.add.f32.msk vm5, v2  }
0x2d4: {  	[tilespmem:v10+s0+$0x0] =	vst.idx.add.f32.msk vm0, v2  }
0x2d5: {  	[tilespmem:v11+s0+$0x0] =	vst.idx.add.f32.msk vm1, v2  }
0x2d6: {  	[tilespmem:v13+s0+$0x0] =	vst.idx.add.f32.msk vm4, v2  }
0x2d7: {  	[tilespmem:v12+s0+$0x0] =	vst.idx.add.f32.msk vm3, v2  }
0x2d8: {  	[tilespmem:v15+s0+$0x0] =	vst.idx.add.f32.msk vm2, v2  }
0x2d9: {  	s5 =	simm.s32 $0x20000;
	s2 =	rddreg [dreg:$0x8]  }
0x2da: {  	[hbm4b:s2+s26] =	stream.strided.scatter [tilespmem:s0], [sflag:$0x4], $0xF800, s5, s26, $0x38;
	[tilespmem:$0x1FC00] =	vst v63  }
0x2db: {  	s20 =	simm.s32 $0x1F800;
	s2 =	sadd.s32 $0xF8000, s2  }
0x2dc: {  	[hbm4b:s2+s3] =	stream.linear.scatter [tilespmem:s20], [sflag:$0x4], $0x380, $0x38;
	[tilespmem:$0x1FC00] =	vst v63  }
0x2dd: {  	_ =	swait.ge [sflag:s14], $0xF800  }
0x2de: {  	s21 =	simm.s32 $0xA0;
	[sflag:s14] =	ssyncset.done $0x0  }
0x2df: {  	s24 =	simm.s32 $0x40;
	s2 =	sand.u32 $0x1FFE0, s21;
	[sflag:s14] =	ssyncadd.s32 $0xFFFF0800  }
0x2e0: {  	s25 =	simm.s32 $0x0;
	s5 =	sand.u32 $0x1FFC0, s24;
	[tilespmem:s2+$0x800] =	vst v1  }
0x2e1: {  	s11 =	sand.u32 $0xFFC0, s25;
	[tilespmem:s5+$0x800] =	vst v1  }
0x2e2: {  	[tilespmem:s11+$0x800] =	vst v1  }
0x2e3: {  	[tilespmem:s11+$0x810] =	vst v1  }
0x2e4: {  	s31 =	simm.s32 $0x50;
	s7 =	simm.s32 $0x60;
	[tilespmem:s11+$0x820] =	vst v1  }
0x2e5: {  	s10 =	simm.s32 $0x0;
	s15 =	simm.s32 $0x70;
	s7 =	sand.u32 $0x1FFE0, s7;
	[tilespmem:s11+$0x830] =	vst v1  }
0x2e6: {  	s16 =	simm.s32 $0x90;
	s2 =	simm.s32 $0xB0;
	s5 =	sand.u32 $0x1FFD0, s31;
	[tilespmem:s7+$0x800] =	vst v1  }
0x2e7: {  	s16 =	sand.u32 $0x1FFD0, s16;
	s20 =	sand.u32 $0x1FFF0, s15;
	[tilespmem:s5+$0x800] =	vst v1;
	s15 =	sand.u32 $0x1FFF0, s2  }
.LBB2_50:
0x2e8: {  	s7 =	simm.s32 $0xF780;
	s25 =	simm.s32 $0x800;
	[tilespmem:s20+$0x800] =	vst v1;
	s2 =	sadd.s32 $0xC0, s2  }
0x2e9: {  	s10 =	sadd.s32 $0xC, s10;
	s5 =	sadd.s32 $0xFFFFFF90, s2;
	s20 =	sadd.s32 $0xFFFFFFF0, s2;
	[tilespmem:s11+$0x880] =	vst v1  }
0x2ea: {  	s11 =	sadd.s32 $0xFFFFFFA0, s2;
	p0 =	slt.u32 s10, $0xF6C;
	s20 =	sand.u32 $0x1FFE0, s20;
	[tilespmem:s16+$0x800] =	vst v1  }
0x2eb: {  	s21 =	sadd.s32 $0xFFFFFFC0, s2;
	s24 =	sadd.s32 $0xFFFFFFE0, s2;
	s16 =	sadd.s32 $0xFFFFFFB0, s2;
	[tilespmem:s20+$0x800] =	vst v1  }
0x2ec: {  	s5 =	sand.u32 $0x1FFC0, s5;
	s31 =	sand.u32 $0x1FFD0, s11;
	s20 =	sadd.s32 $0xFFFFFF50, s2;
	[tilespmem:s15+$0x800] =	vst v1  }
0x2ed: {  	s11 =	sand.u32 $0xFFC0, s20;
	s20 =	sand.u32 $0x1FFF0, s21;
	[tilespmem:s5+$0x800] =	vst v1;
	s5 =	sand.u32 $0x1FFE0, s16  }
0x2ee: {  	s15 =	sand.u32 $0x1FFF0, s2;
	s16 =	sand.u32 $0x1FFD0, s24;
	[tilespmem:s11+$0x800] =	vst v1  }
.Ltmp24:
0x2ef: {  	[tilespmem:s11+$0x810] =	vst v1;
	(pc) =	sbr.rel @p0 .LBB2_50-.Ltmp24, $4  }
0x2f0: {  	[tilespmem:s11+$0x820] =	vst v1  }
0x2f1: {  	[tilespmem:s11+$0x830] =	vst v1  }
0x2f2: {  	[tilespmem:s31+$0x800] =	vst v1  }
0x2f3: {  	[tilespmem:s5+$0x800] =	vst v1  }
0x2f4: {  	[tilespmem:s20+$0x800] =	vst v1  }
0x2f5: {  	[tilespmem:s11+$0x880] =	vst v1  }
0x2f6: {  	[tilespmem:s16+$0x800] =	vst v1  }
0x2f7: {  	[tilespmem:s15+$0x800] =	vst v1  }
.LBB2_52:
0x2f8: {  	p0 =	sne.s32 s7, $0xF7F0  }
.Ltmp25:
0x2f9: {  	_ = 	snop;
	(pc) =	sbr.rel @p0 .LBB2_52-.Ltmp25, $4  }
0x2fa: {  	_ = 	snop  }
0x2fb: {  	s2 =	sand.u32 $0x3FFFFF80, s7  }
0x2fc: {  	s2 =	sadd.s32 s2, s25  }
0x2fd: {  	s7 =	sadd.s32 $0x10, s7;
	s25 =	sadd.s32 $0x10, s25;
	[tilespmem:s2+$0x0] =	vst v1  }
0x2fe: {  	s25 =	simm.s32 $0x0;
	s2 =	rddreg [dreg:$0x9]  }
0x2ff: {  	[tilespmem:s25], [sflag:$0x1] =	stream.linear.gather [hbm4b:s2+s25], $0x400, $0x38;
	[tilespmem:$0x1FC00] =	vst v63  }
.LBB2_54:
0x300: {  	s7 =	sshll.u32 s25, $0x12  }
0x301: {  	s2 =	sor.u32 s13, s7  }
0x302: {  	s2 =	sshrl.u32 s2, $0x3  }
0x303: {  	s2 =	sadd.s32 s2, s1  }
0x304: {  	s2 =	sadd.s32 $0x4000, s2  }
0x305: {  	[tilespmem:s26], [sflag:$0x2] =	stream.linear.gather [hbm4b:s2+s3], $0x400, $0x38;
	[tilespmem:$0x1FC00] =	vst v63  }
0x306: {  	_ =	swait.ge [sflag:s28], $0x400  }
0x307: {  	[sflag:s28] =	ssyncset.done $0x0  }
0x308: {  	s31 =	simm.s32 $0x40;
	[sflag:s28] =	ssyncadd.s32 $0xFFFFFC00  }
0x309: {  	v10 =	vld [tilespmem:s31+$0x30]  }
0x30a: {  	v11 =	vld [tilespmem:s31+$0xFFFFFFD0]  }
0x30b: {  	v12 =	vld [tilespmem:s31+$0xFFFFFFE0]  }
0x30c: {  	v14 =	vld [tilespmem:s31+$0x0]  }
0x30d: {  	v15 =	vld [tilespmem:s31+$0x10]  }
0x30e: {  	v16 =	vld [tilespmem:s31+$0x20];
	_ =	sdelay $0x1  }
0x30f: {  	v13 =	vld [tilespmem:s31+$0xFFFFFFF0]  }
0x310: {  	v10 =	vadd.s32 $0xFFFFFFFF, v10  }
0x311: {  	v11 =	vadd.s32 $0xFFFFFFFF, v11;
	v12 =	vadd.s32 $0xFFFFFFFF, v12;
	v20 =	vadd.s32 $0xFFFFFFFF, v14  }
0x312: {  	v17 =	vld [tilespmem:s31+$0xFFFFFFC0];
	v22 =	vadd.s32 $0xFFFFFFFF, v15;
	v16 =	vadd.s32 $0xFFFFFFFF, v16;
	vm2 =	vlt.u32 v10, $0x1F0  }
0x313: {  	v10 =	vshll.u32 v10, $0x7;
	v18 =	vshll.u32 v11, $0x7;
	vm3 =	vlt.u32 v11, $0x1F0  }
0x314: {  	v11 =	vadd.s32 $0xFFFFFFFF, v13;
	vm0 =	vlt.u32 v12, $0x1F0;
	v19 =	vor.u32 v9, v10  }
0x315: {  	v21 =	vshll.u32 v20, $0x7;
	v23 =	vshll.u32 v22, $0x7;
	v18 =	vor.u32 v3, v18  }
0x316: {  	v15 =	vshll.u32 v16, $0x7;
	v10 =	vshll.u32 v12, $0x7;
	v13 =	vshll.u32 v11, $0x7  }
0x317: {  	v12 =	vadd.s32 $0xFFFFFFFF, v17;
	vm1 =	vlt.u32 v11, $0x1F0;
	v10 =	vor.u32 v4, v10  }
0x318: {  	vm5 =	vlt.u32 v12, $0x1F0;
	v11 =	vshll.u32 v12, $0x7;
	v12 =	vor.u32 v5, v13  }
0x319: {  	vm4 =	vlt.u32 v20, $0x1F0;
	v13 =	vor.u32 v6, v21;
	v14 =	vor.u32 v0, v11;
	[tilespmem:v19+s29+$0x0] =	vst.idx.add.f32.msk vm2, v2  }
0x31a: {  	s10 =	simm.s32 $0x0;
	s2 =	simm.s32 $0xC0;
	v11 =	vor.u32 v7, v23;
	[tilespmem:v18+s29+$0x0] =	vst.idx.add.f32.msk vm3, v2;
	vm3 =	vlt.u32 v22, $0x1F0;
	vm2 =	vlt.u32 v16, $0x1F0  }
.LBB2_55:
0x31b: {  	v16 =	vld [tilespmem:s2+$0x30];
	s10 =	sadd.s32 $0x8, s10;
	v17 =	vor.u32 v8, v15  }
0x31c: {  	v15 =	vld [tilespmem:s2+$0xFFFFFFD0];
	p0 =	slt.u32 s10, $0x38  }
0x31d: {  	v18 =	vld [tilespmem:s2+$0xFFFFFFE0]  }
0x31e: {  	v19 =	vld [tilespmem:s2+$0xFFFFFFF0]  }
0x31f: {  	v20 =	vld [tilespmem:s2+$0x0]  }
0x320: {  	v21 =	vld [tilespmem:s2+$0x10];
	v16 =	vadd.s32 $0xFFFFFFFF, v16  }
0x321: {  	v15 =	vadd.s32 $0xFFFFFFFF, v15;
	v22 =	vld [tilespmem:s2+$0x20];
	vm6 =	vlt.u32 v16, $0x1F0;
	v16 =	vshll.u32 v16, $0x7  }
0x322: {  	v23 =	vld [tilespmem:s2+$0xFFFFFFC0];
	v24 =	vshll.u32 v15, $0x7;
	v18 =	vadd.s32 $0xFFFFFFFF, v18;
	v16 =	vor.u32 v9, v16  }
0x323: {  	vm7 =	vlt.u32 v15, $0x1F0;
	v15 =	vshll.u32 v18, $0x7;
	v19 =	vadd.s32 $0xFFFFFFFF, v19;
	[tilespmem:v14+s29+$0x0] =	vst.idx.add.f32.msk vm5, v2  }
0x324: {  	v24 =	vor.u32 v3, v24;
	v14 =	vshll.u32 v19, $0x7;
	v20 =	vadd.s32 $0xFFFFFFFF, v20;
	[tilespmem:v10+s29+$0x0] =	vst.idx.add.f32.msk vm0, v2  }
0x325: {  	vm0 =	vlt.u32 v18, $0x1F0;
	v18 =	vshll.u32 v20, $0x7;
	v21 =	vadd.s32 $0xFFFFFFFF, v21;
	[tilespmem:v12+s29+$0x0] =	vst.idx.add.f32.msk vm1, v2  }
.Ltmp26:
0x326: {  	v10 =	vor.u32 v4, v15;
	v25 =	vshll.u32 v21, $0x7;
	v22 =	vadd.s32 $0xFFFFFFFF, v22;
	[tilespmem:v13+s29+$0x0] =	vst.idx.add.f32.msk vm4, v2;
	(pc) =	sbr.rel @p0 .LBB2_55-.Ltmp26, $4  }
0x327: {  	vm1 =	vlt.u32 v19, $0x1F0;
	v12 =	vadd.s32 $0xFFFFFFFF, v23;
	v15 =	vshll.u32 v22, $0x7;
	[tilespmem:v16+s29+$0x0] =	vst.idx.add.f32.msk vm6, v2  }
0x328: {  	vm5 =	vlt.u32 v12, $0x1F0;
	v13 =	vshll.u32 v12, $0x7;
	v12 =	vor.u32 v5, v14;
	[tilespmem:v11+s29+$0x0] =	vst.idx.add.f32.msk vm3, v2  }
0x329: {  	vm4 =	vlt.u32 v20, $0x1F0;
	v14 =	vor.u32 v0, v13;
	[tilespmem:v24+s29+$0x0] =	vst.idx.add.f32.msk vm7, v2;
	v13 =	vor.u32 v6, v18  }
0x32a: {  	s2 =	sadd.s32 $0x80, s2;
	vm3 =	vlt.u32 v21, $0x1F0;
	v11 =	vor.u32 v7, v25;
	[tilespmem:v17+s29+$0x0] =	vst.idx.add.f32.msk vm2, v2;
	vm2 =	vlt.u32 v22, $0x1F0  }
0x32b: {  	_ =	sdelay $0x4  }
0x32c: {  	v15 =	vor.u32 v8, v15;
	[tilespmem:v14+s29+$0x0] =	vst.idx.add.f32.msk vm5, v2  }
0x32d: {  	[tilespmem:v10+s29+$0x0] =	vst.idx.add.f32.msk vm0, v2  }
0x32e: {  	[tilespmem:v12+s29+$0x0] =	vst.idx.add.f32.msk vm1, v2  }
0x32f: {  	[tilespmem:v13+s29+$0x0] =	vst.idx.add.f32.msk vm4, v2;
	s2 =	sadd.s32 s17, s7  }
0x330: {  	[tilespmem:v11+s29+$0x0] =	vst.idx.add.f32.msk vm3, v2;
	s2 =	sshrl.u32 s2, $0x3  }
0x331: {  	s2 =	sadd.s32 s1, s2;
	[tilespmem:v15+s29+$0x0] =	vst.idx.add.f32.msk vm2, v2  }
0x332: {  	[tilespmem:s3], [sflag:$0x1] =	stream.linear.gather [hbm4b:s2+s3], $0x400, $0x38;
	[tilespmem:$0x1FC00] =	vst v63  }
0x333: {  	_ =	swait.ge [sflag:s30], $0x400  }
0x334: {  	[sflag:s30] =	ssyncset.done $0x0  }
0x335: {  	s31 =	simm.s32 $0x440;
	[sflag:s30] =	ssyncadd.s32 $0xFFFFFC00  }
0x336: {  	v10 =	vld [tilespmem:s31+$0x30]  }
0x337: {  	v11 =	vld [tilespmem:s31+$0xFFFFFFD0]  }
0x338: {  	v12 =	vld [tilespmem:s31+$0xFFFFFFE0]  }
0x339: {  	v14 =	vld [tilespmem:s31+$0x0]  }
0x33a: {  	v15 =	vld [tilespmem:s31+$0x10]  }
0x33b: {  	v16 =	vld [tilespmem:s31+$0x20];
	_ =	sdelay $0x1  }
0x33c: {  	v13 =	vld [tilespmem:s31+$0xFFFFFFF0]  }
0x33d: {  	v10 =	vadd.s32 $0xFFFFFFFF, v10  }
0x33e: {  	v11 =	vadd.s32 $0xFFFFFFFF, v11;
	v12 =	vadd.s32 $0xFFFFFFFF, v12;
	v20 =	vadd.s32 $0xFFFFFFFF, v14  }
0x33f: {  	v17 =	vld [tilespmem:s31+$0xFFFFFFC0];
	v22 =	vadd.s32 $0xFFFFFFFF, v15;
	v16 =	vadd.s32 $0xFFFFFFFF, v16;
	vm2 =	vlt.u32 v10, $0x1F0  }
0x340: {  	v10 =	vshll.u32 v10, $0x7;
	v18 =	vshll.u32 v11, $0x7;
	vm3 =	vlt.u32 v11, $0x1F0  }
0x341: {  	v11 =	vadd.s32 $0xFFFFFFFF, v13;
	vm0 =	vlt.u32 v12, $0x1F0;
	v19 =	vor.u32 v9, v10  }
0x342: {  	v21 =	vshll.u32 v20, $0x7;
	v23 =	vshll.u32 v22, $0x7;
	v18 =	vor.u32 v3, v18  }
0x343: {  	v15 =	vshll.u32 v16, $0x7;
	v10 =	vshll.u32 v12, $0x7;
	v13 =	vshll.u32 v11, $0x7  }
0x344: {  	v12 =	vadd.s32 $0xFFFFFFFF, v17;
	vm1 =	vlt.u32 v11, $0x1F0;
	v10 =	vor.u32 v4, v10  }
0x345: {  	vm5 =	vlt.u32 v12, $0x1F0;
	v11 =	vshll.u32 v12, $0x7;
	v12 =	vor.u32 v5, v13  }
0x346: {  	vm4 =	vlt.u32 v20, $0x1F0;
	v13 =	vor.u32 v6, v21;
	v14 =	vor.u32 v0, v11;
	[tilespmem:v19+s29+$0x0] =	vst.idx.add.f32.msk vm2, v2  }
0x347: {  	s7 =	simm.s32 $0x0;
	s2 =	simm.s32 $0x4C0;
	v11 =	vor.u32 v7, v23;
	[tilespmem:v18+s29+$0x0] =	vst.idx.add.f32.msk vm3, v2;
	vm3 =	vlt.u32 v22, $0x1F0;
	vm2 =	vlt.u32 v16, $0x1F0  }
.LBB2_57:
0x348: {  	v16 =	vld [tilespmem:s2+$0x30];
	s7 =	sadd.s32 $0x8, s7;
	v17 =	vor.u32 v8, v15  }
0x349: {  	v15 =	vld [tilespmem:s2+$0xFFFFFFD0];
	p0 =	slt.u32 s7, $0x38  }
0x34a: {  	v18 =	vld [tilespmem:s2+$0xFFFFFFE0]  }
0x34b: {  	v19 =	vld [tilespmem:s2+$0xFFFFFFF0]  }
0x34c: {  	v20 =	vld [tilespmem:s2+$0x0]  }
0x34d: {  	v21 =	vld [tilespmem:s2+$0x10];
	v16 =	vadd.s32 $0xFFFFFFFF, v16  }
0x34e: {  	v15 =	vadd.s32 $0xFFFFFFFF, v15;
	v22 =	vld [tilespmem:s2+$0x20];
	vm6 =	vlt.u32 v16, $0x1F0;
	v16 =	vshll.u32 v16, $0x7  }
0x34f: {  	v23 =	vld [tilespmem:s2+$0xFFFFFFC0];
	v24 =	vshll.u32 v15, $0x7;
	v18 =	vadd.s32 $0xFFFFFFFF, v18;
	v16 =	vor.u32 v9, v16  }
0x350: {  	vm7 =	vlt.u32 v15, $0x1F0;
	v15 =	vshll.u32 v18, $0x7;
	v19 =	vadd.s32 $0xFFFFFFFF, v19;
	[tilespmem:v14+s29+$0x0] =	vst.idx.add.f32.msk vm5, v2  }
0x351: {  	v24 =	vor.u32 v3, v24;
	v14 =	vshll.u32 v19, $0x7;
	v20 =	vadd.s32 $0xFFFFFFFF, v20;
	[tilespmem:v10+s29+$0x0] =	vst.idx.add.f32.msk vm0, v2  }
0x352: {  	vm0 =	vlt.u32 v18, $0x1F0;
	v18 =	vshll.u32 v20, $0x7;
	v21 =	vadd.s32 $0xFFFFFFFF, v21;
	[tilespmem:v12+s29+$0x0] =	vst.idx.add.f32.msk vm1, v2  }
.Ltmp27:
0x353: {  	v10 =	vor.u32 v4, v15;
	v25 =	vshll.u32 v21, $0x7;
	v22 =	vadd.s32 $0xFFFFFFFF, v22;
	[tilespmem:v13+s29+$0x0] =	vst.idx.add.f32.msk vm4, v2;
	(pc) =	sbr.rel @p0 .LBB2_57-.Ltmp27, $4  }
0x354: {  	vm1 =	vlt.u32 v19, $0x1F0;
	v12 =	vadd.s32 $0xFFFFFFFF, v23;
	v15 =	vshll.u32 v22, $0x7;
	[tilespmem:v16+s29+$0x0] =	vst.idx.add.f32.msk vm6, v2  }
0x355: {  	vm5 =	vlt.u32 v12, $0x1F0;
	v13 =	vshll.u32 v12, $0x7;
	v12 =	vor.u32 v5, v14;
	[tilespmem:v11+s29+$0x0] =	vst.idx.add.f32.msk vm3, v2  }
0x356: {  	vm4 =	vlt.u32 v20, $0x1F0;
	v14 =	vor.u32 v0, v13;
	[tilespmem:v24+s29+$0x0] =	vst.idx.add.f32.msk vm7, v2;
	v13 =	vor.u32 v6, v18  }
0x357: {  	s2 =	sadd.s32 $0x80, s2;
	vm3 =	vlt.u32 v21, $0x1F0;
	v11 =	vor.u32 v7, v25;
	[tilespmem:v17+s29+$0x0] =	vst.idx.add.f32.msk vm2, v2;
	vm2 =	vlt.u32 v22, $0x1F0  }
0x358: {  	_ =	sdelay $0x3  }
0x359: {  	s25 =	sadd.s32 $0x1, s25  }
0x35a: {  	v15 =	vor.u32 v8, v15;
	[tilespmem:v14+s29+$0x0] =	vst.idx.add.f32.msk vm5, v2;
	p0 =	sne.s32 s25, $0xC  }
.Ltmp28:
0x35b: {  	[tilespmem:v10+s29+$0x0] =	vst.idx.add.f32.msk vm0, v2;
	(pc) =	sbr.rel @p0 .LBB2_54-.Ltmp28, $4  }
0x35c: {  	[tilespmem:v12+s29+$0x0] =	vst.idx.add.f32.msk vm1, v2  }
0x35d: {  	[tilespmem:v13+s29+$0x0] =	vst.idx.add.f32.msk vm4, v2  }
0x35e: {  	[tilespmem:v11+s29+$0x0] =	vst.idx.add.f32.msk vm3, v2  }
0x35f: {  	[tilespmem:v15+s29+$0x0] =	vst.idx.add.f32.msk vm2, v2  }
0x360: {  	_ =	swait.ge [sflag:s28], $0x400  }
0x361: {  	[sflag:s28] =	ssyncset.done $0x0  }
0x362: {  	s2 =	simm.s32 $0x40;
	[sflag:s28] =	ssyncadd.s32 $0xFFFFFC00  }
0x363: {  	v10 =	vld [tilespmem:s2+$0x30]  }
0x364: {  	v11 =	vld [tilespmem:s2+$0xFFFFFFD0]  }
0x365: {  	v12 =	vld [tilespmem:s2+$0xFFFFFFE0]  }
0x366: {  	v14 =	vld [tilespmem:s2+$0x0]  }
0x367: {  	v15 =	vld [tilespmem:s2+$0x10]  }
0x368: {  	v16 =	vld [tilespmem:s2+$0x20]  }
0x369: {  	v17 =	vld [tilespmem:s2+$0xFFFFFFC0];
	_ =	sdelay $0x1  }
0x36a: {  	v13 =	vld [tilespmem:s2+$0xFFFFFFF0]  }
0x36b: {  	v10 =	vadd.s32 $0xFFFFFFFF, v10  }
0x36c: {  	v11 =	vadd.s32 $0xFFFFFFFF, v11;
	v12 =	vadd.s32 $0xFFFFFFFF, v12;
	v20 =	vadd.s32 $0xFFFFFFFF, v14  }
0x36d: {  	v21 =	vadd.s32 $0xFFFFFFFF, v15;
	v16 =	vadd.s32 $0xFFFFFFFF, v16;
	v14 =	vadd.s32 $0xFFFFFFFF, v17  }
0x36e: {  	vm2 =	vlt.u32 v10, $0x1F0;
	v10 =	vshll.u32 v10, $0x7;
	v18 =	vshll.u32 v11, $0x7  }
0x36f: {  	vm3 =	vlt.u32 v11, $0x1F0;
	v11 =	vadd.s32 $0xFFFFFFFF, v13;
	v19 =	vor.u32 v9, v10  }
0x370: {  	vm0 =	vlt.u32 v12, $0x1F0;
	v22 =	vshll.u32 v21, $0x7;
	v18 =	vor.u32 v3, v18  }
0x371: {  	v15 =	vshll.u32 v16, $0x7;
	vm5 =	vlt.u32 v14, $0x1F0;
	v14 =	vshll.u32 v14, $0x7  }
0x372: {  	vm4 =	vlt.u32 v20, $0x1F0;
	v10 =	vshll.u32 v12, $0x7;
	v13 =	vshll.u32 v11, $0x7  }
0x373: {  	v12 =	vshll.u32 v20, $0x7;
	v14 =	vor.u32 v0, v14;
	v10 =	vor.u32 v4, v10  }
0x374: {  	vm1 =	vlt.u32 v11, $0x1F0;
	v11 =	vor.u32 v5, v13;
	v13 =	vor.u32 v6, v12;
	[tilespmem:v19+s29+$0x0] =	vst.idx.add.f32.msk vm2, v2  }
0x375: {  	s7 =	simm.s32 $0x0;
	s2 =	simm.s32 $0xC0;
	v12 =	vor.u32 v7, v22;
	[tilespmem:v18+s29+$0x0] =	vst.idx.add.f32.msk vm3, v2;
	vm3 =	vlt.u32 v21, $0x1F0;
	vm2 =	vlt.u32 v16, $0x1F0  }
.LBB2_60:
0x376: {  	v16 =	vld [tilespmem:s2+$0x30];
	s7 =	sadd.s32 $0x8, s7;
	v17 =	vor.u32 v8, v15  }
0x377: {  	v15 =	vld [tilespmem:s2+$0xFFFFFFD0];
	p0 =	slt.u32 s7, $0x38  }
0x378: {  	v18 =	vld [tilespmem:s2+$0xFFFFFFE0]  }
0x379: {  	v19 =	vld [tilespmem:s2+$0xFFFFFFF0]  }
0x37a: {  	v20 =	vld [tilespmem:s2+$0x0]  }
0x37b: {  	v21 =	vld [tilespmem:s2+$0x10];
	v16 =	vadd.s32 $0xFFFFFFFF, v16  }
0x37c: {  	v15 =	vadd.s32 $0xFFFFFFFF, v15;
	v22 =	vld [tilespmem:s2+$0x20];
	vm6 =	vlt.u32 v16, $0x1F0;
	v16 =	vshll.u32 v16, $0x7  }
0x37d: {  	v23 =	vld [tilespmem:s2+$0xFFFFFFC0];
	v24 =	vshll.u32 v15, $0x7;
	v18 =	vadd.s32 $0xFFFFFFFF, v18;
	v16 =	vor.u32 v9, v16  }
0x37e: {  	vm7 =	vlt.u32 v15, $0x1F0;
	v15 =	vshll.u32 v18, $0x7;
	v19 =	vadd.s32 $0xFFFFFFFF, v19;
	[tilespmem:v14+s29+$0x0] =	vst.idx.add.f32.msk vm5, v2  }
0x37f: {  	v24 =	vor.u32 v3, v24;
	v14 =	vshll.u32 v19, $0x7;
	v20 =	vadd.s32 $0xFFFFFFFF, v20;
	[tilespmem:v10+s29+$0x0] =	vst.idx.add.f32.msk vm0, v2  }
0x380: {  	vm0 =	vlt.u32 v18, $0x1F0;
	v18 =	vshll.u32 v20, $0x7;
	v21 =	vadd.s32 $0xFFFFFFFF, v21;
	[tilespmem:v11+s29+$0x0] =	vst.idx.add.f32.msk vm1, v2  }
.Ltmp29:
0x381: {  	v10 =	vor.u32 v4, v15;
	v25 =	vshll.u32 v21, $0x7;
	v22 =	vadd.s32 $0xFFFFFFFF, v22;
	[tilespmem:v13+s29+$0x0] =	vst.idx.add.f32.msk vm4, v2;
	(pc) =	sbr.rel @p0 .LBB2_60-.Ltmp29, $4  }
0x382: {  	vm1 =	vlt.u32 v19, $0x1F0;
	v11 =	vadd.s32 $0xFFFFFFFF, v23;
	v15 =	vshll.u32 v22, $0x7;
	[tilespmem:v16+s29+$0x0] =	vst.idx.add.f32.msk vm6, v2  }
0x383: {  	vm5 =	vlt.u32 v11, $0x1F0;
	v13 =	vshll.u32 v11, $0x7;
	v11 =	vor.u32 v5, v14;
	[tilespmem:v12+s29+$0x0] =	vst.idx.add.f32.msk vm3, v2  }
0x384: {  	vm4 =	vlt.u32 v20, $0x1F0;
	v14 =	vor.u32 v0, v13;
	[tilespmem:v24+s29+$0x0] =	vst.idx.add.f32.msk vm7, v2;
	v13 =	vor.u32 v6, v18  }
0x385: {  	s2 =	sadd.s32 $0x80, s2;
	vm3 =	vlt.u32 v21, $0x1F0;
	v12 =	vor.u32 v7, v25;
	[tilespmem:v17+s29+$0x0] =	vst.idx.add.f32.msk vm2, v2;
	vm2 =	vlt.u32 v22, $0x1F0  }
0x386: {  	_ =	sdelay $0x4  }
0x387: {  	v15 =	vor.u32 v8, v15;
	[tilespmem:v14+s29+$0x0] =	vst.idx.add.f32.msk vm5, v2  }
0x388: {  	[tilespmem:v10+s29+$0x0] =	vst.idx.add.f32.msk vm0, v2  }
0x389: {  	[tilespmem:v11+s29+$0x0] =	vst.idx.add.f32.msk vm1, v2  }
0x38a: {  	[tilespmem:v13+s29+$0x0] =	vst.idx.add.f32.msk vm4, v2  }
0x38b: {  	[tilespmem:v12+s29+$0x0] =	vst.idx.add.f32.msk vm3, v2  }
0x38c: {  	[tilespmem:v15+s29+$0x0] =	vst.idx.add.f32.msk vm2, v2  }
0x38d: {  	s5 =	simm.s32 $0x20000;
	s2 =	rddreg [dreg:$0xa]  }
0x38e: {  	[hbm4b:s2+s26] =	stream.strided.scatter [tilespmem:s29], [sflag:$0x3], $0xF800, s5, s26, $0x38;
	[tilespmem:$0x1FC00] =	vst v63  }
0x38f: {  	_ =	swait.ge [sflag:s19], $0xFB80  }
0x390: {  	s21 =	simm.s32 $0xA0;
	[sflag:s19] =	ssyncset.done $0x0  }
0x391: {  	s24 =	simm.s32 $0x40;
	s2 =	sand.u32 $0x1FFE0, s21;
	[sflag:s19] =	ssyncadd.s32 $0xFFFF0480  }
0x392: {  	s25 =	simm.s32 $0x0;
	s5 =	sand.u32 $0x1FFC0, s24;
	[tilespmem:s2+$0x10000] =	vst v1  }
0x393: {  	s11 =	sand.u32 $0xFFC0, s25;
	[tilespmem:s5+$0x10000] =	vst v1  }
0x394: {  	[tilespmem:s11+$0x10000] =	vst v1  }
0x395: {  	[tilespmem:s11+$0x10010] =	vst v1  }
0x396: {  	s31 =	simm.s32 $0x50;
	s7 =	simm.s32 $0x60;
	[tilespmem:s11+$0x10020] =	vst v1  }
0x397: {  	s10 =	simm.s32 $0x0;
	s15 =	simm.s32 $0x70;
	s7 =	sand.u32 $0x1FFE0, s7;
	[tilespmem:s11+$0x10030] =	vst v1  }
0x398: {  	s16 =	simm.s32 $0x90;
	s2 =	simm.s32 $0xB0;
	s5 =	sand.u32 $0x1FFD0, s31;
	[tilespmem:s7+$0x10000] =	vst v1  }
0x399: {  	s20 =	sand.u32 $0x1FFF0, s15;
	s16 =	sand.u32 $0x1FFD0, s16;
	[tilespmem:s5+$0x10000] =	vst v1;
	s15 =	sand.u32 $0x1FFF0, s2  }
.LBB2_62:
0x39a: {  	s7 =	simm.s32 $0xFB40;
	s25 =	simm.s32 $0x10040;
	[tilespmem:s20+$0x10000] =	vst v1;
	s2 =	sadd.s32 $0xC0, s2  }
0x39b: {  	s10 =	sadd.s32 $0xC, s10;
	s5 =	sadd.s32 $0xFFFFFF90, s2;
	s20 =	sadd.s32 $0xFFFFFFF0, s2;
	[tilespmem:s11+$0x10080] =	vst v1  }
0x39c: {  	s11 =	sadd.s32 $0xFFFFFFA0, s2;
	p0 =	slt.u32 s10, $0xFA8;
	s20 =	sand.u32 $0x1FFE0, s20;
	[tilespmem:s16+$0x10000] =	vst v1  }
0x39d: {  	s21 =	sadd.s32 $0xFFFFFFC0, s2;
	s24 =	sadd.s32 $0xFFFFFFE0, s2;
	s16 =	sadd.s32 $0xFFFFFFB0, s2;
	[tilespmem:s20+$0x10000] =	vst v1  }
0x39e: {  	s5 =	sand.u32 $0x1FFC0, s5;
	s31 =	sand.u32 $0x1FFD0, s11;
	s20 =	sadd.s32 $0xFFFFFF50, s2;
	[tilespmem:s15+$0x10000] =	vst v1  }
0x39f: {  	s11 =	sand.u32 $0xFFC0, s20;
	s20 =	sand.u32 $0x1FFF0, s21;
	[tilespmem:s5+$0x10000] =	vst v1;
	s5 =	sand.u32 $0x1FFE0, s16  }
0x3a0: {  	s15 =	sand.u32 $0x1FFF0, s2;
	s16 =	sand.u32 $0x1FFD0, s24;
	[tilespmem:s11+$0x10000] =	vst v1  }
.Ltmp30:
0x3a1: {  	[tilespmem:s11+$0x10010] =	vst v1;
	(pc) =	sbr.rel @p0 .LBB2_62-.Ltmp30, $4  }
0x3a2: {  	[tilespmem:s11+$0x10020] =	vst v1  }
0x3a3: {  	[tilespmem:s11+$0x10030] =	vst v1  }
0x3a4: {  	[tilespmem:s31+$0x10000] =	vst v1  }
0x3a5: {  	[tilespmem:s5+$0x10000] =	vst v1  }
0x3a6: {  	[tilespmem:s20+$0x10000] =	vst v1  }
0x3a7: {  	[tilespmem:s11+$0x10080] =	vst v1  }
0x3a8: {  	[tilespmem:s16+$0x10000] =	vst v1  }
0x3a9: {  	[tilespmem:s15+$0x10000] =	vst v1  }
.LBB2_64:
0x3aa: {  	p0 =	sne.s32 s7, $0xFB70  }
.Ltmp31:
0x3ab: {  	_ = 	snop;
	(pc) =	sbr.rel @p0 .LBB2_64-.Ltmp31, $4  }
0x3ac: {  	_ = 	snop  }
0x3ad: {  	s2 =	sand.u32 $0x3FFFFF80, s7  }
0x3ae: {  	s2 =	sadd.s32 s2, s25  }
0x3af: {  	s7 =	sadd.s32 $0x10, s7;
	s25 =	sadd.s32 $0x10, s25;
	[tilespmem:s2+$0x0] =	vst v1  }
0x3b0: {  	s25 =	simm.s32 $0x0;
	s2 =	rddreg [dreg:$0x9]  }
0x3b1: {  	[tilespmem:s25], [sflag:$0x1] =	stream.linear.gather [hbm4b:s2+s25], $0x400, $0x38;
	[tilespmem:$0x1FC00] =	vst v63  }
.LBB2_66:
0x3b2: {  	s7 =	sshll.u32 s25, $0x12  }
0x3b3: {  	s2 =	sor.u32 s13, s7  }
0x3b4: {  	s2 =	sshrl.u32 s2, $0x3  }
0x3b5: {  	s2 =	sadd.s32 s2, s1  }
0x3b6: {  	s2 =	sadd.s32 $0x4000, s2  }
0x3b7: {  	[tilespmem:s26], [sflag:$0x2] =	stream.linear.gather [hbm4b:s2+s3], $0x400, $0x38;
	[tilespmem:$0x1FC00] =	vst v63  }
0x3b8: {  	_ =	swait.ge [sflag:s28], $0x400  }
0x3b9: {  	[sflag:s28] =	ssyncset.done $0x0  }
0x3ba: {  	s31 =	simm.s32 $0x40;
	[sflag:s28] =	ssyncadd.s32 $0xFFFFFC00  }
0x3bb: {  	v10 =	vld [tilespmem:s31+$0x30]  }
0x3bc: {  	v11 =	vld [tilespmem:s31+$0xFFFFFFD0]  }
0x3bd: {  	v12 =	vld [tilespmem:s31+$0xFFFFFFE0]  }
0x3be: {  	v14 =	vld [tilespmem:s31+$0x0]  }
0x3bf: {  	v15 =	vld [tilespmem:s31+$0x10]  }
0x3c0: {  	v16 =	vld [tilespmem:s31+$0x20];
	_ =	sdelay $0x1  }
0x3c1: {  	v13 =	vld [tilespmem:s31+$0xFFFFFFF0]  }
0x3c2: {  	v10 =	vadd.s32 $0xFFFFFE0F, v10  }
0x3c3: {  	v11 =	vadd.s32 $0xFFFFFE0F, v11;
	v12 =	vadd.s32 $0xFFFFFE0F, v12;
	v20 =	vadd.s32 $0xFFFFFE0F, v14  }
0x3c4: {  	v17 =	vld [tilespmem:s31+$0xFFFFFFC0];
	v22 =	vadd.s32 $0xFFFFFE0F, v15;
	v16 =	vadd.s32 $0xFFFFFE0F, v16;
	vm2 =	vlt.u32 v10, $0x1F7  }
0x3c5: {  	v10 =	vshll.u32 v10, $0x7;
	v18 =	vshll.u32 v11, $0x7;
	vm3 =	vlt.u32 v11, $0x1F7  }
0x3c6: {  	v11 =	vadd.s32 $0xFFFFFE0F, v13;
	vm0 =	vlt.u32 v12, $0x1F7;
	v19 =	vor.u32 v9, v10  }
0x3c7: {  	v21 =	vshll.u32 v20, $0x7;
	v23 =	vshll.u32 v22, $0x7;
	v18 =	vor.u32 v3, v18  }
0x3c8: {  	v15 =	vshll.u32 v16, $0x7;
	v10 =	vshll.u32 v12, $0x7;
	v13 =	vshll.u32 v11, $0x7  }
0x3c9: {  	v12 =	vadd.s32 $0xFFFFFE0F, v17;
	vm1 =	vlt.u32 v11, $0x1F7;
	v10 =	vor.u32 v4, v10  }
0x3ca: {  	vm5 =	vlt.u32 v12, $0x1F7;
	v11 =	vshll.u32 v12, $0x7;
	v12 =	vor.u32 v5, v13  }
0x3cb: {  	vm4 =	vlt.u32 v20, $0x1F7;
	v13 =	vor.u32 v6, v21;
	v14 =	vor.u32 v0, v11;
	[tilespmem:v19+s0+$0x0] =	vst.idx.add.f32.msk vm2, v2  }
0x3cc: {  	s10 =	simm.s32 $0x0;
	s2 =	simm.s32 $0xC0;
	v11 =	vor.u32 v7, v23;
	[tilespmem:v18+s0+$0x0] =	vst.idx.add.f32.msk vm3, v2;
	vm3 =	vlt.u32 v22, $0x1F7;
	vm2 =	vlt.u32 v16, $0x1F7  }
.LBB2_67:
0x3cd: {  	v16 =	vld [tilespmem:s2+$0x30];
	s10 =	sadd.s32 $0x8, s10;
	v17 =	vor.u32 v8, v15  }
0x3ce: {  	v15 =	vld [tilespmem:s2+$0xFFFFFFD0];
	p0 =	slt.u32 s10, $0x38  }
0x3cf: {  	v18 =	vld [tilespmem:s2+$0xFFFFFFE0]  }
0x3d0: {  	v19 =	vld [tilespmem:s2+$0xFFFFFFF0]  }
0x3d1: {  	v20 =	vld [tilespmem:s2+$0x0]  }
0x3d2: {  	v21 =	vld [tilespmem:s2+$0x10];
	v16 =	vadd.s32 $0xFFFFFE0F, v16  }
0x3d3: {  	v15 =	vadd.s32 $0xFFFFFE0F, v15;
	v22 =	vld [tilespmem:s2+$0x20];
	vm6 =	vlt.u32 v16, $0x1F7;
	v16 =	vshll.u32 v16, $0x7  }
0x3d4: {  	v23 =	vld [tilespmem:s2+$0xFFFFFFC0];
	v24 =	vshll.u32 v15, $0x7;
	v18 =	vadd.s32 $0xFFFFFE0F, v18;
	v16 =	vor.u32 v9, v16  }
0x3d5: {  	vm7 =	vlt.u32 v15, $0x1F7;
	v15 =	vshll.u32 v18, $0x7;
	v19 =	vadd.s32 $0xFFFFFE0F, v19;
	[tilespmem:v14+s0+$0x0] =	vst.idx.add.f32.msk vm5, v2  }
0x3d6: {  	v24 =	vor.u32 v3, v24;
	v14 =	vshll.u32 v19, $0x7;
	v20 =	vadd.s32 $0xFFFFFE0F, v20;
	[tilespmem:v10+s0+$0x0] =	vst.idx.add.f32.msk vm0, v2  }
0x3d7: {  	vm0 =	vlt.u32 v18, $0x1F7;
	v18 =	vshll.u32 v20, $0x7;
	v21 =	vadd.s32 $0xFFFFFE0F, v21;
	[tilespmem:v12+s0+$0x0] =	vst.idx.add.f32.msk vm1, v2  }
.Ltmp32:
0x3d8: {  	v10 =	vor.u32 v4, v15;
	v25 =	vshll.u32 v21, $0x7;
	v22 =	vadd.s32 $0xFFFFFE0F, v22;
	[tilespmem:v13+s0+$0x0] =	vst.idx.add.f32.msk vm4, v2;
	(pc) =	sbr.rel @p0 .LBB2_67-.Ltmp32, $4  }
0x3d9: {  	vm1 =	vlt.u32 v19, $0x1F7;
	v12 =	vadd.s32 $0xFFFFFE0F, v23;
	v15 =	vshll.u32 v22, $0x7;
	[tilespmem:v16+s0+$0x0] =	vst.idx.add.f32.msk vm6, v2  }
0x3da: {  	vm5 =	vlt.u32 v12, $0x1F7;
	v13 =	vshll.u32 v12, $0x7;
	v12 =	vor.u32 v5, v14;
	[tilespmem:v11+s0+$0x0] =	vst.idx.add.f32.msk vm3, v2  }
0x3db: {  	vm4 =	vlt.u32 v20, $0x1F7;
	v14 =	vor.u32 v0, v13;
	[tilespmem:v24+s0+$0x0] =	vst.idx.add.f32.msk vm7, v2;
	v13 =	vor.u32 v6, v18  }
0x3dc: {  	s2 =	sadd.s32 $0x80, s2;
	vm3 =	vlt.u32 v21, $0x1F7;
	v11 =	vor.u32 v7, v25;
	[tilespmem:v17+s0+$0x0] =	vst.idx.add.f32.msk vm2, v2;
	vm2 =	vlt.u32 v22, $0x1F7  }
0x3dd: {  	_ =	sdelay $0x4  }
0x3de: {  	v15 =	vor.u32 v8, v15;
	[tilespmem:v14+s0+$0x0] =	vst.idx.add.f32.msk vm5, v2  }
0x3df: {  	[tilespmem:v10+s0+$0x0] =	vst.idx.add.f32.msk vm0, v2  }
0x3e0: {  	[tilespmem:v12+s0+$0x0] =	vst.idx.add.f32.msk vm1, v2  }
0x3e1: {  	[tilespmem:v13+s0+$0x0] =	vst.idx.add.f32.msk vm4, v2;
	s2 =	sadd.s32 s17, s7  }
0x3e2: {  	[tilespmem:v11+s0+$0x0] =	vst.idx.add.f32.msk vm3, v2;
	s2 =	sshrl.u32 s2, $0x3  }
0x3e3: {  	s2 =	sadd.s32 s1, s2;
	[tilespmem:v15+s0+$0x0] =	vst.idx.add.f32.msk vm2, v2  }
0x3e4: {  	[tilespmem:s3], [sflag:$0x1] =	stream.linear.gather [hbm4b:s2+s3], $0x400, $0x38;
	[tilespmem:$0x1FC00] =	vst v63  }
0x3e5: {  	_ =	swait.ge [sflag:s30], $0x400  }
0x3e6: {  	[sflag:s30] =	ssyncset.done $0x0  }
0x3e7: {  	s31 =	simm.s32 $0x440;
	[sflag:s30] =	ssyncadd.s32 $0xFFFFFC00  }
0x3e8: {  	v10 =	vld [tilespmem:s31+$0x30]  }
0x3e9: {  	v11 =	vld [tilespmem:s31+$0xFFFFFFD0]  }
0x3ea: {  	v12 =	vld [tilespmem:s31+$0xFFFFFFE0]  }
0x3eb: {  	v14 =	vld [tilespmem:s31+$0x0]  }
0x3ec: {  	v15 =	vld [tilespmem:s31+$0x10]  }
0x3ed: {  	v16 =	vld [tilespmem:s31+$0x20];
	_ =	sdelay $0x1  }
0x3ee: {  	v13 =	vld [tilespmem:s31+$0xFFFFFFF0]  }
0x3ef: {  	v10 =	vadd.s32 $0xFFFFFE0F, v10  }
0x3f0: {  	v11 =	vadd.s32 $0xFFFFFE0F, v11;
	v12 =	vadd.s32 $0xFFFFFE0F, v12;
	v20 =	vadd.s32 $0xFFFFFE0F, v14  }
0x3f1: {  	v17 =	vld [tilespmem:s31+$0xFFFFFFC0];
	v22 =	vadd.s32 $0xFFFFFE0F, v15;
	v16 =	vadd.s32 $0xFFFFFE0F, v16;
	vm2 =	vlt.u32 v10, $0x1F7  }
0x3f2: {  	v10 =	vshll.u32 v10, $0x7;
	v18 =	vshll.u32 v11, $0x7;
	vm3 =	vlt.u32 v11, $0x1F7  }
0x3f3: {  	v11 =	vadd.s32 $0xFFFFFE0F, v13;
	vm0 =	vlt.u32 v12, $0x1F7;
	v19 =	vor.u32 v9, v10  }
0x3f4: {  	v21 =	vshll.u32 v20, $0x7;
	v23 =	vshll.u32 v22, $0x7;
	v18 =	vor.u32 v3, v18  }
0x3f5: {  	v15 =	vshll.u32 v16, $0x7;
	v10 =	vshll.u32 v12, $0x7;
	v13 =	vshll.u32 v11, $0x7  }
0x3f6: {  	v12 =	vadd.s32 $0xFFFFFE0F, v17;
	vm1 =	vlt.u32 v11, $0x1F7;
	v10 =	vor.u32 v4, v10  }
0x3f7: {  	vm5 =	vlt.u32 v12, $0x1F7;
	v11 =	vshll.u32 v12, $0x7;
	v12 =	vor.u32 v5, v13  }
0x3f8: {  	vm4 =	vlt.u32 v20, $0x1F7;
	v13 =	vor.u32 v6, v21;
	v14 =	vor.u32 v0, v11;
	[tilespmem:v19+s0+$0x0] =	vst.idx.add.f32.msk vm2, v2  }
0x3f9: {  	s7 =	simm.s32 $0x0;
	s2 =	simm.s32 $0x4C0;
	v11 =	vor.u32 v7, v23;
	[tilespmem:v18+s0+$0x0] =	vst.idx.add.f32.msk vm3, v2;
	vm3 =	vlt.u32 v22, $0x1F7;
	vm2 =	vlt.u32 v16, $0x1F7  }
.LBB2_69:
0x3fa: {  	v16 =	vld [tilespmem:s2+$0x30];
	s7 =	sadd.s32 $0x8, s7;
	v17 =	vor.u32 v8, v15  }
0x3fb: {  	v15 =	vld [tilespmem:s2+$0xFFFFFFD0];
	p0 =	slt.u32 s7, $0x38  }
0x3fc: {  	v18 =	vld [tilespmem:s2+$0xFFFFFFE0]  }
0x3fd: {  	v19 =	vld [tilespmem:s2+$0xFFFFFFF0]  }
0x3fe: {  	v20 =	vld [tilespmem:s2+$0x0]  }
0x3ff: {  	v21 =	vld [tilespmem:s2+$0x10];
	v16 =	vadd.s32 $0xFFFFFE0F, v16  }
0x400: {  	v15 =	vadd.s32 $0xFFFFFE0F, v15;
	v22 =	vld [tilespmem:s2+$0x20];
	vm6 =	vlt.u32 v16, $0x1F7;
	v16 =	vshll.u32 v16, $0x7  }
0x401: {  	v23 =	vld [tilespmem:s2+$0xFFFFFFC0];
	v24 =	vshll.u32 v15, $0x7;
	v18 =	vadd.s32 $0xFFFFFE0F, v18;
	v16 =	vor.u32 v9, v16  }
0x402: {  	vm7 =	vlt.u32 v15, $0x1F7;
	v15 =	vshll.u32 v18, $0x7;
	v19 =	vadd.s32 $0xFFFFFE0F, v19;
	[tilespmem:v14+s0+$0x0] =	vst.idx.add.f32.msk vm5, v2  }
0x403: {  	v24 =	vor.u32 v3, v24;
	v14 =	vshll.u32 v19, $0x7;
	v20 =	vadd.s32 $0xFFFFFE0F, v20;
	[tilespmem:v10+s0+$0x0] =	vst.idx.add.f32.msk vm0, v2  }
0x404: {  	vm0 =	vlt.u32 v18, $0x1F7;
	v18 =	vshll.u32 v20, $0x7;
	v21 =	vadd.s32 $0xFFFFFE0F, v21;
	[tilespmem:v12+s0+$0x0] =	vst.idx.add.f32.msk vm1, v2  }
.Ltmp33:
0x405: {  	v10 =	vor.u32 v4, v15;
	v25 =	vshll.u32 v21, $0x7;
	v22 =	vadd.s32 $0xFFFFFE0F, v22;
	[tilespmem:v13+s0+$0x0] =	vst.idx.add.f32.msk vm4, v2;
	(pc) =	sbr.rel @p0 .LBB2_69-.Ltmp33, $4  }
0x406: {  	vm1 =	vlt.u32 v19, $0x1F7;
	v12 =	vadd.s32 $0xFFFFFE0F, v23;
	v15 =	vshll.u32 v22, $0x7;
	[tilespmem:v16+s0+$0x0] =	vst.idx.add.f32.msk vm6, v2  }
0x407: {  	vm5 =	vlt.u32 v12, $0x1F7;
	v13 =	vshll.u32 v12, $0x7;
	v12 =	vor.u32 v5, v14;
	[tilespmem:v11+s0+$0x0] =	vst.idx.add.f32.msk vm3, v2  }
0x408: {  	vm4 =	vlt.u32 v20, $0x1F7;
	v14 =	vor.u32 v0, v13;
	[tilespmem:v24+s0+$0x0] =	vst.idx.add.f32.msk vm7, v2;
	v13 =	vor.u32 v6, v18  }
0x409: {  	s2 =	sadd.s32 $0x80, s2;
	vm3 =	vlt.u32 v21, $0x1F7;
	v11 =	vor.u32 v7, v25;
	[tilespmem:v17+s0+$0x0] =	vst.idx.add.f32.msk vm2, v2;
	vm2 =	vlt.u32 v22, $0x1F7  }
0x40a: {  	_ =	sdelay $0x3  }
0x40b: {  	s25 =	sadd.s32 $0x1, s25  }
0x40c: {  	v15 =	vor.u32 v8, v15;
	[tilespmem:v14+s0+$0x0] =	vst.idx.add.f32.msk vm5, v2;
	p0 =	sne.s32 s25, $0xC  }
.Ltmp34:
0x40d: {  	[tilespmem:v10+s0+$0x0] =	vst.idx.add.f32.msk vm0, v2;
	(pc) =	sbr.rel @p0 .LBB2_66-.Ltmp34, $4  }
0x40e: {  	[tilespmem:v12+s0+$0x0] =	vst.idx.add.f32.msk vm1, v2  }
0x40f: {  	[tilespmem:v13+s0+$0x0] =	vst.idx.add.f32.msk vm4, v2  }
0x410: {  	[tilespmem:v11+s0+$0x0] =	vst.idx.add.f32.msk vm3, v2  }
0x411: {  	[tilespmem:v15+s0+$0x0] =	vst.idx.add.f32.msk vm2, v2  }
0x412: {  	_ =	swait.ge [sflag:s28], $0x400  }
0x413: {  	[sflag:s28] =	ssyncset.done $0x0  }
0x414: {  	s2 =	simm.s32 $0x40;
	[sflag:s28] =	ssyncadd.s32 $0xFFFFFC00  }
0x415: {  	v10 =	vld [tilespmem:s2+$0x30]  }
0x416: {  	v11 =	vld [tilespmem:s2+$0xFFFFFFD0]  }
0x417: {  	v12 =	vld [tilespmem:s2+$0xFFFFFFE0]  }
0x418: {  	v14 =	vld [tilespmem:s2+$0x0]  }
0x419: {  	v15 =	vld [tilespmem:s2+$0x10]  }
0x41a: {  	v16 =	vld [tilespmem:s2+$0x20]  }
0x41b: {  	v17 =	vld [tilespmem:s2+$0xFFFFFFC0];
	_ =	sdelay $0x1  }
0x41c: {  	v13 =	vld [tilespmem:s2+$0xFFFFFFF0]  }
0x41d: {  	v10 =	vadd.s32 $0xFFFFFE0F, v10  }
0x41e: {  	v11 =	vadd.s32 $0xFFFFFE0F, v11;
	v12 =	vadd.s32 $0xFFFFFE0F, v12;
	v20 =	vadd.s32 $0xFFFFFE0F, v14  }
0x41f: {  	v21 =	vadd.s32 $0xFFFFFE0F, v15;
	v16 =	vadd.s32 $0xFFFFFE0F, v16;
	v14 =	vadd.s32 $0xFFFFFE0F, v17  }
0x420: {  	vm2 =	vlt.u32 v10, $0x1F7;
	v10 =	vshll.u32 v10, $0x7;
	v18 =	vshll.u32 v11, $0x7  }
0x421: {  	vm3 =	vlt.u32 v11, $0x1F7;
	v11 =	vadd.s32 $0xFFFFFE0F, v13;
	v19 =	vor.u32 v9, v10  }
0x422: {  	vm0 =	vlt.u32 v12, $0x1F7;
	v22 =	vshll.u32 v21, $0x7;
	v18 =	vor.u32 v3, v18  }
0x423: {  	v15 =	vshll.u32 v16, $0x7;
	vm5 =	vlt.u32 v14, $0x1F7;
	v14 =	vshll.u32 v14, $0x7  }
0x424: {  	vm4 =	vlt.u32 v20, $0x1F7;
	v10 =	vshll.u32 v12, $0x7;
	v13 =	vshll.u32 v11, $0x7  }
0x425: {  	v12 =	vshll.u32 v20, $0x7;
	v14 =	vor.u32 v0, v14;
	v10 =	vor.u32 v4, v10  }
0x426: {  	vm1 =	vlt.u32 v11, $0x1F7;
	v11 =	vor.u32 v5, v13;
	v13 =	vor.u32 v6, v12;
	[tilespmem:v19+s0+$0x0] =	vst.idx.add.f32.msk vm2, v2  }
0x427: {  	s7 =	simm.s32 $0x0;
	s2 =	simm.s32 $0xC0;
	v12 =	vor.u32 v7, v22;
	[tilespmem:v18+s0+$0x0] =	vst.idx.add.f32.msk vm3, v2;
	vm3 =	vlt.u32 v21, $0x1F7;
	vm2 =	vlt.u32 v16, $0x1F7  }
.LBB2_72:
0x428: {  	v16 =	vld [tilespmem:s2+$0x30];
	s7 =	sadd.s32 $0x8, s7;
	v17 =	vor.u32 v8, v15  }
0x429: {  	v15 =	vld [tilespmem:s2+$0xFFFFFFD0];
	p0 =	slt.u32 s7, $0x38  }
0x42a: {  	v18 =	vld [tilespmem:s2+$0xFFFFFFE0]  }
0x42b: {  	v19 =	vld [tilespmem:s2+$0xFFFFFFF0]  }
0x42c: {  	v20 =	vld [tilespmem:s2+$0x0]  }
0x42d: {  	v21 =	vld [tilespmem:s2+$0x10];
	v16 =	vadd.s32 $0xFFFFFE0F, v16  }
0x42e: {  	v15 =	vadd.s32 $0xFFFFFE0F, v15;
	v22 =	vld [tilespmem:s2+$0x20];
	vm6 =	vlt.u32 v16, $0x1F7;
	v16 =	vshll.u32 v16, $0x7  }
0x42f: {  	v23 =	vld [tilespmem:s2+$0xFFFFFFC0];
	v24 =	vshll.u32 v15, $0x7;
	v18 =	vadd.s32 $0xFFFFFE0F, v18;
	v16 =	vor.u32 v9, v16  }
0x430: {  	vm7 =	vlt.u32 v15, $0x1F7;
	v15 =	vshll.u32 v18, $0x7;
	v19 =	vadd.s32 $0xFFFFFE0F, v19;
	[tilespmem:v14+s0+$0x0] =	vst.idx.add.f32.msk vm5, v2  }
0x431: {  	v24 =	vor.u32 v3, v24;
	v14 =	vshll.u32 v19, $0x7;
	v20 =	vadd.s32 $0xFFFFFE0F, v20;
	[tilespmem:v10+s0+$0x0] =	vst.idx.add.f32.msk vm0, v2  }
0x432: {  	vm0 =	vlt.u32 v18, $0x1F7;
	v18 =	vshll.u32 v20, $0x7;
	v21 =	vadd.s32 $0xFFFFFE0F, v21;
	[tilespmem:v11+s0+$0x0] =	vst.idx.add.f32.msk vm1, v2  }
.Ltmp35:
0x433: {  	v10 =	vor.u32 v4, v15;
	v25 =	vshll.u32 v21, $0x7;
	v22 =	vadd.s32 $0xFFFFFE0F, v22;
	[tilespmem:v13+s0+$0x0] =	vst.idx.add.f32.msk vm4, v2;
	(pc) =	sbr.rel @p0 .LBB2_72-.Ltmp35, $4  }
0x434: {  	vm1 =	vlt.u32 v19, $0x1F7;
	v11 =	vadd.s32 $0xFFFFFE0F, v23;
	v15 =	vshll.u32 v22, $0x7;
	[tilespmem:v16+s0+$0x0] =	vst.idx.add.f32.msk vm6, v2  }
0x435: {  	vm5 =	vlt.u32 v11, $0x1F7;
	v13 =	vshll.u32 v11, $0x7;
	v11 =	vor.u32 v5, v14;
	[tilespmem:v12+s0+$0x0] =	vst.idx.add.f32.msk vm3, v2  }
0x436: {  	vm4 =	vlt.u32 v20, $0x1F7;
	v14 =	vor.u32 v0, v13;
	[tilespmem:v24+s0+$0x0] =	vst.idx.add.f32.msk vm7, v2;
	v13 =	vor.u32 v6, v18  }
0x437: {  	s2 =	sadd.s32 $0x80, s2;
	vm3 =	vlt.u32 v21, $0x1F7;
	v12 =	vor.u32 v7, v25;
	[tilespmem:v17+s0+$0x0] =	vst.idx.add.f32.msk vm2, v2;
	vm2 =	vlt.u32 v22, $0x1F7  }
0x438: {  	_ =	sdelay $0x4  }
0x439: {  	v15 =	vor.u32 v8, v15;
	[tilespmem:v14+s0+$0x0] =	vst.idx.add.f32.msk vm5, v2  }
0x43a: {  	[tilespmem:v10+s0+$0x0] =	vst.idx.add.f32.msk vm0, v2  }
0x43b: {  	[tilespmem:v11+s0+$0x0] =	vst.idx.add.f32.msk vm1, v2  }
0x43c: {  	[tilespmem:v13+s0+$0x0] =	vst.idx.add.f32.msk vm4, v2  }
0x43d: {  	[tilespmem:v12+s0+$0x0] =	vst.idx.add.f32.msk vm3, v2  }
0x43e: {  	[tilespmem:v15+s0+$0x0] =	vst.idx.add.f32.msk vm2, v2  }
0x43f: {  	s5 =	simm.s32 $0x20000;
	s2 =	rddreg [dreg:$0xb]  }
0x440: {  	[hbm4b:s2+s26] =	stream.strided.scatter [tilespmem:s0], [sflag:$0x4], $0xF800, s5, s26, $0x38;
	[tilespmem:$0x1FC00] =	vst v63  }
0x441: {  	s20 =	simm.s32 $0x1F800;
	s2 =	sadd.s32 $0xF8000, s2  }
0x442: {  	[hbm4b:s2+s3] =	stream.linear.scatter [tilespmem:s20], [sflag:$0x4], $0x380, $0x38;
	[tilespmem:$0x1FC00] =	vst v63  }
0x443: {  	_ =	swait.ge [sflag:s14], $0xF800  }
0x444: {  	s21 =	simm.s32 $0xA0;
	[sflag:s14] =	ssyncset.done $0x0  }
0x445: {  	s24 =	simm.s32 $0x40;
	s2 =	sand.u32 $0x1FFE0, s21;
	[sflag:s14] =	ssyncadd.s32 $0xFFFF0800  }
0x446: {  	s25 =	simm.s32 $0x0;
	s5 =	sand.u32 $0x1FFC0, s24;
	[tilespmem:s2+$0x800] =	vst v1  }
0x447: {  	s11 =	sand.u32 $0xFFC0, s25;
	[tilespmem:s5+$0x800] =	vst v1  }
0x448: {  	[tilespmem:s11+$0x800] =	vst v1  }
0x449: {  	[tilespmem:s11+$0x810] =	vst v1  }
0x44a: {  	s31 =	simm.s32 $0x50;
	s7 =	simm.s32 $0x60;
	[tilespmem:s11+$0x820] =	vst v1  }
0x44b: {  	s10 =	simm.s32 $0x0;
	s15 =	simm.s32 $0x70;
	s7 =	sand.u32 $0x1FFE0, s7;
	[tilespmem:s11+$0x830] =	vst v1  }
0x44c: {  	s16 =	simm.s32 $0x90;
	s2 =	simm.s32 $0xB0;
	s5 =	sand.u32 $0x1FFD0, s31;
	[tilespmem:s7+$0x800] =	vst v1  }
0x44d: {  	s16 =	sand.u32 $0x1FFD0, s16;
	s20 =	sand.u32 $0x1FFF0, s15;
	[tilespmem:s5+$0x800] =	vst v1;
	s15 =	sand.u32 $0x1FFF0, s2  }
.LBB2_74:
0x44e: {  	s7 =	simm.s32 $0xF780;
	s25 =	simm.s32 $0x800;
	[tilespmem:s20+$0x800] =	vst v1;
	s2 =	sadd.s32 $0xC0, s2  }
0x44f: {  	s10 =	sadd.s32 $0xC, s10;
	s5 =	sadd.s32 $0xFFFFFF90, s2;
	s20 =	sadd.s32 $0xFFFFFFF0, s2;
	[tilespmem:s11+$0x880] =	vst v1  }
0x450: {  	s11 =	sadd.s32 $0xFFFFFFA0, s2;
	p0 =	slt.u32 s10, $0xF6C;
	s20 =	sand.u32 $0x1FFE0, s20;
	[tilespmem:s16+$0x800] =	vst v1  }
0x451: {  	s21 =	sadd.s32 $0xFFFFFFC0, s2;
	s24 =	sadd.s32 $0xFFFFFFE0, s2;
	s16 =	sadd.s32 $0xFFFFFFB0, s2;
	[tilespmem:s20+$0x800] =	vst v1  }
0x452: {  	s5 =	sand.u32 $0x1FFC0, s5;
	s31 =	sand.u32 $0x1FFD0, s11;
	s20 =	sadd.s32 $0xFFFFFF50, s2;
	[tilespmem:s15+$0x800] =	vst v1  }
0x453: {  	s11 =	sand.u32 $0xFFC0, s20;
	s20 =	sand.u32 $0x1FFF0, s21;
	[tilespmem:s5+$0x800] =	vst v1;
	s5 =	sand.u32 $0x1FFE0, s16  }
0x454: {  	s15 =	sand.u32 $0x1FFF0, s2;
	s16 =	sand.u32 $0x1FFD0, s24;
	[tilespmem:s11+$0x800] =	vst v1  }
.Ltmp36:
0x455: {  	[tilespmem:s11+$0x810] =	vst v1;
	(pc) =	sbr.rel @p0 .LBB2_74-.Ltmp36, $4  }
0x456: {  	[tilespmem:s11+$0x820] =	vst v1  }
0x457: {  	[tilespmem:s11+$0x830] =	vst v1  }
0x458: {  	[tilespmem:s31+$0x800] =	vst v1  }
0x459: {  	[tilespmem:s5+$0x800] =	vst v1  }
0x45a: {  	[tilespmem:s20+$0x800] =	vst v1  }
0x45b: {  	[tilespmem:s11+$0x880] =	vst v1  }
0x45c: {  	[tilespmem:s16+$0x800] =	vst v1  }
0x45d: {  	[tilespmem:s15+$0x800] =	vst v1  }
.LBB2_76:
0x45e: {  	p0 =	sne.s32 s7, $0xF7F0  }
.Ltmp37:
0x45f: {  	_ = 	snop;
	(pc) =	sbr.rel @p0 .LBB2_76-.Ltmp37, $4  }
0x460: {  	_ = 	snop  }
0x461: {  	s2 =	sand.u32 $0x3FFFFF80, s7  }
0x462: {  	s2 =	sadd.s32 s2, s25  }
0x463: {  	s7 =	sadd.s32 $0x10, s7;
	s25 =	sadd.s32 $0x10, s25;
	[tilespmem:s2+$0x0] =	vst v1  }
0x464: {  	s25 =	simm.s32 $0x0;
	s2 =	rddreg [dreg:$0xc]  }
0x465: {  	[tilespmem:s25], [sflag:$0x1] =	stream.linear.gather [hbm4b:s2+s25], $0x400, $0x38;
	[tilespmem:$0x1FC00] =	vst v63  }
.LBB2_78:
0x466: {  	s7 =	sshll.u32 s25, $0x12  }
0x467: {  	s2 =	sor.u32 s18, s7  }
0x468: {  	s2 =	sshrl.u32 s2, $0x3  }
0x469: {  	s2 =	sadd.s32 s2, s1  }
0x46a: {  	s2 =	sadd.s32 $0x4000, s2  }
0x46b: {  	[tilespmem:s26], [sflag:$0x2] =	stream.linear.gather [hbm4b:s2+s3], $0x400, $0x38;
	[tilespmem:$0x1FC00] =	vst v63  }
0x46c: {  	_ =	swait.ge [sflag:s28], $0x400  }
0x46d: {  	[sflag:s28] =	ssyncset.done $0x0  }
0x46e: {  	s31 =	simm.s32 $0x40;
	[sflag:s28] =	ssyncadd.s32 $0xFFFFFC00  }
0x46f: {  	v10 =	vld [tilespmem:s31+$0x30]  }
0x470: {  	v11 =	vld [tilespmem:s31+$0xFFFFFFD0]  }
0x471: {  	v12 =	vld [tilespmem:s31+$0xFFFFFFE0]  }
0x472: {  	v14 =	vld [tilespmem:s31+$0x0]  }
0x473: {  	v15 =	vld [tilespmem:s31+$0x10]  }
0x474: {  	v16 =	vld [tilespmem:s31+$0x20];
	_ =	sdelay $0x1  }
0x475: {  	v13 =	vld [tilespmem:s31+$0xFFFFFFF0]  }
0x476: {  	v10 =	vadd.s32 $0xFFFFFFFF, v10  }
0x477: {  	v11 =	vadd.s32 $0xFFFFFFFF, v11;
	v12 =	vadd.s32 $0xFFFFFFFF, v12;
	v20 =	vadd.s32 $0xFFFFFFFF, v14  }
0x478: {  	v17 =	vld [tilespmem:s31+$0xFFFFFFC0];
	v22 =	vadd.s32 $0xFFFFFFFF, v15;
	v16 =	vadd.s32 $0xFFFFFFFF, v16;
	vm2 =	vlt.u32 v10, $0x1F0  }
0x479: {  	v10 =	vshll.u32 v10, $0x7;
	v18 =	vshll.u32 v11, $0x7;
	vm3 =	vlt.u32 v11, $0x1F0  }
0x47a: {  	v11 =	vadd.s32 $0xFFFFFFFF, v13;
	vm0 =	vlt.u32 v12, $0x1F0;
	v19 =	vor.u32 v9, v10  }
0x47b: {  	v21 =	vshll.u32 v20, $0x7;
	v23 =	vshll.u32 v22, $0x7;
	v18 =	vor.u32 v3, v18  }
0x47c: {  	v15 =	vshll.u32 v16, $0x7;
	v10 =	vshll.u32 v12, $0x7;
	v13 =	vshll.u32 v11, $0x7  }
0x47d: {  	v12 =	vadd.s32 $0xFFFFFFFF, v17;
	vm1 =	vlt.u32 v11, $0x1F0;
	v10 =	vor.u32 v4, v10  }
0x47e: {  	vm5 =	vlt.u32 v12, $0x1F0;
	v11 =	vshll.u32 v12, $0x7;
	v12 =	vor.u32 v5, v13  }
0x47f: {  	vm4 =	vlt.u32 v20, $0x1F0;
	v13 =	vor.u32 v6, v21;
	v14 =	vor.u32 v0, v11;
	[tilespmem:v19+s29+$0x0] =	vst.idx.add.f32.msk vm2, v2  }
0x480: {  	s10 =	simm.s32 $0x0;
	s2 =	simm.s32 $0xC0;
	v11 =	vor.u32 v7, v23;
	[tilespmem:v18+s29+$0x0] =	vst.idx.add.f32.msk vm3, v2;
	vm3 =	vlt.u32 v22, $0x1F0;
	vm2 =	vlt.u32 v16, $0x1F0  }
.LBB2_79:
0x481: {  	v16 =	vld [tilespmem:s2+$0x30];
	s10 =	sadd.s32 $0x8, s10;
	v17 =	vor.u32 v8, v15  }
0x482: {  	v15 =	vld [tilespmem:s2+$0xFFFFFFD0];
	p0 =	slt.u32 s10, $0x38  }
0x483: {  	v18 =	vld [tilespmem:s2+$0xFFFFFFE0]  }
0x484: {  	v19 =	vld [tilespmem:s2+$0xFFFFFFF0]  }
0x485: {  	v20 =	vld [tilespmem:s2+$0x0]  }
0x486: {  	v21 =	vld [tilespmem:s2+$0x10];
	v16 =	vadd.s32 $0xFFFFFFFF, v16  }
0x487: {  	v15 =	vadd.s32 $0xFFFFFFFF, v15;
	v22 =	vld [tilespmem:s2+$0x20];
	vm6 =	vlt.u32 v16, $0x1F0;
	v16 =	vshll.u32 v16, $0x7  }
0x488: {  	v23 =	vld [tilespmem:s2+$0xFFFFFFC0];
	v24 =	vshll.u32 v15, $0x7;
	v18 =	vadd.s32 $0xFFFFFFFF, v18;
	v16 =	vor.u32 v9, v16  }
0x489: {  	vm7 =	vlt.u32 v15, $0x1F0;
	v15 =	vshll.u32 v18, $0x7;
	v19 =	vadd.s32 $0xFFFFFFFF, v19;
	[tilespmem:v14+s29+$0x0] =	vst.idx.add.f32.msk vm5, v2  }
0x48a: {  	v24 =	vor.u32 v3, v24;
	v14 =	vshll.u32 v19, $0x7;
	v20 =	vadd.s32 $0xFFFFFFFF, v20;
	[tilespmem:v10+s29+$0x0] =	vst.idx.add.f32.msk vm0, v2  }
0x48b: {  	vm0 =	vlt.u32 v18, $0x1F0;
	v18 =	vshll.u32 v20, $0x7;
	v21 =	vadd.s32 $0xFFFFFFFF, v21;
	[tilespmem:v12+s29+$0x0] =	vst.idx.add.f32.msk vm1, v2  }
.Ltmp38:
0x48c: {  	v10 =	vor.u32 v4, v15;
	v25 =	vshll.u32 v21, $0x7;
	v22 =	vadd.s32 $0xFFFFFFFF, v22;
	[tilespmem:v13+s29+$0x0] =	vst.idx.add.f32.msk vm4, v2;
	(pc) =	sbr.rel @p0 .LBB2_79-.Ltmp38, $4  }
0x48d: {  	vm1 =	vlt.u32 v19, $0x1F0;
	v12 =	vadd.s32 $0xFFFFFFFF, v23;
	v15 =	vshll.u32 v22, $0x7;
	[tilespmem:v16+s29+$0x0] =	vst.idx.add.f32.msk vm6, v2  }
0x48e: {  	vm5 =	vlt.u32 v12, $0x1F0;
	v13 =	vshll.u32 v12, $0x7;
	v12 =	vor.u32 v5, v14;
	[tilespmem:v11+s29+$0x0] =	vst.idx.add.f32.msk vm3, v2  }
0x48f: {  	vm4 =	vlt.u32 v20, $0x1F0;
	v14 =	vor.u32 v0, v13;
	[tilespmem:v24+s29+$0x0] =	vst.idx.add.f32.msk vm7, v2;
	v13 =	vor.u32 v6, v18  }
0x490: {  	s2 =	sadd.s32 $0x80, s2;
	vm3 =	vlt.u32 v21, $0x1F0;
	v11 =	vor.u32 v7, v25;
	[tilespmem:v17+s29+$0x0] =	vst.idx.add.f32.msk vm2, v2;
	vm2 =	vlt.u32 v22, $0x1F0  }
0x491: {  	_ =	sdelay $0x4  }
0x492: {  	v15 =	vor.u32 v8, v15;
	[tilespmem:v14+s29+$0x0] =	vst.idx.add.f32.msk vm5, v2  }
0x493: {  	[tilespmem:v10+s29+$0x0] =	vst.idx.add.f32.msk vm0, v2  }
0x494: {  	[tilespmem:v12+s29+$0x0] =	vst.idx.add.f32.msk vm1, v2  }
0x495: {  	[tilespmem:v13+s29+$0x0] =	vst.idx.add.f32.msk vm4, v2;
	s2 =	sadd.s32 s22, s7  }
0x496: {  	[tilespmem:v11+s29+$0x0] =	vst.idx.add.f32.msk vm3, v2;
	s2 =	sshrl.u32 s2, $0x3  }
0x497: {  	s2 =	sadd.s32 s1, s2;
	[tilespmem:v15+s29+$0x0] =	vst.idx.add.f32.msk vm2, v2  }
0x498: {  	[tilespmem:s3], [sflag:$0x1] =	stream.linear.gather [hbm4b:s2+s3], $0x400, $0x38;
	[tilespmem:$0x1FC00] =	vst v63  }
0x499: {  	_ =	swait.ge [sflag:s30], $0x400  }
0x49a: {  	[sflag:s30] =	ssyncset.done $0x0  }
0x49b: {  	s31 =	simm.s32 $0x440;
	[sflag:s30] =	ssyncadd.s32 $0xFFFFFC00  }
0x49c: {  	v10 =	vld [tilespmem:s31+$0x30]  }
0x49d: {  	v11 =	vld [tilespmem:s31+$0xFFFFFFD0]  }
0x49e: {  	v12 =	vld [tilespmem:s31+$0xFFFFFFE0]  }
0x49f: {  	v14 =	vld [tilespmem:s31+$0x0]  }
0x4a0: {  	v15 =	vld [tilespmem:s31+$0x10]  }
0x4a1: {  	v16 =	vld [tilespmem:s31+$0x20];
	_ =	sdelay $0x1  }
0x4a2: {  	v13 =	vld [tilespmem:s31+$0xFFFFFFF0]  }
0x4a3: {  	v10 =	vadd.s32 $0xFFFFFFFF, v10  }
0x4a4: {  	v11 =	vadd.s32 $0xFFFFFFFF, v11;
	v12 =	vadd.s32 $0xFFFFFFFF, v12;
	v20 =	vadd.s32 $0xFFFFFFFF, v14  }
0x4a5: {  	v17 =	vld [tilespmem:s31+$0xFFFFFFC0];
	v22 =	vadd.s32 $0xFFFFFFFF, v15;
	v16 =	vadd.s32 $0xFFFFFFFF, v16;
	vm2 =	vlt.u32 v10, $0x1F0  }
0x4a6: {  	v10 =	vshll.u32 v10, $0x7;
	v18 =	vshll.u32 v11, $0x7;
	vm3 =	vlt.u32 v11, $0x1F0  }
0x4a7: {  	v11 =	vadd.s32 $0xFFFFFFFF, v13;
	vm0 =	vlt.u32 v12, $0x1F0;
	v19 =	vor.u32 v9, v10  }
0x4a8: {  	v21 =	vshll.u32 v20, $0x7;
	v23 =	vshll.u32 v22, $0x7;
	v18 =	vor.u32 v3, v18  }
0x4a9: {  	v15 =	vshll.u32 v16, $0x7;
	v10 =	vshll.u32 v12, $0x7;
	v13 =	vshll.u32 v11, $0x7  }
0x4aa: {  	v12 =	vadd.s32 $0xFFFFFFFF, v17;
	vm1 =	vlt.u32 v11, $0x1F0;
	v10 =	vor.u32 v4, v10  }
0x4ab: {  	vm5 =	vlt.u32 v12, $0x1F0;
	v11 =	vshll.u32 v12, $0x7;
	v12 =	vor.u32 v5, v13  }
0x4ac: {  	vm4 =	vlt.u32 v20, $0x1F0;
	v13 =	vor.u32 v6, v21;
	v14 =	vor.u32 v0, v11;
	[tilespmem:v19+s29+$0x0] =	vst.idx.add.f32.msk vm2, v2  }
0x4ad: {  	s7 =	simm.s32 $0x0;
	s2 =	simm.s32 $0x4C0;
	v11 =	vor.u32 v7, v23;
	[tilespmem:v18+s29+$0x0] =	vst.idx.add.f32.msk vm3, v2;
	vm3 =	vlt.u32 v22, $0x1F0;
	vm2 =	vlt.u32 v16, $0x1F0  }
.LBB2_81:
0x4ae: {  	v16 =	vld [tilespmem:s2+$0x30];
	s7 =	sadd.s32 $0x8, s7;
	v17 =	vor.u32 v8, v15  }
0x4af: {  	v15 =	vld [tilespmem:s2+$0xFFFFFFD0];
	p0 =	slt.u32 s7, $0x38  }
0x4b0: {  	v18 =	vld [tilespmem:s2+$0xFFFFFFE0]  }
0x4b1: {  	v19 =	vld [tilespmem:s2+$0xFFFFFFF0]  }
0x4b2: {  	v20 =	vld [tilespmem:s2+$0x0]  }
0x4b3: {  	v21 =	vld [tilespmem:s2+$0x10];
	v16 =	vadd.s32 $0xFFFFFFFF, v16  }
0x4b4: {  	v15 =	vadd.s32 $0xFFFFFFFF, v15;
	v22 =	vld [tilespmem:s2+$0x20];
	vm6 =	vlt.u32 v16, $0x1F0;
	v16 =	vshll.u32 v16, $0x7  }
0x4b5: {  	v23 =	vld [tilespmem:s2+$0xFFFFFFC0];
	v24 =	vshll.u32 v15, $0x7;
	v18 =	vadd.s32 $0xFFFFFFFF, v18;
	v16 =	vor.u32 v9, v16  }
0x4b6: {  	vm7 =	vlt.u32 v15, $0x1F0;
	v15 =	vshll.u32 v18, $0x7;
	v19 =	vadd.s32 $0xFFFFFFFF, v19;
	[tilespmem:v14+s29+$0x0] =	vst.idx.add.f32.msk vm5, v2  }
0x4b7: {  	v24 =	vor.u32 v3, v24;
	v14 =	vshll.u32 v19, $0x7;
	v20 =	vadd.s32 $0xFFFFFFFF, v20;
	[tilespmem:v10+s29+$0x0] =	vst.idx.add.f32.msk vm0, v2  }
0x4b8: {  	vm0 =	vlt.u32 v18, $0x1F0;
	v18 =	vshll.u32 v20, $0x7;
	v21 =	vadd.s32 $0xFFFFFFFF, v21;
	[tilespmem:v12+s29+$0x0] =	vst.idx.add.f32.msk vm1, v2  }
.Ltmp39:
0x4b9: {  	v10 =	vor.u32 v4, v15;
	v25 =	vshll.u32 v21, $0x7;
	v22 =	vadd.s32 $0xFFFFFFFF, v22;
	[tilespmem:v13+s29+$0x0] =	vst.idx.add.f32.msk vm4, v2;
	(pc) =	sbr.rel @p0 .LBB2_81-.Ltmp39, $4  }
0x4ba: {  	vm1 =	vlt.u32 v19, $0x1F0;
	v12 =	vadd.s32 $0xFFFFFFFF, v23;
	v15 =	vshll.u32 v22, $0x7;
	[tilespmem:v16+s29+$0x0] =	vst.idx.add.f32.msk vm6, v2  }
0x4bb: {  	vm5 =	vlt.u32 v12, $0x1F0;
	v13 =	vshll.u32 v12, $0x7;
	v12 =	vor.u32 v5, v14;
	[tilespmem:v11+s29+$0x0] =	vst.idx.add.f32.msk vm3, v2  }
0x4bc: {  	vm4 =	vlt.u32 v20, $0x1F0;
	v14 =	vor.u32 v0, v13;
	[tilespmem:v24+s29+$0x0] =	vst.idx.add.f32.msk vm7, v2;
	v13 =	vor.u32 v6, v18  }
0x4bd: {  	s2 =	sadd.s32 $0x80, s2;
	vm3 =	vlt.u32 v21, $0x1F0;
	v11 =	vor.u32 v7, v25;
	[tilespmem:v17+s29+$0x0] =	vst.idx.add.f32.msk vm2, v2;
	vm2 =	vlt.u32 v22, $0x1F0  }
0x4be: {  	_ =	sdelay $0x3  }
0x4bf: {  	s25 =	sadd.s32 $0x1, s25  }
0x4c0: {  	v15 =	vor.u32 v8, v15;
	[tilespmem:v14+s29+$0x0] =	vst.idx.add.f32.msk vm5, v2;
	p0 =	sne.s32 s25, $0xC  }
.Ltmp40:
0x4c1: {  	[tilespmem:v10+s29+$0x0] =	vst.idx.add.f32.msk vm0, v2;
	(pc) =	sbr.rel @p0 .LBB2_78-.Ltmp40, $4  }
0x4c2: {  	[tilespmem:v12+s29+$0x0] =	vst.idx.add.f32.msk vm1, v2  }
0x4c3: {  	[tilespmem:v13+s29+$0x0] =	vst.idx.add.f32.msk vm4, v2  }
0x4c4: {  	[tilespmem:v11+s29+$0x0] =	vst.idx.add.f32.msk vm3, v2  }
0x4c5: {  	[tilespmem:v15+s29+$0x0] =	vst.idx.add.f32.msk vm2, v2  }
0x4c6: {  	_ =	swait.ge [sflag:s28], $0x400  }
0x4c7: {  	[sflag:s28] =	ssyncset.done $0x0  }
0x4c8: {  	s2 =	simm.s32 $0x40;
	[sflag:s28] =	ssyncadd.s32 $0xFFFFFC00  }
0x4c9: {  	v10 =	vld [tilespmem:s2+$0x30]  }
0x4ca: {  	v11 =	vld [tilespmem:s2+$0xFFFFFFD0]  }
0x4cb: {  	v12 =	vld [tilespmem:s2+$0xFFFFFFE0]  }
0x4cc: {  	v14 =	vld [tilespmem:s2+$0x0]  }
0x4cd: {  	v15 =	vld [tilespmem:s2+$0x10]  }
0x4ce: {  	v16 =	vld [tilespmem:s2+$0x20]  }
0x4cf: {  	v17 =	vld [tilespmem:s2+$0xFFFFFFC0];
	_ =	sdelay $0x1  }
0x4d0: {  	v13 =	vld [tilespmem:s2+$0xFFFFFFF0]  }
0x4d1: {  	v10 =	vadd.s32 $0xFFFFFFFF, v10  }
0x4d2: {  	v11 =	vadd.s32 $0xFFFFFFFF, v11;
	v12 =	vadd.s32 $0xFFFFFFFF, v12;
	v20 =	vadd.s32 $0xFFFFFFFF, v14  }
0x4d3: {  	v21 =	vadd.s32 $0xFFFFFFFF, v15;
	v16 =	vadd.s32 $0xFFFFFFFF, v16;
	v14 =	vadd.s32 $0xFFFFFFFF, v17  }
0x4d4: {  	vm2 =	vlt.u32 v10, $0x1F0;
	v10 =	vshll.u32 v10, $0x7;
	v18 =	vshll.u32 v11, $0x7  }
0x4d5: {  	vm3 =	vlt.u32 v11, $0x1F0;
	v11 =	vadd.s32 $0xFFFFFFFF, v13;
	v19 =	vor.u32 v9, v10  }
0x4d6: {  	vm0 =	vlt.u32 v12, $0x1F0;
	v22 =	vshll.u32 v21, $0x7;
	v18 =	vor.u32 v3, v18  }
0x4d7: {  	v15 =	vshll.u32 v16, $0x7;
	vm5 =	vlt.u32 v14, $0x1F0;
	v14 =	vshll.u32 v14, $0x7  }
0x4d8: {  	vm4 =	vlt.u32 v20, $0x1F0;
	v10 =	vshll.u32 v12, $0x7;
	v13 =	vshll.u32 v11, $0x7  }
0x4d9: {  	v12 =	vshll.u32 v20, $0x7;
	v14 =	vor.u32 v0, v14;
	v10 =	vor.u32 v4, v10  }
0x4da: {  	vm1 =	vlt.u32 v11, $0x1F0;
	v11 =	vor.u32 v5, v13;
	v13 =	vor.u32 v6, v12;
	[tilespmem:v19+s29+$0x0] =	vst.idx.add.f32.msk vm2, v2  }
0x4db: {  	s7 =	simm.s32 $0x0;
	s2 =	simm.s32 $0xC0;
	v12 =	vor.u32 v7, v22;
	[tilespmem:v18+s29+$0x0] =	vst.idx.add.f32.msk vm3, v2;
	vm3 =	vlt.u32 v21, $0x1F0;
	vm2 =	vlt.u32 v16, $0x1F0  }
.LBB2_84:
0x4dc: {  	v16 =	vld [tilespmem:s2+$0x30];
	s7 =	sadd.s32 $0x8, s7;
	v17 =	vor.u32 v8, v15  }
0x4dd: {  	v15 =	vld [tilespmem:s2+$0xFFFFFFD0];
	p0 =	slt.u32 s7, $0x38  }
0x4de: {  	v18 =	vld [tilespmem:s2+$0xFFFFFFE0]  }
0x4df: {  	v19 =	vld [tilespmem:s2+$0xFFFFFFF0]  }
0x4e0: {  	v20 =	vld [tilespmem:s2+$0x0]  }
0x4e1: {  	v21 =	vld [tilespmem:s2+$0x10];
	v16 =	vadd.s32 $0xFFFFFFFF, v16  }
0x4e2: {  	v15 =	vadd.s32 $0xFFFFFFFF, v15;
	v22 =	vld [tilespmem:s2+$0x20];
	vm6 =	vlt.u32 v16, $0x1F0;
	v16 =	vshll.u32 v16, $0x7  }
0x4e3: {  	v23 =	vld [tilespmem:s2+$0xFFFFFFC0];
	v24 =	vshll.u32 v15, $0x7;
	v18 =	vadd.s32 $0xFFFFFFFF, v18;
	v16 =	vor.u32 v9, v16  }
0x4e4: {  	vm7 =	vlt.u32 v15, $0x1F0;
	v15 =	vshll.u32 v18, $0x7;
	v19 =	vadd.s32 $0xFFFFFFFF, v19;
	[tilespmem:v14+s29+$0x0] =	vst.idx.add.f32.msk vm5, v2  }
0x4e5: {  	v24 =	vor.u32 v3, v24;
	v14 =	vshll.u32 v19, $0x7;
	v20 =	vadd.s32 $0xFFFFFFFF, v20;
	[tilespmem:v10+s29+$0x0] =	vst.idx.add.f32.msk vm0, v2  }
0x4e6: {  	vm0 =	vlt.u32 v18, $0x1F0;
	v18 =	vshll.u32 v20, $0x7;
	v21 =	vadd.s32 $0xFFFFFFFF, v21;
	[tilespmem:v11+s29+$0x0] =	vst.idx.add.f32.msk vm1, v2  }
.Ltmp41:
0x4e7: {  	v10 =	vor.u32 v4, v15;
	v25 =	vshll.u32 v21, $0x7;
	v22 =	vadd.s32 $0xFFFFFFFF, v22;
	[tilespmem:v13+s29+$0x0] =	vst.idx.add.f32.msk vm4, v2;
	(pc) =	sbr.rel @p0 .LBB2_84-.Ltmp41, $4  }
0x4e8: {  	vm1 =	vlt.u32 v19, $0x1F0;
	v11 =	vadd.s32 $0xFFFFFFFF, v23;
	v15 =	vshll.u32 v22, $0x7;
	[tilespmem:v16+s29+$0x0] =	vst.idx.add.f32.msk vm6, v2  }
0x4e9: {  	vm5 =	vlt.u32 v11, $0x1F0;
	v13 =	vshll.u32 v11, $0x7;
	v11 =	vor.u32 v5, v14;
	[tilespmem:v12+s29+$0x0] =	vst.idx.add.f32.msk vm3, v2  }
0x4ea: {  	vm4 =	vlt.u32 v20, $0x1F0;
	v14 =	vor.u32 v0, v13;
	[tilespmem:v24+s29+$0x0] =	vst.idx.add.f32.msk vm7, v2;
	v13 =	vor.u32 v6, v18  }
0x4eb: {  	s2 =	sadd.s32 $0x80, s2;
	vm3 =	vlt.u32 v21, $0x1F0;
	v12 =	vor.u32 v7, v25;
	[tilespmem:v17+s29+$0x0] =	vst.idx.add.f32.msk vm2, v2;
	vm2 =	vlt.u32 v22, $0x1F0  }
0x4ec: {  	_ =	sdelay $0x4  }
0x4ed: {  	v15 =	vor.u32 v8, v15;
	[tilespmem:v14+s29+$0x0] =	vst.idx.add.f32.msk vm5, v2  }
0x4ee: {  	[tilespmem:v10+s29+$0x0] =	vst.idx.add.f32.msk vm0, v2  }
0x4ef: {  	[tilespmem:v11+s29+$0x0] =	vst.idx.add.f32.msk vm1, v2  }
0x4f0: {  	[tilespmem:v13+s29+$0x0] =	vst.idx.add.f32.msk vm4, v2  }
0x4f1: {  	[tilespmem:v12+s29+$0x0] =	vst.idx.add.f32.msk vm3, v2  }
0x4f2: {  	[tilespmem:v15+s29+$0x0] =	vst.idx.add.f32.msk vm2, v2  }
0x4f3: {  	s5 =	simm.s32 $0x20000;
	s2 =	rddreg [dreg:$0xd]  }
0x4f4: {  	[hbm4b:s2+s26] =	stream.strided.scatter [tilespmem:s29], [sflag:$0x3], $0xF800, s5, s26, $0x38;
	[tilespmem:$0x1FC00] =	vst v63  }
0x4f5: {  	_ =	swait.ge [sflag:s19], $0xFB80  }
0x4f6: {  	s21 =	simm.s32 $0xA0;
	[sflag:s19] =	ssyncset.done $0x0  }
0x4f7: {  	s24 =	simm.s32 $0x40;
	s2 =	sand.u32 $0x1FFE0, s21;
	[sflag:s19] =	ssyncadd.s32 $0xFFFF0480  }
0x4f8: {  	s25 =	simm.s32 $0x0;
	s5 =	sand.u32 $0x1FFC0, s24;
	[tilespmem:s2+$0x10000] =	vst v1  }
0x4f9: {  	s11 =	sand.u32 $0xFFC0, s25;
	[tilespmem:s5+$0x10000] =	vst v1  }
0x4fa: {  	[tilespmem:s11+$0x10000] =	vst v1  }
0x4fb: {  	[tilespmem:s11+$0x10010] =	vst v1  }
0x4fc: {  	s31 =	simm.s32 $0x50;
	s7 =	simm.s32 $0x60;
	[tilespmem:s11+$0x10020] =	vst v1  }
0x4fd: {  	s10 =	simm.s32 $0x0;
	s15 =	simm.s32 $0x70;
	s7 =	sand.u32 $0x1FFE0, s7;
	[tilespmem:s11+$0x10030] =	vst v1  }
0x4fe: {  	s16 =	simm.s32 $0x90;
	s2 =	simm.s32 $0xB0;
	s5 =	sand.u32 $0x1FFD0, s31;
	[tilespmem:s7+$0x10000] =	vst v1  }
0x4ff: {  	s20 =	sand.u32 $0x1FFF0, s15;
	s16 =	sand.u32 $0x1FFD0, s16;
	[tilespmem:s5+$0x10000] =	vst v1;
	s15 =	sand.u32 $0x1FFF0, s2  }
.LBB2_86:
0x500: {  	s7 =	simm.s32 $0xFB40;
	s25 =	simm.s32 $0x10040;
	[tilespmem:s20+$0x10000] =	vst v1;
	s2 =	sadd.s32 $0xC0, s2  }
0x501: {  	s10 =	sadd.s32 $0xC, s10;
	s5 =	sadd.s32 $0xFFFFFF90, s2;
	s20 =	sadd.s32 $0xFFFFFFF0, s2;
	[tilespmem:s11+$0x10080] =	vst v1  }
0x502: {  	s11 =	sadd.s32 $0xFFFFFFA0, s2;
	p0 =	slt.u32 s10, $0xFA8;
	s20 =	sand.u32 $0x1FFE0, s20;
	[tilespmem:s16+$0x10000] =	vst v1  }
0x503: {  	s21 =	sadd.s32 $0xFFFFFFC0, s2;
	s24 =	sadd.s32 $0xFFFFFFE0, s2;
	s16 =	sadd.s32 $0xFFFFFFB0, s2;
	[tilespmem:s20+$0x10000] =	vst v1  }
0x504: {  	s5 =	sand.u32 $0x1FFC0, s5;
	s31 =	sand.u32 $0x1FFD0, s11;
	s20 =	sadd.s32 $0xFFFFFF50, s2;
	[tilespmem:s15+$0x10000] =	vst v1  }
0x505: {  	s11 =	sand.u32 $0xFFC0, s20;
	s20 =	sand.u32 $0x1FFF0, s21;
	[tilespmem:s5+$0x10000] =	vst v1;
	s5 =	sand.u32 $0x1FFE0, s16  }
0x506: {  	s15 =	sand.u32 $0x1FFF0, s2;
	s16 =	sand.u32 $0x1FFD0, s24;
	[tilespmem:s11+$0x10000] =	vst v1  }
.Ltmp42:
0x507: {  	[tilespmem:s11+$0x10010] =	vst v1;
	(pc) =	sbr.rel @p0 .LBB2_86-.Ltmp42, $4  }
0x508: {  	[tilespmem:s11+$0x10020] =	vst v1  }
0x509: {  	[tilespmem:s11+$0x10030] =	vst v1  }
0x50a: {  	[tilespmem:s31+$0x10000] =	vst v1  }
0x50b: {  	[tilespmem:s5+$0x10000] =	vst v1  }
0x50c: {  	[tilespmem:s20+$0x10000] =	vst v1  }
0x50d: {  	[tilespmem:s11+$0x10080] =	vst v1  }
0x50e: {  	[tilespmem:s16+$0x10000] =	vst v1  }
0x50f: {  	[tilespmem:s15+$0x10000] =	vst v1  }
.LBB2_88:
0x510: {  	p0 =	sne.s32 s7, $0xFB70  }
.Ltmp43:
0x511: {  	_ = 	snop;
	(pc) =	sbr.rel @p0 .LBB2_88-.Ltmp43, $4  }
0x512: {  	_ = 	snop  }
0x513: {  	s2 =	sand.u32 $0x3FFFFF80, s7  }
0x514: {  	s2 =	sadd.s32 s2, s25  }
0x515: {  	s7 =	sadd.s32 $0x10, s7;
	s25 =	sadd.s32 $0x10, s25;
	[tilespmem:s2+$0x0] =	vst v1  }
0x516: {  	s25 =	simm.s32 $0x0;
	s2 =	rddreg [dreg:$0xc]  }
0x517: {  	[tilespmem:s25], [sflag:$0x1] =	stream.linear.gather [hbm4b:s2+s25], $0x400, $0x38;
	[tilespmem:$0x1FC00] =	vst v63  }
.LBB2_90:
0x518: {  	s7 =	sshll.u32 s25, $0x12  }
0x519: {  	s2 =	sor.u32 s18, s7  }
0x51a: {  	s2 =	sshrl.u32 s2, $0x3  }
0x51b: {  	s2 =	sadd.s32 s2, s1  }
0x51c: {  	s2 =	sadd.s32 $0x4000, s2  }
0x51d: {  	[tilespmem:s26], [sflag:$0x2] =	stream.linear.gather [hbm4b:s2+s3], $0x400, $0x38;
	[tilespmem:$0x1FC00] =	vst v63  }
0x51e: {  	_ =	swait.ge [sflag:s28], $0x400  }
0x51f: {  	[sflag:s28] =	ssyncset.done $0x0  }
0x520: {  	s31 =	simm.s32 $0x40;
	[sflag:s28] =	ssyncadd.s32 $0xFFFFFC00  }
0x521: {  	v10 =	vld [tilespmem:s31+$0x30]  }
0x522: {  	v11 =	vld [tilespmem:s31+$0xFFFFFFD0]  }
0x523: {  	v12 =	vld [tilespmem:s31+$0xFFFFFFE0]  }
0x524: {  	v14 =	vld [tilespmem:s31+$0x0]  }
0x525: {  	v15 =	vld [tilespmem:s31+$0x10]  }
0x526: {  	v16 =	vld [tilespmem:s31+$0x20];
	_ =	sdelay $0x1  }
0x527: {  	v13 =	vld [tilespmem:s31+$0xFFFFFFF0]  }
0x528: {  	v10 =	vadd.s32 $0xFFFFFE0F, v10  }
0x529: {  	v11 =	vadd.s32 $0xFFFFFE0F, v11;
	v12 =	vadd.s32 $0xFFFFFE0F, v12;
	v20 =	vadd.s32 $0xFFFFFE0F, v14  }
0x52a: {  	v17 =	vld [tilespmem:s31+$0xFFFFFFC0];
	v22 =	vadd.s32 $0xFFFFFE0F, v15;
	v16 =	vadd.s32 $0xFFFFFE0F, v16;
	vm2 =	vlt.u32 v10, $0x1F7  }
0x52b: {  	v10 =	vshll.u32 v10, $0x7;
	v18 =	vshll.u32 v11, $0x7;
	vm3 =	vlt.u32 v11, $0x1F7  }
0x52c: {  	v11 =	vadd.s32 $0xFFFFFE0F, v13;
	vm0 =	vlt.u32 v12, $0x1F7;
	v19 =	vor.u32 v9, v10  }
0x52d: {  	v21 =	vshll.u32 v20, $0x7;
	v23 =	vshll.u32 v22, $0x7;
	v18 =	vor.u32 v3, v18  }
0x52e: {  	v15 =	vshll.u32 v16, $0x7;
	v10 =	vshll.u32 v12, $0x7;
	v13 =	vshll.u32 v11, $0x7  }
0x52f: {  	v12 =	vadd.s32 $0xFFFFFE0F, v17;
	vm1 =	vlt.u32 v11, $0x1F7;
	v10 =	vor.u32 v4, v10  }
0x530: {  	vm5 =	vlt.u32 v12, $0x1F7;
	v11 =	vshll.u32 v12, $0x7;
	v12 =	vor.u32 v5, v13  }
0x531: {  	vm4 =	vlt.u32 v20, $0x1F7;
	v13 =	vor.u32 v6, v21;
	v14 =	vor.u32 v0, v11;
	[tilespmem:v19+s0+$0x0] =	vst.idx.add.f32.msk vm2, v2  }
0x532: {  	s10 =	simm.s32 $0x0;
	s2 =	simm.s32 $0xC0;
	v11 =	vor.u32 v7, v23;
	[tilespmem:v18+s0+$0x0] =	vst.idx.add.f32.msk vm3, v2;
	vm3 =	vlt.u32 v22, $0x1F7;
	vm2 =	vlt.u32 v16, $0x1F7  }
.LBB2_91:
0x533: {  	v16 =	vld [tilespmem:s2+$0x30];
	s10 =	sadd.s32 $0x8, s10;
	v17 =	vor.u32 v8, v15  }
0x534: {  	v15 =	vld [tilespmem:s2+$0xFFFFFFD0];
	p0 =	slt.u32 s10, $0x38  }
0x535: {  	v18 =	vld [tilespmem:s2+$0xFFFFFFE0]  }
0x536: {  	v19 =	vld [tilespmem:s2+$0xFFFFFFF0]  }
0x537: {  	v20 =	vld [tilespmem:s2+$0x0]  }
0x538: {  	v21 =	vld [tilespmem:s2+$0x10];
	v16 =	vadd.s32 $0xFFFFFE0F, v16  }
0x539: {  	v15 =	vadd.s32 $0xFFFFFE0F, v15;
	v22 =	vld [tilespmem:s2+$0x20];
	vm6 =	vlt.u32 v16, $0x1F7;
	v16 =	vshll.u32 v16, $0x7  }
0x53a: {  	v23 =	vld [tilespmem:s2+$0xFFFFFFC0];
	v24 =	vshll.u32 v15, $0x7;
	v18 =	vadd.s32 $0xFFFFFE0F, v18;
	v16 =	vor.u32 v9, v16  }
0x53b: {  	vm7 =	vlt.u32 v15, $0x1F7;
	v15 =	vshll.u32 v18, $0x7;
	v19 =	vadd.s32 $0xFFFFFE0F, v19;
	[tilespmem:v14+s0+$0x0] =	vst.idx.add.f32.msk vm5, v2  }
0x53c: {  	v24 =	vor.u32 v3, v24;
	v14 =	vshll.u32 v19, $0x7;
	v20 =	vadd.s32 $0xFFFFFE0F, v20;
	[tilespmem:v10+s0+$0x0] =	vst.idx.add.f32.msk vm0, v2  }
0x53d: {  	vm0 =	vlt.u32 v18, $0x1F7;
	v18 =	vshll.u32 v20, $0x7;
	v21 =	vadd.s32 $0xFFFFFE0F, v21;
	[tilespmem:v12+s0+$0x0] =	vst.idx.add.f32.msk vm1, v2  }
.Ltmp44:
0x53e: {  	v10 =	vor.u32 v4, v15;
	v25 =	vshll.u32 v21, $0x7;
	v22 =	vadd.s32 $0xFFFFFE0F, v22;
	[tilespmem:v13+s0+$0x0] =	vst.idx.add.f32.msk vm4, v2;
	(pc) =	sbr.rel @p0 .LBB2_91-.Ltmp44, $4  }
0x53f: {  	vm1 =	vlt.u32 v19, $0x1F7;
	v12 =	vadd.s32 $0xFFFFFE0F, v23;
	v15 =	vshll.u32 v22, $0x7;
	[tilespmem:v16+s0+$0x0] =	vst.idx.add.f32.msk vm6, v2  }
0x540: {  	vm5 =	vlt.u32 v12, $0x1F7;
	v13 =	vshll.u32 v12, $0x7;
	v12 =	vor.u32 v5, v14;
	[tilespmem:v11+s0+$0x0] =	vst.idx.add.f32.msk vm3, v2  }
0x541: {  	vm4 =	vlt.u32 v20, $0x1F7;
	v14 =	vor.u32 v0, v13;
	[tilespmem:v24+s0+$0x0] =	vst.idx.add.f32.msk vm7, v2;
	v13 =	vor.u32 v6, v18  }
0x542: {  	s2 =	sadd.s32 $0x80, s2;
	vm3 =	vlt.u32 v21, $0x1F7;
	v11 =	vor.u32 v7, v25;
	[tilespmem:v17+s0+$0x0] =	vst.idx.add.f32.msk vm2, v2;
	vm2 =	vlt.u32 v22, $0x1F7  }
0x543: {  	_ =	sdelay $0x4  }
0x544: {  	v15 =	vor.u32 v8, v15;
	[tilespmem:v14+s0+$0x0] =	vst.idx.add.f32.msk vm5, v2  }
0x545: {  	[tilespmem:v10+s0+$0x0] =	vst.idx.add.f32.msk vm0, v2  }
0x546: {  	[tilespmem:v12+s0+$0x0] =	vst.idx.add.f32.msk vm1, v2  }
0x547: {  	[tilespmem:v13+s0+$0x0] =	vst.idx.add.f32.msk vm4, v2;
	s2 =	sadd.s32 s22, s7  }
0x548: {  	[tilespmem:v11+s0+$0x0] =	vst.idx.add.f32.msk vm3, v2;
	s2 =	sshrl.u32 s2, $0x3  }
0x549: {  	s2 =	sadd.s32 s1, s2;
	[tilespmem:v15+s0+$0x0] =	vst.idx.add.f32.msk vm2, v2  }
0x54a: {  	[tilespmem:s3], [sflag:$0x1] =	stream.linear.gather [hbm4b:s2+s3], $0x400, $0x38;
	[tilespmem:$0x1FC00] =	vst v63  }
0x54b: {  	_ =	swait.ge [sflag:s30], $0x400  }
0x54c: {  	[sflag:s30] =	ssyncset.done $0x0  }
0x54d: {  	s31 =	simm.s32 $0x440;
	[sflag:s30] =	ssyncadd.s32 $0xFFFFFC00  }
0x54e: {  	v10 =	vld [tilespmem:s31+$0x30]  }
0x54f: {  	v11 =	vld [tilespmem:s31+$0xFFFFFFD0]  }
0x550: {  	v12 =	vld [tilespmem:s31+$0xFFFFFFE0]  }
0x551: {  	v14 =	vld [tilespmem:s31+$0x0]  }
0x552: {  	v15 =	vld [tilespmem:s31+$0x10]  }
0x553: {  	v16 =	vld [tilespmem:s31+$0x20];
	_ =	sdelay $0x1  }
0x554: {  	v13 =	vld [tilespmem:s31+$0xFFFFFFF0]  }
0x555: {  	v10 =	vadd.s32 $0xFFFFFE0F, v10  }
0x556: {  	v11 =	vadd.s32 $0xFFFFFE0F, v11;
	v12 =	vadd.s32 $0xFFFFFE0F, v12;
	v20 =	vadd.s32 $0xFFFFFE0F, v14  }
0x557: {  	v17 =	vld [tilespmem:s31+$0xFFFFFFC0];
	v22 =	vadd.s32 $0xFFFFFE0F, v15;
	v16 =	vadd.s32 $0xFFFFFE0F, v16;
	vm2 =	vlt.u32 v10, $0x1F7  }
0x558: {  	v10 =	vshll.u32 v10, $0x7;
	v18 =	vshll.u32 v11, $0x7;
	vm3 =	vlt.u32 v11, $0x1F7  }
0x559: {  	v11 =	vadd.s32 $0xFFFFFE0F, v13;
	vm0 =	vlt.u32 v12, $0x1F7;
	v19 =	vor.u32 v9, v10  }
0x55a: {  	v21 =	vshll.u32 v20, $0x7;
	v23 =	vshll.u32 v22, $0x7;
	v18 =	vor.u32 v3, v18  }
0x55b: {  	v15 =	vshll.u32 v16, $0x7;
	v10 =	vshll.u32 v12, $0x7;
	v13 =	vshll.u32 v11, $0x7  }
0x55c: {  	v12 =	vadd.s32 $0xFFFFFE0F, v17;
	vm1 =	vlt.u32 v11, $0x1F7;
	v10 =	vor.u32 v4, v10  }
0x55d: {  	vm5 =	vlt.u32 v12, $0x1F7;
	v11 =	vshll.u32 v12, $0x7;
	v12 =	vor.u32 v5, v13  }
0x55e: {  	vm4 =	vlt.u32 v20, $0x1F7;
	v13 =	vor.u32 v6, v21;
	v14 =	vor.u32 v0, v11;
	[tilespmem:v19+s0+$0x0] =	vst.idx.add.f32.msk vm2, v2  }
0x55f: {  	s7 =	simm.s32 $0x0;
	s2 =	simm.s32 $0x4C0;
	v11 =	vor.u32 v7, v23;
	[tilespmem:v18+s0+$0x0] =	vst.idx.add.f32.msk vm3, v2;
	vm3 =	vlt.u32 v22, $0x1F7;
	vm2 =	vlt.u32 v16, $0x1F7  }
.LBB2_93:
0x560: {  	v16 =	vld [tilespmem:s2+$0x30];
	s7 =	sadd.s32 $0x8, s7;
	v17 =	vor.u32 v8, v15  }
0x561: {  	v15 =	vld [tilespmem:s2+$0xFFFFFFD0];
	p0 =	slt.u32 s7, $0x38  }
0x562: {  	v18 =	vld [tilespmem:s2+$0xFFFFFFE0]  }
0x563: {  	v19 =	vld [tilespmem:s2+$0xFFFFFFF0]  }
0x564: {  	v20 =	vld [tilespmem:s2+$0x0]  }
0x565: {  	v21 =	vld [tilespmem:s2+$0x10];
	v16 =	vadd.s32 $0xFFFFFE0F, v16  }
0x566: {  	v15 =	vadd.s32 $0xFFFFFE0F, v15;
	v22 =	vld [tilespmem:s2+$0x20];
	vm6 =	vlt.u32 v16, $0x1F7;
	v16 =	vshll.u32 v16, $0x7  }
0x567: {  	v23 =	vld [tilespmem:s2+$0xFFFFFFC0];
	v24 =	vshll.u32 v15, $0x7;
	v18 =	vadd.s32 $0xFFFFFE0F, v18;
	v16 =	vor.u32 v9, v16  }
0x568: {  	vm7 =	vlt.u32 v15, $0x1F7;
	v15 =	vshll.u32 v18, $0x7;
	v19 =	vadd.s32 $0xFFFFFE0F, v19;
	[tilespmem:v14+s0+$0x0] =	vst.idx.add.f32.msk vm5, v2  }
0x569: {  	v24 =	vor.u32 v3, v24;
	v14 =	vshll.u32 v19, $0x7;
	v20 =	vadd.s32 $0xFFFFFE0F, v20;
	[tilespmem:v10+s0+$0x0] =	vst.idx.add.f32.msk vm0, v2  }
0x56a: {  	vm0 =	vlt.u32 v18, $0x1F7;
	v18 =	vshll.u32 v20, $0x7;
	v21 =	vadd.s32 $0xFFFFFE0F, v21;
	[tilespmem:v12+s0+$0x0] =	vst.idx.add.f32.msk vm1, v2  }
.Ltmp45:
0x56b: {  	v10 =	vor.u32 v4, v15;
	v25 =	vshll.u32 v21, $0x7;
	v22 =	vadd.s32 $0xFFFFFE0F, v22;
	[tilespmem:v13+s0+$0x0] =	vst.idx.add.f32.msk vm4, v2;
	(pc) =	sbr.rel @p0 .LBB2_93-.Ltmp45, $4  }
0x56c: {  	vm1 =	vlt.u32 v19, $0x1F7;
	v12 =	vadd.s32 $0xFFFFFE0F, v23;
	v15 =	vshll.u32 v22, $0x7;
	[tilespmem:v16+s0+$0x0] =	vst.idx.add.f32.msk vm6, v2  }
0x56d: {  	vm5 =	vlt.u32 v12, $0x1F7;
	v13 =	vshll.u32 v12, $0x7;
	v12 =	vor.u32 v5, v14;
	[tilespmem:v11+s0+$0x0] =	vst.idx.add.f32.msk vm3, v2  }
0x56e: {  	vm4 =	vlt.u32 v20, $0x1F7;
	v14 =	vor.u32 v0, v13;
	[tilespmem:v24+s0+$0x0] =	vst.idx.add.f32.msk vm7, v2;
	v13 =	vor.u32 v6, v18  }
0x56f: {  	s2 =	sadd.s32 $0x80, s2;
	vm3 =	vlt.u32 v21, $0x1F7;
	v11 =	vor.u32 v7, v25;
	[tilespmem:v17+s0+$0x0] =	vst.idx.add.f32.msk vm2, v2;
	vm2 =	vlt.u32 v22, $0x1F7  }
0x570: {  	_ =	sdelay $0x3  }
0x571: {  	s25 =	sadd.s32 $0x1, s25  }
0x572: {  	v15 =	vor.u32 v8, v15;
	[tilespmem:v14+s0+$0x0] =	vst.idx.add.f32.msk vm5, v2;
	p0 =	sne.s32 s25, $0xC  }
.Ltmp46:
0x573: {  	[tilespmem:v10+s0+$0x0] =	vst.idx.add.f32.msk vm0, v2;
	(pc) =	sbr.rel @p0 .LBB2_90-.Ltmp46, $4  }
0x574: {  	[tilespmem:v12+s0+$0x0] =	vst.idx.add.f32.msk vm1, v2  }
0x575: {  	[tilespmem:v13+s0+$0x0] =	vst.idx.add.f32.msk vm4, v2  }
0x576: {  	[tilespmem:v11+s0+$0x0] =	vst.idx.add.f32.msk vm3, v2  }
0x577: {  	[tilespmem:v15+s0+$0x0] =	vst.idx.add.f32.msk vm2, v2  }
0x578: {  	_ =	swait.ge [sflag:s28], $0x400  }
0x579: {  	[sflag:s28] =	ssyncset.done $0x0  }
0x57a: {  	s2 =	simm.s32 $0x40;
	[sflag:s28] =	ssyncadd.s32 $0xFFFFFC00  }
0x57b: {  	v10 =	vld [tilespmem:s2+$0x30]  }
0x57c: {  	v11 =	vld [tilespmem:s2+$0xFFFFFFD0]  }
0x57d: {  	v12 =	vld [tilespmem:s2+$0xFFFFFFE0]  }
0x57e: {  	v14 =	vld [tilespmem:s2+$0x0]  }
0x57f: {  	v15 =	vld [tilespmem:s2+$0x10]  }
0x580: {  	v16 =	vld [tilespmem:s2+$0x20]  }
0x581: {  	v17 =	vld [tilespmem:s2+$0xFFFFFFC0];
	_ =	sdelay $0x1  }
0x582: {  	v13 =	vld [tilespmem:s2+$0xFFFFFFF0]  }
0x583: {  	v10 =	vadd.s32 $0xFFFFFE0F, v10  }
0x584: {  	v11 =	vadd.s32 $0xFFFFFE0F, v11;
	v12 =	vadd.s32 $0xFFFFFE0F, v12;
	v20 =	vadd.s32 $0xFFFFFE0F, v14  }
0x585: {  	v21 =	vadd.s32 $0xFFFFFE0F, v15;
	v16 =	vadd.s32 $0xFFFFFE0F, v16;
	v14 =	vadd.s32 $0xFFFFFE0F, v17  }
0x586: {  	vm2 =	vlt.u32 v10, $0x1F7;
	v10 =	vshll.u32 v10, $0x7;
	v18 =	vshll.u32 v11, $0x7  }
0x587: {  	vm3 =	vlt.u32 v11, $0x1F7;
	v11 =	vadd.s32 $0xFFFFFE0F, v13;
	v19 =	vor.u32 v9, v10  }
0x588: {  	vm0 =	vlt.u32 v12, $0x1F7;
	v22 =	vshll.u32 v21, $0x7;
	v18 =	vor.u32 v3, v18  }
0x589: {  	v15 =	vshll.u32 v16, $0x7;
	vm5 =	vlt.u32 v14, $0x1F7;
	v14 =	vshll.u32 v14, $0x7  }
0x58a: {  	vm4 =	vlt.u32 v20, $0x1F7;
	v10 =	vshll.u32 v12, $0x7;
	v13 =	vshll.u32 v11, $0x7  }
0x58b: {  	v12 =	vshll.u32 v20, $0x7;
	v14 =	vor.u32 v0, v14;
	v10 =	vor.u32 v4, v10  }
0x58c: {  	vm1 =	vlt.u32 v11, $0x1F7;
	v11 =	vor.u32 v5, v13;
	v13 =	vor.u32 v6, v12;
	[tilespmem:v19+s0+$0x0] =	vst.idx.add.f32.msk vm2, v2  }
0x58d: {  	s7 =	simm.s32 $0x0;
	s2 =	simm.s32 $0xC0;
	v12 =	vor.u32 v7, v22;
	[tilespmem:v18+s0+$0x0] =	vst.idx.add.f32.msk vm3, v2;
	vm3 =	vlt.u32 v21, $0x1F7;
	vm2 =	vlt.u32 v16, $0x1F7  }
.LBB2_96:
0x58e: {  	v16 =	vld [tilespmem:s2+$0x30];
	s7 =	sadd.s32 $0x8, s7;
	v17 =	vor.u32 v8, v15  }
0x58f: {  	v15 =	vld [tilespmem:s2+$0xFFFFFFD0];
	p0 =	slt.u32 s7, $0x38  }
0x590: {  	v18 =	vld [tilespmem:s2+$0xFFFFFFE0]  }
0x591: {  	v19 =	vld [tilespmem:s2+$0xFFFFFFF0]  }
0x592: {  	v20 =	vld [tilespmem:s2+$0x0]  }
0x593: {  	v21 =	vld [tilespmem:s2+$0x10];
	v16 =	vadd.s32 $0xFFFFFE0F, v16  }
0x594: {  	v15 =	vadd.s32 $0xFFFFFE0F, v15;
	v22 =	vld [tilespmem:s2+$0x20];
	vm6 =	vlt.u32 v16, $0x1F7;
	v16 =	vshll.u32 v16, $0x7  }
0x595: {  	v23 =	vld [tilespmem:s2+$0xFFFFFFC0];
	v24 =	vshll.u32 v15, $0x7;
	v18 =	vadd.s32 $0xFFFFFE0F, v18;
	v16 =	vor.u32 v9, v16  }
0x596: {  	vm7 =	vlt.u32 v15, $0x1F7;
	v15 =	vshll.u32 v18, $0x7;
	v19 =	vadd.s32 $0xFFFFFE0F, v19;
	[tilespmem:v14+s0+$0x0] =	vst.idx.add.f32.msk vm5, v2  }
0x597: {  	v24 =	vor.u32 v3, v24;
	v14 =	vshll.u32 v19, $0x7;
	v20 =	vadd.s32 $0xFFFFFE0F, v20;
	[tilespmem:v10+s0+$0x0] =	vst.idx.add.f32.msk vm0, v2  }
0x598: {  	vm0 =	vlt.u32 v18, $0x1F7;
	v18 =	vshll.u32 v20, $0x7;
	v21 =	vadd.s32 $0xFFFFFE0F, v21;
	[tilespmem:v11+s0+$0x0] =	vst.idx.add.f32.msk vm1, v2  }
.Ltmp47:
0x599: {  	v10 =	vor.u32 v4, v15;
	v25 =	vshll.u32 v21, $0x7;
	v22 =	vadd.s32 $0xFFFFFE0F, v22;
	[tilespmem:v13+s0+$0x0] =	vst.idx.add.f32.msk vm4, v2;
	(pc) =	sbr.rel @p0 .LBB2_96-.Ltmp47, $4  }
0x59a: {  	vm1 =	vlt.u32 v19, $0x1F7;
	v11 =	vadd.s32 $0xFFFFFE0F, v23;
	v15 =	vshll.u32 v22, $0x7;
	[tilespmem:v16+s0+$0x0] =	vst.idx.add.f32.msk vm6, v2  }
0x59b: {  	vm5 =	vlt.u32 v11, $0x1F7;
	v13 =	vshll.u32 v11, $0x7;
	v11 =	vor.u32 v5, v14;
	[tilespmem:v12+s0+$0x0] =	vst.idx.add.f32.msk vm3, v2  }
0x59c: {  	vm4 =	vlt.u32 v20, $0x1F7;
	v14 =	vor.u32 v0, v13;
	[tilespmem:v24+s0+$0x0] =	vst.idx.add.f32.msk vm7, v2;
	v13 =	vor.u32 v6, v18  }
0x59d: {  	s2 =	sadd.s32 $0x80, s2;
	vm3 =	vlt.u32 v21, $0x1F7;
	v12 =	vor.u32 v7, v25;
	[tilespmem:v17+s0+$0x0] =	vst.idx.add.f32.msk vm2, v2;
	vm2 =	vlt.u32 v22, $0x1F7  }
0x59e: {  	_ =	sdelay $0x4  }
0x59f: {  	v15 =	vor.u32 v8, v15;
	[tilespmem:v14+s0+$0x0] =	vst.idx.add.f32.msk vm5, v2  }
0x5a0: {  	[tilespmem:v10+s0+$0x0] =	vst.idx.add.f32.msk vm0, v2  }
0x5a1: {  	[tilespmem:v11+s0+$0x0] =	vst.idx.add.f32.msk vm1, v2  }
0x5a2: {  	[tilespmem:v13+s0+$0x0] =	vst.idx.add.f32.msk vm4, v2  }
0x5a3: {  	[tilespmem:v12+s0+$0x0] =	vst.idx.add.f32.msk vm3, v2  }
0x5a4: {  	[tilespmem:v15+s0+$0x0] =	vst.idx.add.f32.msk vm2, v2  }
0x5a5: {  	s5 =	simm.s32 $0x20000;
	s2 =	rddreg [dreg:$0xe]  }
0x5a6: {  	[hbm4b:s2+s26] =	stream.strided.scatter [tilespmem:s0], [sflag:$0x4], $0xF800, s5, s26, $0x38;
	[tilespmem:$0x1FC00] =	vst v63  }
0x5a7: {  	s25 =	simm.s32 $0x1F800;
	s2 =	sadd.s32 $0xF8000, s2  }
0x5a8: {  	[hbm4b:s2+s3] =	stream.linear.scatter [tilespmem:s25], [sflag:$0x4], $0x380, $0x38;
	[tilespmem:$0x1FC00] =	vst v63  }
0x5a9: {  	_ =	swait.ge [sflag:s14], $0xF800  }
0x5aa: {  	[sflag:s14] =	ssyncset.done $0x0  }
0x5ab: {  	[sflag:s14] =	ssyncadd.s32 $0xFFFF0800  }
0x5ac: {  	_ =	swait.ge [sflag:s19], $0xFB80  }
0x5ad: {  	s23 =	sadd.s32 $0x1, s23;
	s31 =	rddreg [dreg:$0xf]  }
0x5ae: {  	p0 =	sne.s32 s23, s31  }
.Ltmp48:
0x5af: {  	_ = 	snop;
	(pc) =	sbr.rel @p0 .LBB2_1-.Ltmp48, $3  }
0x5b0: {  	_ =	sdelay $0x1  }
0x5b1: {  	[sflag:s19] =	ssyncset.done $0x0  }
0x5b2: {  	[sflag:s19] =	ssyncadd.s32 $0xFFFF0480  }
0x5b3: {  	_ =	sfence.sel $0x180000  }
0x5b4: {  	[bflag:$0x0] =	sbarrier.arrive $0xFFFF  }
0x5b5: {  	_ =	strace $0x90000047  }
0x5b6: {  	s0 =	stileid.u32;
	[bflag:$0x2] =	sbarrier.arrive $0xFFFF  }
0x5b7: {  	p0 =	sne.s32 s0, $0x0;
	s0 =	rddreg [dreg:$0x2]  }
0x5b8: {  	s0 =	sadd.s32 @!p0 $0x100000, s0  }
0x5b9: {  	[sflag:s0] =	ssyncadd.tile.s32 @!p0 $0x1;
	_ =	shalt  }
.Lfunc_end2:
_tile_overlayer_lowered:
.L_overlay_start_2:
0x5ba: {  	(tag) =	ssettag $0x2  }
0x5bb: {  	s0 =	rddreg [dreg:$0x0];
	s2 =	stileid.u32  }
0x5bc: {  	s1 =	rddreg [dreg:$0x1];
	p0 =	sne.s32 s2, $0x0  }
0x5bd: {  	s3 =	rddreg [dreg:$0x2];
	[bflag:$0x3] =	sbarrier.arrive $0xFFFF;
	s2 =	simm.s32 @!p0 $0x1C05  }
0x5be: {  	[timem:s3], [sflag:s2] =	dma.local @!p0 [hbm:s0], s1  }
0x5bf: {  	s0 =	simm.s32 @!p0 $0x5  }
0x5c0: {  	_ =	swait.ge @!p0 [sflag:s0], s1  }
0x5c1: {  	s1 =	ssub.s32 @!p0 $0x0, s1;
	[sflag:s0] =	ssyncset.done @!p0 $0x0  }
0x5c2: {  	[sflag:s0] =	ssyncadd.s32 @!p0 s1  }
0x5c3: {  	[bflag:$0x3] =	sbarrier.arrive $0xFFFF  }
0x5c4: {  	_ =	shalt  }

</sc_bundles>
